<compile_context>
chip_gen: v7x
topology: tpu7x:2x2x1
jax: 0.10.2.dev20260603
libtpu: 0.0.44.dev20260713+nightly
codegen_flags: <defaults>
</compile_context>

<pallas_src>
import functools

import jax
import jax.numpy as jnp
from jax import lax
from jax.experimental import pallas as pl
from jax.experimental.pallas import tpu as pltpu
from jax.experimental.pallas import tpu_sc as plsc

MAX_H = 64
MAX_W = 64

NC = 2
NS = 16
L = 16
NRING = 4

TCB = 80
BB = 8


def _tc_part(x, pos_table):
    B, H, W, C = x.shape
    WC = W * C
    x_r = x.reshape(B, H, WC)
    pt_r = pos_table.reshape(MAX_H, MAX_W * C)

    def body(x_ref, pt_ref, o_ref):
        o_ref[...] = x_ref[...] + pt_ref[:H, :WC][None, :, :]

    out = pl.pallas_call(
        body,
        grid=(TCB // BB,),
        in_specs=[
            pl.BlockSpec((BB, H, WC), lambda i: (i, 0, 0)),
            pl.BlockSpec((MAX_H, MAX_W * C), lambda i: (0, 0)),
        ],
        out_specs=pl.BlockSpec((BB, H, WC), lambda i: (i, 0, 0)),
        out_shape=jax.ShapeDtypeStruct((TCB, H, WC), x.dtype),
    )(x_r, pt_r)
    return out.reshape(TCB, H, W, C)


def _make_sc_part(B, H, W, C):
    scb = B - TCB
    mesh = plsc.VectorSubcoreMesh(core_axis_name="c", subcore_axis_name="s")

    @functools.partial(
        pl.kernel,
        mesh=mesh,
        out_type=jax.ShapeDtypeStruct((scb, H, W, C), jnp.float32),
        scratch_types=[
            pltpu.VMEM((W, C), jnp.float32),
            pltpu.VMEM((NRING, W, C), jnp.float32),
            pltpu.VMEM((NRING, W, C), jnp.float32),
        ]
        + [pltpu.SemaphoreType.DMA] * (2 * NRING),
    )
    def sc_kernel(x_hbm, pt_hbm, o_hbm, posb, in_b, out_b, *sems):
        in_sems = sems[:NRING]
        out_sems = sems[NRING:]
        h = lax.axis_index("s") * NC + lax.axis_index("c")

        pltpu.sync_copy(pt_hbm.at[pl.ds(h * MAX_W, W)], posb)

        def start_in(b, slot):
            pltpu.make_async_copy(
                x_hbm.at[TCB + b, h], in_b.at[slot], in_sems[slot]
            ).start()

        for s in range(NRING):
            start_in(s, s)

        def add_slab(slot):
            @plsc.parallel_loop(0, W, unroll=8)
            def _(r):
                for j in range(C // L):
                    out_b[slot, r, pl.ds(j * L, L)] = (
                        in_b[slot, r, pl.ds(j * L, L)] + posb[r, pl.ds(j * L, L)]
                    )

        def group(g, carry):
            for s in range(NRING):
                b = g * NRING + s
                pltpu.make_async_copy(
                    x_hbm.at[TCB + b, h], in_b.at[s], in_sems[s]
                ).wait()

                @pl.when(g >= 1)
                def _():
                    pltpu.make_async_copy(
                        out_b.at[s], o_hbm.at[b - NRING, h], out_sems[s]
                    ).wait()

                add_slab(s)

                pltpu.make_async_copy(
                    out_b.at[s], o_hbm.at[b, h], out_sems[s]
                ).start()

                @pl.when(b + NRING < scb)
                def _():
                    start_in(b + NRING, s)

            return carry

        lax.fori_loop(0, scb // NRING, group, 0)

        for s in range(NRING):
            pltpu.make_async_copy(
                out_b.at[s], o_hbm.at[0, h], out_sems[s]
            ).wait()

    return sc_kernel


def kernel(x, pos_table):
    B, H, W, C = x.shape
    tc_out = _tc_part(x, pos_table)
    sc_out = _make_sc_part(B, H, W, C)(x, pos_table)
    return jnp.concatenate([tc_out, sc_out], axis=0)

# --- scband reference (transcript-rebuilt; emitter-appended) ---
"""Pipeline reference for scband-position-embeddings-661424964249 (READ-ONLY COPY).

The authoritative reference and input builder live on the scoring server;
editing this copy changes nothing except your own understanding.
"""

import jax, jax.numpy as jnp
import numpy as np

MAX_H = 64
MAX_W = 64
DIM = 96
B, H, W = 128, 32, 32

def setup_inputs(seed: int = 0) -> dict:
    key = jax.random.key(seed)
    k1, k2 = jax.random.split(key)
    x = jax.random.normal(k1, (B, H, W, DIM), dtype=jnp.float32)
    pos_table = jax.random.normal(k2, (MAX_H * MAX_W, DIM), dtype=jnp.float32) * 0.02
    return {"x": x, "pos_table": pos_table}

def reference(x, pos_table):
    Bc, Hc, Wc, Cc = x.shape
    height_idxes = jnp.tile(jnp.arange(Hc)[:, None], (1, Wc))
    width_idxes = jnp.tile(jnp.arange(Wc)[None, :], (Hc, 1))
    idxes = height_idxes * MAX_W + width_idxes  # [H, W]
    pos = jnp.take(pos_table, idxes.reshape(-1), axis=0).reshape(Hc, Wc, Cc)
    return x + pos[None, :, :, :]

if __name__ == "__main__":
    import jax
    _d = setup_inputs()
    print(jax.jit(kernel)(*tuple(_d.values())))

</pallas_src>

<mosaic_0001>
#map = affine_map<(d0, d1) -> (0, 0, 0, 0)>
#map1 = affine_map<(d0, d1) -> (0, 0)>
module attributes {stable_mosaic.version = 14 : i64} {
  func.func @sc_kernel(%arg0: i32, %arg1: i32, %arg2: memref<128x32x32x96xf32, #tpu.memory_space<hbm>>, %arg3: memref<4096x96xf32, #tpu.memory_space<hbm>>, %arg4: memref<48x32x32x96xf32, #tpu.memory_space<hbm>>, %arg5: memref<32x96xf32, #tpu.memory_space<vmem>>, %arg6: memref<4x32x96xf32, #tpu.memory_space<vmem>>, %arg7: memref<4x32x96xf32, #tpu.memory_space<vmem>>, %arg8: memref<!tpu.dma_semaphore, #tpu.memory_space<semaphore_mem>>, %arg9: memref<!tpu.dma_semaphore, #tpu.memory_space<semaphore_mem>>, %arg10: memref<!tpu.dma_semaphore, #tpu.memory_space<semaphore_mem>>, %arg11: memref<!tpu.dma_semaphore, #tpu.memory_space<semaphore_mem>>, %arg12: memref<!tpu.dma_semaphore, #tpu.memory_space<semaphore_mem>>, %arg13: memref<!tpu.dma_semaphore, #tpu.memory_space<semaphore_mem>>, %arg14: memref<!tpu.dma_semaphore, #tpu.memory_space<semaphore_mem>>, %arg15: memref<!tpu.dma_semaphore, #tpu.memory_space<semaphore_mem>>) attributes {dimension_semantics = [#tpu.dimension_semantics<core_parallel>, #tpu.dimension_semantics<subcore_parallel>], iteration_bounds = array<i64: 2, 16>, scalar_prefetch = 0 : i64, scratch_operands = 11 : i64, tpu.core_type = #tpu.core_type<sc_vector_subcore>, window_params = [{transform_indices = #map}, {transform_indices = #map1}, {transform_indices = #map}]} {
    %mul3A = arith.constant 2 : i32
    %mul3A_0 = arith.muli %arg1, %mul3A : i32
    %add3A = arith.addi %mul3A_0, %arg0 : i32
    %mul3A_1 = arith.constant 64 : i32
    %mul3A_2 = arith.muli %add3A, %mul3A_1 : i32
    "tpu.region"() ({
      %run_scoped3A = tpu.sem_alloc : memref<!tpu.dma_semaphore, #tpu.memory_space<semaphore_mem>>
      %dma_start3A_150 = arith.constant 0 : i32
      %dma_start3A_151 = tpu.memref_slice %arg3[%mul3A_2, %dma_start3A_150] : memref<4096x96xf32, #tpu.memory_space<hbm>> -> memref<32x96xf32, #tpu.memory_space<hbm>>
      %dma_start3A_152 = arith.constant 0 : i32
      %dma_start3A_153 = tpu.memref_slice %arg3[%mul3A_2, %dma_start3A_152] : memref<4096x96xf32, #tpu.memory_space<hbm>> -> memref<32x96xf32, #tpu.memory_space<hbm>>
      tpu.enqueue_dma source(%dma_start3A_153 : memref<32x96xf32, #tpu.memory_space<hbm>>) target(%arg5 : memref<32x96xf32, #tpu.memory_space<vmem>>) target_semaphore(%run_scoped3A : memref<!tpu.dma_semaphore, #tpu.memory_space<semaphore_mem>>)
      %dma_wait3A_154 = arith.constant 0 : i32
      %dma_wait3A_155 = tpu.memref_slice %arg3[%mul3A_2, %dma_wait3A_154] : memref<4096x96xf32, #tpu.memory_space<hbm>> -> memref<32x96xf32, #tpu.memory_space<hbm>>
      %dma_wait3A_156 = arith.constant 0 : i32
      %dma_wait3A_157 = tpu.memref_slice %arg3[%mul3A_2, %dma_wait3A_156] : memref<4096x96xf32, #tpu.memory_space<hbm>> -> memref<32x96xf32, #tpu.memory_space<hbm>>
      tpu.wait_dma2 semaphore(%run_scoped3A : memref<!tpu.dma_semaphore, #tpu.memory_space<semaphore_mem>>) src(%dma_wait3A_157 : memref<32x96xf32, #tpu.memory_space<hbm>>) dst(%arg5 : memref<32x96xf32, #tpu.memory_space<vmem>>)
      tpu.yield
    }) : () -> ()
    %dma_start3A = arith.constant 80 : i32
    %dma_start3A_3 = arith.constant 0 : i32
    %dma_start3A_4 = arith.constant 0 : i32
    %dma_start3A_5 = arith.constant 0 : i32
    %dma_start3A_6 = tpu.memref_slice %arg6[%dma_start3A_3, %dma_start3A_4, %dma_start3A_5] : memref<4x32x96xf32, #tpu.memory_space<vmem>> -> memref<1x32x96xf32, #tpu.memory_space<vmem>>
    %dma_start3A_7 = tpu.memref_squeeze %dma_start3A_6 : memref<1x32x96xf32, #tpu.memory_space<vmem>> -> memref<32x96xf32, #tpu.memory_space<vmem>>
    %dma_start3A_8 = arith.constant 0 : i32
    %dma_start3A_9 = arith.constant 0 : i32
    %dma_start3A_10 = tpu.memref_slice %arg2[%dma_start3A, %add3A, %dma_start3A_8, %dma_start3A_9] : memref<128x32x32x96xf32, #tpu.memory_space<hbm>> -> memref<1x1x32x96xf32, #tpu.memory_space<hbm>>
    %dma_start3A_11 = tpu.memref_squeeze %dma_start3A_10 : memref<1x1x32x96xf32, #tpu.memory_space<hbm>> -> memref<32x96xf32, #tpu.memory_space<hbm>>
    %dma_start3A_12 = arith.constant 0 : i32
    %dma_start3A_13 = arith.constant 0 : i32
    %dma_start3A_14 = tpu.memref_slice %arg6[%dma_start3A_3, %dma_start3A_12, %dma_start3A_13] : memref<4x32x96xf32, #tpu.memory_space<vmem>> -> memref<1x32x96xf32, #tpu.memory_space<vmem>>
    %dma_start3A_15 = tpu.memref_squeeze %dma_start3A_14 : memref<1x32x96xf32, #tpu.memory_space<vmem>> -> memref<32x96xf32, #tpu.memory_space<vmem>>
    %dma_start3A_16 = arith.constant 0 : i32
    %dma_start3A_17 = arith.constant 0 : i32
    %dma_start3A_18 = tpu.memref_slice %arg2[%dma_start3A, %add3A, %dma_start3A_16, %dma_start3A_17] : memref<128x32x32x96xf32, #tpu.memory_space<hbm>> -> memref<1x1x32x96xf32, #tpu.memory_space<hbm>>
    %dma_start3A_19 = tpu.memref_squeeze %dma_start3A_18 : memref<1x1x32x96xf32, #tpu.memory_space<hbm>> -> memref<32x96xf32, #tpu.memory_space<hbm>>
    tpu.enqueue_dma source(%dma_start3A_19 : memref<32x96xf32, #tpu.memory_space<hbm>>) target(%dma_start3A_15 : memref<32x96xf32, #tpu.memory_space<vmem>>) target_semaphore(%arg8 : memref<!tpu.dma_semaphore, #tpu.memory_space<semaphore_mem>>)
    %dma_start3A_20 = arith.constant 81 : i32
    %dma_start3A_21 = arith.constant 1 : i32
    %dma_start3A_22 = arith.constant 0 : i32
    %dma_start3A_23 = arith.constant 0 : i32
    %dma_start3A_24 = tpu.memref_slice %arg6[%dma_start3A_21, %dma_start3A_22, %dma_start3A_23] : memref<4x32x96xf32, #tpu.memory_space<vmem>> -> memref<1x32x96xf32, #tpu.memory_space<vmem>>
    %dma_start3A_25 = tpu.memref_squeeze %dma_start3A_24 : memref<1x32x96xf32, #tpu.memory_space<vmem>> -> memref<32x96xf32, #tpu.memory_space<vmem>>
    %dma_start3A_26 = arith.constant 0 : i32
    %dma_start3A_27 = arith.constant 0 : i32
    %dma_start3A_28 = tpu.memref_slice %arg2[%dma_start3A_20, %add3A, %dma_start3A_26, %dma_start3A_27] : memref<128x32x32x96xf32, #tpu.memory_space<hbm>> -> memref<1x1x32x96xf32, #tpu.memory_space<hbm>>
    %dma_start3A_29 = tpu.memref_squeeze %dma_start3A_28 : memref<1x1x32x96xf32, #tpu.memory_space<hbm>> -> memref<32x96xf32, #tpu.memory_space<hbm>>
    %dma_start3A_30 = arith.constant 0 : i32
    %dma_start3A_31 = arith.constant 0 : i32
    %dma_start3A_32 = tpu.memref_slice %arg6[%dma_start3A_21, %dma_start3A_30, %dma_start3A_31] : memref<4x32x96xf32, #tpu.memory_space<vmem>> -> memref<1x32x96xf32, #tpu.memory_space<vmem>>
    %dma_start3A_33 = tpu.memref_squeeze %dma_start3A_32 : memref<1x32x96xf32, #tpu.memory_space<vmem>> -> memref<32x96xf32, #tpu.memory_space<vmem>>
    %dma_start3A_34 = arith.constant 0 : i32
    %dma_start3A_35 = arith.constant 0 : i32
    %dma_start3A_36 = tpu.memref_slice %arg2[%dma_start3A_20, %add3A, %dma_start3A_34, %dma_start3A_35] : memref<128x32x32x96xf32, #tpu.memory_space<hbm>> -> memref<1x1x32x96xf32, #tpu.memory_space<hbm>>
    %dma_start3A_37 = tpu.memref_squeeze %dma_start3A_36 : memref<1x1x32x96xf32, #tpu.memory_space<hbm>> -> memref<32x96xf32, #tpu.memory_space<hbm>>
    tpu.enqueue_dma source(%dma_start3A_37 : memref<32x96xf32, #tpu.memory_space<hbm>>) target(%dma_start3A_33 : memref<32x96xf32, #tpu.memory_space<vmem>>) target_semaphore(%arg9 : memref<!tpu.dma_semaphore, #tpu.memory_space<semaphore_mem>>)
    %dma_start3A_38 = arith.constant 82 : i32
    %dma_start3A_39 = arith.constant 2 : i32
    %dma_start3A_40 = arith.constant 0 : i32
    %dma_start3A_41 = arith.constant 0 : i32
    %dma_start3A_42 = tpu.memref_slice %arg6[%dma_start3A_39, %dma_start3A_40, %dma_start3A_41] : memref<4x32x96xf32, #tpu.memory_space<vmem>> -> memref<1x32x96xf32, #tpu.memory_space<vmem>>
    %dma_start3A_43 = tpu.memref_squeeze %dma_start3A_42 : memref<1x32x96xf32, #tpu.memory_space<vmem>> -> memref<32x96xf32, #tpu.memory_space<vmem>>
    %dma_start3A_44 = arith.constant 0 : i32
    %dma_start3A_45 = arith.constant 0 : i32
    %dma_start3A_46 = tpu.memref_slice %arg2[%dma_start3A_38, %add3A, %dma_start3A_44, %dma_start3A_45] : memref<128x32x32x96xf32, #tpu.memory_space<hbm>> -> memref<1x1x32x96xf32, #tpu.memory_space<hbm>>
    %dma_start3A_47 = tpu.memref_squeeze %dma_start3A_46 : memref<1x1x32x96xf32, #tpu.memory_space<hbm>> -> memref<32x96xf32, #tpu.memory_space<hbm>>
    %dma_start3A_48 = arith.constant 0 : i32
    %dma_start3A_49 = arith.constant 0 : i32
    %dma_start3A_50 = tpu.memref_slice %arg6[%dma_start3A_39, %dma_start3A_48, %dma_start3A_49] : memref<4x32x96xf32, #tpu.memory_space<vmem>> -> memref<1x32x96xf32, #tpu.memory_space<vmem>>
    %dma_start3A_51 = tpu.memref_squeeze %dma_start3A_50 : memref<1x32x96xf32, #tpu.memory_space<vmem>> -> memref<32x96xf32, #tpu.memory_space<vmem>>
    %dma_start3A_52 = arith.constant 0 : i32
    %dma_start3A_53 = arith.constant 0 : i32
    %dma_start3A_54 = tpu.memref_slice %arg2[%dma_start3A_38, %add3A, %dma_start3A_52, %dma_start3A_53] : memref<128x32x32x96xf32, #tpu.memory_space<hbm>> -> memref<1x1x32x96xf32, #tpu.memory_space<hbm>>
    %dma_start3A_55 = tpu.memref_squeeze %dma_start3A_54 : memref<1x1x32x96xf32, #tpu.memory_space<hbm>> -> memref<32x96xf32, #tpu.memory_space<hbm>>
    tpu.enqueue_dma source(%dma_start3A_55 : memref<32x96xf32, #tpu.memory_space<hbm>>) target(%dma_start3A_51 : memref<32x96xf32, #tpu.memory_space<vmem>>) target_semaphore(%arg10 : memref<!tpu.dma_semaphore, #tpu.memory_space<semaphore_mem>>)
    %dma_start3A_56 = arith.constant 83 : i32
    %dma_start3A_57 = arith.constant 3 : i32
    %dma_start3A_58 = arith.constant 0 : i32
    %dma_start3A_59 = arith.constant 0 : i32
    %dma_start3A_60 = tpu.memref_slice %arg6[%dma_start3A_57, %dma_start3A_58, %dma_start3A_59] : memref<4x32x96xf32, #tpu.memory_space<vmem>> -> memref<1x32x96xf32, #tpu.memory_space<vmem>>
    %dma_start3A_61 = tpu.memref_squeeze %dma_start3A_60 : memref<1x32x96xf32, #tpu.memory_space<vmem>> -> memref<32x96xf32, #tpu.memory_space<vmem>>
    %dma_start3A_62 = arith.constant 0 : i32
    %dma_start3A_63 = arith.constant 0 : i32
    %dma_start3A_64 = tpu.memref_slice %arg2[%dma_start3A_56, %add3A, %dma_start3A_62, %dma_start3A_63] : memref<128x32x32x96xf32, #tpu.memory_space<hbm>> -> memref<1x1x32x96xf32, #tpu.memory_space<hbm>>
    %dma_start3A_65 = tpu.memref_squeeze %dma_start3A_64 : memref<1x1x32x96xf32, #tpu.memory_space<hbm>> -> memref<32x96xf32, #tpu.memory_space<hbm>>
    %dma_start3A_66 = arith.constant 0 : i32
    %dma_start3A_67 = arith.constant 0 : i32
    %dma_start3A_68 = tpu.memref_slice %arg6[%dma_start3A_57, %dma_start3A_66, %dma_start3A_67] : memref<4x32x96xf32, #tpu.memory_space<vmem>> -> memref<1x32x96xf32, #tpu.memory_space<vmem>>
    %dma_start3A_69 = tpu.memref_squeeze %dma_start3A_68 : memref<1x32x96xf32, #tpu.memory_space<vmem>> -> memref<32x96xf32, #tpu.memory_space<vmem>>
    %dma_start3A_70 = arith.constant 0 : i32
    %dma_start3A_71 = arith.constant 0 : i32
    %dma_start3A_72 = tpu.memref_slice %arg2[%dma_start3A_56, %add3A, %dma_start3A_70, %dma_start3A_71] : memref<128x32x32x96xf32, #tpu.memory_space<hbm>> -> memref<1x1x32x96xf32, #tpu.memory_space<hbm>>
    %dma_start3A_73 = tpu.memref_squeeze %dma_start3A_72 : memref<1x1x32x96xf32, #tpu.memory_space<hbm>> -> memref<32x96xf32, #tpu.memory_space<hbm>>
    tpu.enqueue_dma source(%dma_start3A_73 : memref<32x96xf32, #tpu.memory_space<hbm>>) target(%dma_start3A_69 : memref<32x96xf32, #tpu.memory_space<vmem>>) target_semaphore(%arg11 : memref<!tpu.dma_semaphore, #tpu.memory_space<semaphore_mem>>)
    %scan3A = arith.constant 0 : i32
    %scan3A_74 = arith.constant 0 : i32
    %scan3A_75 = arith.constant 12 : i32
    %scan3A_76 = arith.addi %scan3A_74, %scan3A_75 : i32
    %scan3A_77 = arith.constant 1 : i32
    scf.for %scan3A_150 = %scan3A_74 to %scan3A_76 step %scan3A_77  : i32 {
      %mul3A_151 = arith.constant 4 : i32
      %mul3A_152 = arith.muli %scan3A_150, %mul3A_151 : i32
      %add3A_153 = arith.constant 0 : i32
      %add3A_154 = arith.addi %mul3A_152, %add3A_153 : i32
      %add3A_155 = arith.constant 80 : i32
      %add3A_156 = arith.addi %add3A_155, %add3A_154 : i32
      %dma_wait3A_157 = arith.constant 0 : i32
      %dma_wait3A_158 = arith.constant 0 : i32
      %dma_wait3A_159 = arith.constant 0 : i32
      %dma_wait3A_160 = tpu.memref_slice %arg6[%dma_wait3A_157, %dma_wait3A_158, %dma_wait3A_159] : memref<4x32x96xf32, #tpu.memory_space<vmem>> -> memref<1x32x96xf32, #tpu.memory_space<vmem>>
      %dma_wait3A_161 = tpu.memref_squeeze %dma_wait3A_160 : memref<1x32x96xf32, #tpu.memory_space<vmem>> -> memref<32x96xf32, #tpu.memory_space<vmem>>
      %dma_wait3A_162 = arith.constant 0 : i32
      %dma_wait3A_163 = arith.constant 0 : i32
      %dma_wait3A_164 = tpu.memref_slice %arg2[%add3A_156, %add3A, %dma_wait3A_162, %dma_wait3A_163] : memref<128x32x32x96xf32, #tpu.memory_space<hbm>> -> memref<1x1x32x96xf32, #tpu.memory_space<hbm>>
      %dma_wait3A_165 = tpu.memref_squeeze %dma_wait3A_164 : memref<1x1x32x96xf32, #tpu.memory_space<hbm>> -> memref<32x96xf32, #tpu.memory_space<hbm>>
      %dma_wait3A_166 = arith.constant 0 : i32
      %dma_wait3A_167 = arith.constant 0 : i32
      %dma_wait3A_168 = tpu.memref_slice %arg6[%dma_wait3A_157, %dma_wait3A_166, %dma_wait3A_167] : memref<4x32x96xf32, #tpu.memory_space<vmem>> -> memref<1x32x96xf32, #tpu.memory_space<vmem>>
      %dma_wait3A_169 = tpu.memref_squeeze %dma_wait3A_168 : memref<1x32x96xf32, #tpu.memory_space<vmem>> -> memref<32x96xf32, #tpu.memory_space<vmem>>
      %dma_wait3A_170 = arith.constant 0 : i32
      %dma_wait3A_171 = arith.constant 0 : i32
      %dma_wait3A_172 = tpu.memref_slice %arg2[%add3A_156, %add3A, %dma_wait3A_170, %dma_wait3A_171] : memref<128x32x32x96xf32, #tpu.memory_space<hbm>> -> memref<1x1x32x96xf32, #tpu.memory_space<hbm>>
      %dma_wait3A_173 = tpu.memref_squeeze %dma_wait3A_172 : memref<1x1x32x96xf32, #tpu.memory_space<hbm>> -> memref<32x96xf32, #tpu.memory_space<hbm>>
      tpu.wait_dma2 semaphore(%arg8 : memref<!tpu.dma_semaphore, #tpu.memory_space<semaphore_mem>>) src(%dma_wait3A_173 : memref<32x96xf32, #tpu.memory_space<hbm>>) dst(%dma_wait3A_169 : memref<32x96xf32, #tpu.memory_space<vmem>>)
      %ge3A = arith.constant 1 : i32
      %ge3A_174 = arith.cmpi sge, %scan3A_150, %ge3A : i32
      %convert_element_type3A = arith.extui %ge3A_174 : i1 to i32
      %cond3A = arith.constant 0 : i32
      %cond3A_175 = arith.cmpi ne, %convert_element_type3A, %cond3A : i32
      scf.if %cond3A_175 {
        %sub3A = arith.constant 4 : i32
        %sub3A_366 = arith.subi %add3A_154, %sub3A : i32
        %dma_wait3A_367 = arith.constant 0 : i32
        %dma_wait3A_368 = arith.constant 0 : i32
        %dma_wait3A_369 = arith.constant 0 : i32
        %dma_wait3A_370 = tpu.memref_slice %arg7[%dma_wait3A_367, %dma_wait3A_368, %dma_wait3A_369] : memref<4x32x96xf32, #tpu.memory_space<vmem>> -> memref<1x32x96xf32, #tpu.memory_space<vmem>>
        %dma_wait3A_371 = tpu.memref_squeeze %dma_wait3A_370 : memref<1x32x96xf32, #tpu.memory_space<vmem>> -> memref<32x96xf32, #tpu.memory_space<vmem>>
        %dma_wait3A_372 = arith.constant 0 : i32
        %dma_wait3A_373 = arith.constant 0 : i32
        %dma_wait3A_374 = tpu.memref_slice %arg4[%sub3A_366, %add3A, %dma_wait3A_372, %dma_wait3A_373] : memref<48x32x32x96xf32, #tpu.memory_space<hbm>> -> memref<1x1x32x96xf32, #tpu.memory_space<hbm>>
        %dma_wait3A_375 = tpu.memref_squeeze %dma_wait3A_374 : memref<1x1x32x96xf32, #tpu.memory_space<hbm>> -> memref<32x96xf32, #tpu.memory_space<hbm>>
        %dma_wait3A_376 = arith.constant 0 : i32
        %dma_wait3A_377 = arith.constant 0 : i32
        %dma_wait3A_378 = tpu.memref_slice %arg4[%sub3A_366, %add3A, %dma_wait3A_376, %dma_wait3A_377] : memref<48x32x32x96xf32, #tpu.memory_space<hbm>> -> memref<1x1x32x96xf32, #tpu.memory_space<hbm>>
        %dma_wait3A_379 = tpu.memref_squeeze %dma_wait3A_378 : memref<1x1x32x96xf32, #tpu.memory_space<hbm>> -> memref<32x96xf32, #tpu.memory_space<hbm>>
        %dma_wait3A_380 = arith.constant 0 : i32
        %dma_wait3A_381 = arith.constant 0 : i32
        %dma_wait3A_382 = tpu.memref_slice %arg7[%dma_wait3A_367, %dma_wait3A_380, %dma_wait3A_381] : memref<4x32x96xf32, #tpu.memory_space<vmem>> -> memref<1x32x96xf32, #tpu.memory_space<vmem>>
        %dma_wait3A_383 = tpu.memref_squeeze %dma_wait3A_382 : memref<1x32x96xf32, #tpu.memory_space<vmem>> -> memref<32x96xf32, #tpu.memory_space<vmem>>
        tpu.wait_dma2 semaphore(%arg12 : memref<!tpu.dma_semaphore, #tpu.memory_space<semaphore_mem>>) src(%dma_wait3A_383 : memref<32x96xf32, #tpu.memory_space<vmem>>) dst(%dma_wait3A_379 : memref<32x96xf32, #tpu.memory_space<hbm>>)
      } else {
      }
      %parallel_loop3A = arith.constant 0 : i32
      %parallel_loop3A_176 = arith.constant 32 : i32
      %parallel_loop3A_177 = arith.constant 1 : i32
      scf.for %parallel_loop3A_366 = %parallel_loop3A to %parallel_loop3A_176 step %parallel_loop3A_177  : i32 {
        %parallel_loop3A_367 = arith.constant 0 : i32
        %parallel_loop3A_368 = arith.index_cast %parallel_loop3A_367 : i32 to index
        %parallel_loop3A_369 = arith.index_cast %parallel_loop3A_366 : i32 to index
        %parallel_loop3A_370 = arith.constant 0 : index
        %parallel_loop3A_371 = tpu.vector_load %arg6[%parallel_loop3A_368, %parallel_loop3A_369, %parallel_loop3A_370] {strides = array<i32>} : memref<4x32x96xf32, #tpu.memory_space<vmem>>, vector<1x1x16xf32>,
        %parallel_loop3A_372 = vector.shape_cast %parallel_loop3A_371 : vector<1x1x16xf32> to vector<16xf32>
        %parallel_loop3A_373 = arith.index_cast %parallel_loop3A_366 : i32 to index
        %parallel_loop3A_374 = arith.constant 0 : index
        %parallel_loop3A_375 = tpu.vector_load %arg5[%parallel_loop3A_373, %parallel_loop3A_374] {strides = array<i32>} : memref<32x96xf32, #tpu.memory_space<vmem>>, vector<1x16xf32>,
        %parallel_loop3A_376 = vector.shape_cast %parallel_loop3A_375 : vector<1x16xf32> to vector<16xf32>
        %parallel_loop3A_377 = arith.addf %parallel_loop3A_372, %parallel_loop3A_376 : vector<16xf32>
        %parallel_loop3A_378 = arith.constant 0 : i32
        %parallel_loop3A_379 = arith.index_cast %parallel_loop3A_378 : i32 to index
        %parallel_loop3A_380 = arith.index_cast %parallel_loop3A_366 : i32 to index
        %parallel_loop3A_381 = arith.constant 0 : index
        %parallel_loop3A_382 = tpu.vector_load %arg7[%parallel_loop3A_379, %parallel_loop3A_380, %parallel_loop3A_381] {strides = array<i32>} : memref<4x32x96xf32, #tpu.memory_space<vmem>>, vector<1x1x16xf32>,
        %parallel_loop3A_383 = vector.shape_cast %parallel_loop3A_382 : vector<1x1x16xf32> to vector<16xf32>
        %parallel_loop3A_384 = vector.shape_cast %parallel_loop3A_377 : vector<16xf32> to vector<1x1x16xf32>
        tpu.vector_store %arg7[%parallel_loop3A_379, %parallel_loop3A_380, %parallel_loop3A_381], %parallel_loop3A_384 {strides = array<i32>} : memref<4x32x96xf32, #tpu.memory_space<vmem>>, vector<1x1x16xf32>,
        %parallel_loop3A_385 = arith.constant 0 : i32
        %parallel_loop3A_386 = arith.index_cast %parallel_loop3A_385 : i32 to index
        %parallel_loop3A_387 = arith.index_cast %parallel_loop3A_366 : i32 to index
        %parallel_loop3A_388 = arith.constant 16 : index
        %parallel_loop3A_389 = tpu.vector_load %arg6[%parallel_loop3A_386, %parallel_loop3A_387, %parallel_loop3A_388] {strides = array<i32>} : memref<4x32x96xf32, #tpu.memory_space<vmem>>, vector<1x1x16xf32>,
        %parallel_loop3A_390 = vector.shape_cast %parallel_loop3A_389 : vector<1x1x16xf32> to vector<16xf32>
        %parallel_loop3A_391 = arith.index_cast %parallel_loop3A_366 : i32 to index
        %parallel_loop3A_392 = arith.constant 16 : index
        %parallel_loop3A_393 = tpu.vector_load %arg5[%parallel_loop3A_391, %parallel_loop3A_392] {strides = array<i32>} : memref<32x96xf32, #tpu.memory_space<vmem>>, vector<1x16xf32>,
        %parallel_loop3A_394 = vector.shape_cast %parallel_loop3A_393 : vector<1x16xf32> to vector<16xf32>
        %parallel_loop3A_395 = arith.addf %parallel_loop3A_390, %parallel_loop3A_394 : vector<16xf32>
        %parallel_loop3A_396 = arith.constant 0 : i32
        %parallel_loop3A_397 = arith.index_cast %parallel_loop3A_396 : i32 to index
        %parallel_loop3A_398 = arith.index_cast %parallel_loop3A_366 : i32 to index
        %parallel_loop3A_399 = arith.constant 16 : index
        %parallel_loop3A_400 = tpu.vector_load %arg7[%parallel_loop3A_397, %parallel_loop3A_398, %parallel_loop3A_399] {strides = array<i32>} : memref<4x32x96xf32, #tpu.memory_space<vmem>>, vector<1x1x16xf32>,
        %parallel_loop3A_401 = vector.shape_cast %parallel_loop3A_400 : vector<1x1x16xf32> to vector<16xf32>
        %parallel_loop3A_402 = vector.shape_cast %parallel_loop3A_395 : vector<16xf32> to vector<1x1x16xf32>
        tpu.vector_store %arg7[%parallel_loop3A_397, %parallel_loop3A_398, %parallel_loop3A_399], %parallel_loop3A_402 {strides = array<i32>} : memref<4x32x96xf32, #tpu.memory_space<vmem>>, vector<1x1x16xf32>,
        %parallel_loop3A_403 = arith.constant 0 : i32
        %parallel_loop3A_404 = arith.index_cast %parallel_loop3A_403 : i32 to index
        %parallel_loop3A_405 = arith.index_cast %parallel_loop3A_366 : i32 to index
        %parallel_loop3A_406 = arith.constant 32 : index
        %parallel_loop3A_407 = tpu.vector_load %arg6[%parallel_loop3A_404, %parallel_loop3A_405, %parallel_loop3A_406] {strides = array<i32>} : memref<4x32x96xf32, #tpu.memory_space<vmem>>, vector<1x1x16xf32>,
        %parallel_loop3A_408 = vector.shape_cast %parallel_loop3A_407 : vector<1x1x16xf32> to vector<16xf32>
        %parallel_loop3A_409 = arith.index_cast %parallel_loop3A_366 : i32 to index
        %parallel_loop3A_410 = arith.constant 32 : index
        %parallel_loop3A_411 = tpu.vector_load %arg5[%parallel_loop3A_409, %parallel_loop3A_410] {strides = array<i32>} : memref<32x96xf32, #tpu.memory_space<vmem>>, vector<1x16xf32>,
        %parallel_loop3A_412 = vector.shape_cast %parallel_loop3A_411 : vector<1x16xf32> to vector<16xf32>
        %parallel_loop3A_413 = arith.addf %parallel_loop3A_408, %parallel_loop3A_412 : vector<16xf32>
        %parallel_loop3A_414 = arith.constant 0 : i32
        %parallel_loop3A_415 = arith.index_cast %parallel_loop3A_414 : i32 to index
        %parallel_loop3A_416 = arith.index_cast %parallel_loop3A_366 : i32 to index
        %parallel_loop3A_417 = arith.constant 32 : index
        %parallel_loop3A_418 = tpu.vector_load %arg7[%parallel_loop3A_415, %parallel_loop3A_416, %parallel_loop3A_417] {strides = array<i32>} : memref<4x32x96xf32, #tpu.memory_space<vmem>>, vector<1x1x16xf32>,
        %parallel_loop3A_419 = vector.shape_cast %parallel_loop3A_418 : vector<1x1x16xf32> to vector<16xf32>
        %parallel_loop3A_420 = vector.shape_cast %parallel_loop3A_413 : vector<16xf32> to vector<1x1x16xf32>
        tpu.vector_store %arg7[%parallel_loop3A_415, %parallel_loop3A_416, %parallel_loop3A_417], %parallel_loop3A_420 {strides = array<i32>} : memref<4x32x96xf32, #tpu.memory_space<vmem>>, vector<1x1x16xf32>,
        %parallel_loop3A_421 = arith.constant 0 : i32
        %parallel_loop3A_422 = arith.index_cast %parallel_loop3A_421 : i32 to index
        %parallel_loop3A_423 = arith.index_cast %parallel_loop3A_366 : i32 to index
        %parallel_loop3A_424 = arith.constant 48 : index
        %parallel_loop3A_425 = tpu.vector_load %arg6[%parallel_loop3A_422, %parallel_loop3A_423, %parallel_loop3A_424] {strides = array<i32>} : memref<4x32x96xf32, #tpu.memory_space<vmem>>, vector<1x1x16xf32>,
        %parallel_loop3A_426 = vector.shape_cast %parallel_loop3A_425 : vector<1x1x16xf32> to vector<16xf32>
        %parallel_loop3A_427 = arith.index_cast %parallel_loop3A_366 : i32 to index
        %parallel_loop3A_428 = arith.constant 48 : index
        %parallel_loop3A_429 = tpu.vector_load %arg5[%parallel_loop3A_427, %parallel_loop3A_428] {strides = array<i32>} : memref<32x96xf32, #tpu.memory_space<vmem>>, vector<1x16xf32>,
        %parallel_loop3A_430 = vector.shape_cast %parallel_loop3A_429 : vector<1x16xf32> to vector<16xf32>
        %parallel_loop3A_431 = arith.addf %parallel_loop3A_426, %parallel_loop3A_430 : vector<16xf32>
        %parallel_loop3A_432 = arith.constant 0 : i32
        %parallel_loop3A_433 = arith.index_cast %parallel_loop3A_432 : i32 to index
        %parallel_loop3A_434 = arith.index_cast %parallel_loop3A_366 : i32 to index
        %parallel_loop3A_435 = arith.constant 48 : index
        %parallel_loop3A_436 = tpu.vector_load %arg7[%parallel_loop3A_433, %parallel_loop3A_434, %parallel_loop3A_435] {strides = array<i32>} : memref<4x32x96xf32, #tpu.memory_space<vmem>>, vector<1x1x16xf32>,
        %parallel_loop3A_437 = vector.shape_cast %parallel_loop3A_436 : vector<1x1x16xf32> to vector<16xf32>
        %parallel_loop3A_438 = vector.shape_cast %parallel_loop3A_431 : vector<16xf32> to vector<1x1x16xf32>
        tpu.vector_store %arg7[%parallel_loop3A_433, %parallel_loop3A_434, %parallel_loop3A_435], %parallel_loop3A_438 {strides = array<i32>} : memref<4x32x96xf32, #tpu.memory_space<vmem>>, vector<1x1x16xf32>,
        %parallel_loop3A_439 = arith.constant 0 : i32
        %parallel_loop3A_440 = arith.index_cast %parallel_loop3A_439 : i32 to index
        %parallel_loop3A_441 = arith.index_cast %parallel_loop3A_366 : i32 to index
        %parallel_loop3A_442 = arith.constant 64 : index
        %parallel_loop3A_443 = tpu.vector_load %arg6[%parallel_loop3A_440, %parallel_loop3A_441, %parallel_loop3A_442] {strides = array<i32>} : memref<4x32x96xf32, #tpu.memory_space<vmem>>, vector<1x1x16xf32>,
        %parallel_loop3A_444 = vector.shape_cast %parallel_loop3A_443 : vector<1x1x16xf32> to vector<16xf32>
        %parallel_loop3A_445 = arith.index_cast %parallel_loop3A_366 : i32 to index
        %parallel_loop3A_446 = arith.constant 64 : index
        %parallel_loop3A_447 = tpu.vector_load %arg5[%parallel_loop3A_445, %parallel_loop3A_446] {strides = array<i32>} : memref<32x96xf32, #tpu.memory_space<vmem>>, vector<1x16xf32>,
        %parallel_loop3A_448 = vector.shape_cast %parallel_loop3A_447 : vector<1x16xf32> to vector<16xf32>
        %parallel_loop3A_449 = arith.addf %parallel_loop3A_444, %parallel_loop3A_448 : vector<16xf32>
        %parallel_loop3A_450 = arith.constant 0 : i32
        %parallel_loop3A_451 = arith.index_cast %parallel_loop3A_450 : i32 to index
        %parallel_loop3A_452 = arith.index_cast %parallel_loop3A_366 : i32 to index
        %parallel_loop3A_453 = arith.constant 64 : index
        %parallel_loop3A_454 = tpu.vector_load %arg7[%parallel_loop3A_451, %parallel_loop3A_452, %parallel_loop3A_453] {strides = array<i32>} : memref<4x32x96xf32, #tpu.memory_space<vmem>>, vector<1x1x16xf32>,
        %parallel_loop3A_455 = vector.shape_cast %parallel_loop3A_454 : vector<1x1x16xf32> to vector<16xf32>
        %parallel_loop3A_456 = vector.shape_cast %parallel_loop3A_449 : vector<16xf32> to vector<1x1x16xf32>
        tpu.vector_store %arg7[%parallel_loop3A_451, %parallel_loop3A_452, %parallel_loop3A_453], %parallel_loop3A_456 {strides = array<i32>} : memref<4x32x96xf32, #tpu.memory_space<vmem>>, vector<1x1x16xf32>,
        %parallel_loop3A_457 = arith.constant 0 : i32
        %parallel_loop3A_458 = arith.index_cast %parallel_loop3A_457 : i32 to index
        %parallel_loop3A_459 = arith.index_cast %parallel_loop3A_366 : i32 to index
        %parallel_loop3A_460 = arith.constant 80 : index
        %parallel_loop3A_461 = tpu.vector_load %arg6[%parallel_loop3A_458, %parallel_loop3A_459, %parallel_loop3A_460] {strides = array<i32>} : memref<4x32x96xf32, #tpu.memory_space<vmem>>, vector<1x1x16xf32>,
        %parallel_loop3A_462 = vector.shape_cast %parallel_loop3A_461 : vector<1x1x16xf32> to vector<16xf32>
        %parallel_loop3A_463 = arith.index_cast %parallel_loop3A_366 : i32 to index
        %parallel_loop3A_464 = arith.constant 80 : index
        %parallel_loop3A_465 = tpu.vector_load %arg5[%parallel_loop3A_463, %parallel_loop3A_464] {strides = array<i32>} : memref<32x96xf32, #tpu.memory_space<vmem>>, vector<1x16xf32>,
        %parallel_loop3A_466 = vector.shape_cast %parallel_loop3A_465 : vector<1x16xf32> to vector<16xf32>
        %parallel_loop3A_467 = arith.addf %parallel_loop3A_462, %parallel_loop3A_466 : vector<16xf32>
        %parallel_loop3A_468 = arith.constant 0 : i32
        %parallel_loop3A_469 = arith.index_cast %parallel_loop3A_468 : i32 to index
        %parallel_loop3A_470 = arith.index_cast %parallel_loop3A_366 : i32 to index
        %parallel_loop3A_471 = arith.constant 80 : index
        %parallel_loop3A_472 = tpu.vector_load %arg7[%parallel_loop3A_469, %parallel_loop3A_470, %parallel_loop3A_471] {strides = array<i32>} : memref<4x32x96xf32, #tpu.memory_space<vmem>>, vector<1x1x16xf32>,
        %parallel_loop3A_473 = vector.shape_cast %parallel_loop3A_472 : vector<1x1x16xf32> to vector<16xf32>
        %parallel_loop3A_474 = vector.shape_cast %parallel_loop3A_467 : vector<16xf32> to vector<1x1x16xf32>
        tpu.vector_store %arg7[%parallel_loop3A_469, %parallel_loop3A_470, %parallel_loop3A_471], %parallel_loop3A_474 {strides = array<i32>} : memref<4x32x96xf32, #tpu.memory_space<vmem>>, vector<1x1x16xf32>,
      } {sc.loop_unroll_factor = 8 : i64, sc.parallel_access}
      %dma_start3A_178 = arith.constant 0 : i32
      %dma_start3A_179 = arith.constant 0 : i32
      %dma_start3A_180 = arith.constant 0 : i32
      %dma_start3A_181 = tpu.memref_slice %arg7[%dma_start3A_178, %dma_start3A_179, %dma_start3A_180] : memref<4x32x96xf32, #tpu.memory_space<vmem>> -> memref<1x32x96xf32, #tpu.memory_space<vmem>>
      %dma_start3A_182 = tpu.memref_squeeze %dma_start3A_181 : memref<1x32x96xf32, #tpu.memory_space<vmem>> -> memref<32x96xf32, #tpu.memory_space<vmem>>
      %dma_start3A_183 = arith.constant 0 : i32
      %dma_start3A_184 = arith.constant 0 : i32
      %dma_start3A_185 = tpu.memref_slice %arg4[%add3A_154, %add3A, %dma_start3A_183, %dma_start3A_184] : memref<48x32x32x96xf32, #tpu.memory_space<hbm>> -> memref<1x1x32x96xf32, #tpu.memory_space<hbm>>
      %dma_start3A_186 = tpu.memref_squeeze %dma_start3A_185 : memref<1x1x32x96xf32, #tpu.memory_space<hbm>> -> memref<32x96xf32, #tpu.memory_space<hbm>>
      %dma_start3A_187 = arith.constant 0 : i32
      %dma_start3A_188 = arith.constant 0 : i32
      %dma_start3A_189 = tpu.memref_slice %arg4[%add3A_154, %add3A, %dma_start3A_187, %dma_start3A_188] : memref<48x32x32x96xf32, #tpu.memory_space<hbm>> -> memref<1x1x32x96xf32, #tpu.memory_space<hbm>>
      %dma_start3A_190 = tpu.memref_squeeze %dma_start3A_189 : memref<1x1x32x96xf32, #tpu.memory_space<hbm>> -> memref<32x96xf32, #tpu.memory_space<hbm>>
      %dma_start3A_191 = arith.constant 0 : i32
      %dma_start3A_192 = arith.constant 0 : i32
      %dma_start3A_193 = tpu.memref_slice %arg7[%dma_start3A_178, %dma_start3A_191, %dma_start3A_192] : memref<4x32x96xf32, #tpu.memory_space<vmem>> -> memref<1x32x96xf32, #tpu.memory_space<vmem>>
      %dma_start3A_194 = tpu.memref_squeeze %dma_start3A_193 : memref<1x32x96xf32, #tpu.memory_space<vmem>> -> memref<32x96xf32, #tpu.memory_space<vmem>>
      tpu.enqueue_dma source(%dma_start3A_194 : memref<32x96xf32, #tpu.memory_space<vmem>>) target(%dma_start3A_190 : memref<32x96xf32, #tpu.memory_space<hbm>>) target_semaphore(%arg12 : memref<!tpu.dma_semaphore, #tpu.memory_space<semaphore_mem>>)
      %add3A_195 = arith.constant 4 : i32
      %add3A_196 = arith.addi %add3A_154, %add3A_195 : i32
      %lt3A = arith.constant 48 : i32
      %lt3A_197 = arith.cmpi slt, %add3A_196, %lt3A : i32
      %convert_element_type3A_198 = arith.extui %lt3A_197 : i1 to i32
      %cond3A_199 = arith.constant 0 : i32
      %cond3A_200 = arith.cmpi ne, %convert_element_type3A_198, %cond3A_199 : i32
      scf.if %cond3A_200 {
        %add3A_366 = arith.constant 4 : i32
        %add3A_367 = arith.addi %add3A_154, %add3A_366 : i32
        %add3A_368 = arith.constant 80 : i32
        %add3A_369 = arith.addi %add3A_368, %add3A_367 : i32
        %dma_start3A_370 = arith.constant 0 : i32
        %dma_start3A_371 = arith.constant 0 : i32
        %dma_start3A_372 = arith.constant 0 : i32
        %dma_start3A_373 = tpu.memref_slice %arg6[%dma_start3A_370, %dma_start3A_371, %dma_start3A_372] : memref<4x32x96xf32, #tpu.memory_space<vmem>> -> memref<1x32x96xf32, #tpu.memory_space<vmem>>
        %dma_start3A_374 = tpu.memref_squeeze %dma_start3A_373 : memref<1x32x96xf32, #tpu.memory_space<vmem>> -> memref<32x96xf32, #tpu.memory_space<vmem>>
        %dma_start3A_375 = arith.constant 0 : i32
        %dma_start3A_376 = arith.constant 0 : i32
        %dma_start3A_377 = tpu.memref_slice %arg2[%add3A_369, %add3A, %dma_start3A_375, %dma_start3A_376] : memref<128x32x32x96xf32, #tpu.memory_space<hbm>> -> memref<1x1x32x96xf32, #tpu.memory_space<hbm>>
        %dma_start3A_378 = tpu.memref_squeeze %dma_start3A_377 : memref<1x1x32x96xf32, #tpu.memory_space<hbm>> -> memref<32x96xf32, #tpu.memory_space<hbm>>
        %dma_start3A_379 = arith.constant 0 : i32
        %dma_start3A_380 = arith.constant 0 : i32
        %dma_start3A_381 = tpu.memref_slice %arg6[%dma_start3A_370, %dma_start3A_379, %dma_start3A_380] : memref<4x32x96xf32, #tpu.memory_space<vmem>> -> memref<1x32x96xf32, #tpu.memory_space<vmem>>
        %dma_start3A_382 = tpu.memref_squeeze %dma_start3A_381 : memref<1x32x96xf32, #tpu.memory_space<vmem>> -> memref<32x96xf32, #tpu.memory_space<vmem>>
        %dma_start3A_383 = arith.constant 0 : i32
        %dma_start3A_384 = arith.constant 0 : i32
        %dma_start3A_385 = tpu.memref_slice %arg2[%add3A_369, %add3A, %dma_start3A_383, %dma_start3A_384] : memref<128x32x32x96xf32, #tpu.memory_space<hbm>> -> memref<1x1x32x96xf32, #tpu.memory_space<hbm>>
        %dma_start3A_386 = tpu.memref_squeeze %dma_start3A_385 : memref<1x1x32x96xf32, #tpu.memory_space<hbm>> -> memref<32x96xf32, #tpu.memory_space<hbm>>
        tpu.enqueue_dma source(%dma_start3A_386 : memref<32x96xf32, #tpu.memory_space<hbm>>) target(%dma_start3A_382 : memref<32x96xf32, #tpu.memory_space<vmem>>) target_semaphore(%arg8 : memref<!tpu.dma_semaphore, #tpu.memory_space<semaphore_mem>>)
      } else {
      }
      %mul3A_201 = arith.constant 4 : i32
      %mul3A_202 = arith.muli %scan3A_150, %mul3A_201 : i32
      %add3A_203 = arith.constant 1 : i32
      %add3A_204 = arith.addi %mul3A_202, %add3A_203 : i32
      %add3A_205 = arith.constant 80 : i32
      %add3A_206 = arith.addi %add3A_205, %add3A_204 : i32
      %dma_wait3A_207 = arith.constant 1 : i32
      %dma_wait3A_208 = arith.constant 0 : i32
      %dma_wait3A_209 = arith.constant 0 : i32
      %dma_wait3A_210 = tpu.memref_slice %arg6[%dma_wait3A_207, %dma_wait3A_208, %dma_wait3A_209] : memref<4x32x96xf32, #tpu.memory_space<vmem>> -> memref<1x32x96xf32, #tpu.memory_space<vmem>>
      %dma_wait3A_211 = tpu.memref_squeeze %dma_wait3A_210 : memref<1x32x96xf32, #tpu.memory_space<vmem>> -> memref<32x96xf32, #tpu.memory_space<vmem>>
      %dma_wait3A_212 = arith.constant 0 : i32
      %dma_wait3A_213 = arith.constant 0 : i32
      %dma_wait3A_214 = tpu.memref_slice %arg2[%add3A_206, %add3A, %dma_wait3A_212, %dma_wait3A_213] : memref<128x32x32x96xf32, #tpu.memory_space<hbm>> -> memref<1x1x32x96xf32, #tpu.memory_space<hbm>>
      %dma_wait3A_215 = tpu.memref_squeeze %dma_wait3A_214 : memref<1x1x32x96xf32, #tpu.memory_space<hbm>> -> memref<32x96xf32, #tpu.memory_space<hbm>>
      %dma_wait3A_216 = arith.constant 0 : i32
      %dma_wait3A_217 = arith.constant 0 : i32
      %dma_wait3A_218 = tpu.memref_slice %arg6[%dma_wait3A_207, %dma_wait3A_216, %dma_wait3A_217] : memref<4x32x96xf32, #tpu.memory_space<vmem>> -> memref<1x32x96xf32, #tpu.memory_space<vmem>>
      %dma_wait3A_219 = tpu.memref_squeeze %dma_wait3A_218 : memref<1x32x96xf32, #tpu.memory_space<vmem>> -> memref<32x96xf32, #tpu.memory_space<vmem>>
      %dma_wait3A_220 = arith.constant 0 : i32
      %dma_wait3A_221 = arith.constant 0 : i32
      %dma_wait3A_222 = tpu.memref_slice %arg2[%add3A_206, %add3A, %dma_wait3A_220, %dma_wait3A_221] : memref<128x32x32x96xf32, #tpu.memory_space<hbm>> -> memref<1x1x32x96xf32, #tpu.memory_space<hbm>>
      %dma_wait3A_223 = tpu.memref_squeeze %dma_wait3A_222 : memref<1x1x32x96xf32, #tpu.memory_space<hbm>> -> memref<32x96xf32, #tpu.memory_space<hbm>>
      tpu.wait_dma2 semaphore(%arg9 : memref<!tpu.dma_semaphore, #tpu.memory_space<semaphore_mem>>) src(%dma_wait3A_223 : memref<32x96xf32, #tpu.memory_space<hbm>>) dst(%dma_wait3A_219 : memref<32x96xf32, #tpu.memory_space<vmem>>)
      %ge3A_224 = arith.constant 1 : i32
      %ge3A_225 = arith.cmpi sge, %scan3A_150, %ge3A_224 : i32
      %convert_element_type3A_226 = arith.extui %ge3A_225 : i1 to i32
      %cond3A_227 = arith.constant 0 : i32
      %cond3A_228 = arith.cmpi ne, %convert_element_type3A_226, %cond3A_227 : i32
      scf.if %cond3A_228 {
        %sub3A = arith.constant 4 : i32
        %sub3A_366 = arith.subi %add3A_204, %sub3A : i32
        %dma_wait3A_367 = arith.constant 1 : i32
        %dma_wait3A_368 = arith.constant 0 : i32
        %dma_wait3A_369 = arith.constant 0 : i32
        %dma_wait3A_370 = tpu.memref_slice %arg7[%dma_wait3A_367, %dma_wait3A_368, %dma_wait3A_369] : memref<4x32x96xf32, #tpu.memory_space<vmem>> -> memref<1x32x96xf32, #tpu.memory_space<vmem>>
        %dma_wait3A_371 = tpu.memref_squeeze %dma_wait3A_370 : memref<1x32x96xf32, #tpu.memory_space<vmem>> -> memref<32x96xf32, #tpu.memory_space<vmem>>
        %dma_wait3A_372 = arith.constant 0 : i32
        %dma_wait3A_373 = arith.constant 0 : i32
        %dma_wait3A_374 = tpu.memref_slice %arg4[%sub3A_366, %add3A, %dma_wait3A_372, %dma_wait3A_373] : memref<48x32x32x96xf32, #tpu.memory_space<hbm>> -> memref<1x1x32x96xf32, #tpu.memory_space<hbm>>
        %dma_wait3A_375 = tpu.memref_squeeze %dma_wait3A_374 : memref<1x1x32x96xf32, #tpu.memory_space<hbm>> -> memref<32x96xf32, #tpu.memory_space<hbm>>
        %dma_wait3A_376 = arith.constant 0 : i32
        %dma_wait3A_377 = arith.constant 0 : i32
        %dma_wait3A_378 = tpu.memref_slice %arg4[%sub3A_366, %add3A, %dma_wait3A_376, %dma_wait3A_377] : memref<48x32x32x96xf32, #tpu.memory_space<hbm>> -> memref<1x1x32x96xf32, #tpu.memory_space<hbm>>
        %dma_wait3A_379 = tpu.memref_squeeze %dma_wait3A_378 : memref<1x1x32x96xf32, #tpu.memory_space<hbm>> -> memref<32x96xf32, #tpu.memory_space<hbm>>
        %dma_wait3A_380 = arith.constant 0 : i32
        %dma_wait3A_381 = arith.constant 0 : i32
        %dma_wait3A_382 = tpu.memref_slice %arg7[%dma_wait3A_367, %dma_wait3A_380, %dma_wait3A_381] : memref<4x32x96xf32, #tpu.memory_space<vmem>> -> memref<1x32x96xf32, #tpu.memory_space<vmem>>
        %dma_wait3A_383 = tpu.memref_squeeze %dma_wait3A_382 : memref<1x32x96xf32, #tpu.memory_space<vmem>> -> memref<32x96xf32, #tpu.memory_space<vmem>>
        tpu.wait_dma2 semaphore(%arg13 : memref<!tpu.dma_semaphore, #tpu.memory_space<semaphore_mem>>) src(%dma_wait3A_383 : memref<32x96xf32, #tpu.memory_space<vmem>>) dst(%dma_wait3A_379 : memref<32x96xf32, #tpu.memory_space<hbm>>)
      } else {
      }
      %parallel_loop3A_229 = arith.constant 0 : i32
      %parallel_loop3A_230 = arith.constant 32 : i32
      %parallel_loop3A_231 = arith.constant 1 : i32
      scf.for %parallel_loop3A_366 = %parallel_loop3A_229 to %parallel_loop3A_230 step %parallel_loop3A_231  : i32 {
        %parallel_loop3A_367 = arith.constant 1 : i32
        %parallel_loop3A_368 = arith.index_cast %parallel_loop3A_367 : i32 to index
        %parallel_loop3A_369 = arith.index_cast %parallel_loop3A_366 : i32 to index
        %parallel_loop3A_370 = arith.constant 0 : index
        %parallel_loop3A_371 = tpu.vector_load %arg6[%parallel_loop3A_368, %parallel_loop3A_369, %parallel_loop3A_370] {strides = array<i32>} : memref<4x32x96xf32, #tpu.memory_space<vmem>>, vector<1x1x16xf32>,
        %parallel_loop3A_372 = vector.shape_cast %parallel_loop3A_371 : vector<1x1x16xf32> to vector<16xf32>
        %parallel_loop3A_373 = arith.index_cast %parallel_loop3A_366 : i32 to index
        %parallel_loop3A_374 = arith.constant 0 : index
        %parallel_loop3A_375 = tpu.vector_load %arg5[%parallel_loop3A_373, %parallel_loop3A_374] {strides = array<i32>} : memref<32x96xf32, #tpu.memory_space<vmem>>, vector<1x16xf32>,
        %parallel_loop3A_376 = vector.shape_cast %parallel_loop3A_375 : vector<1x16xf32> to vector<16xf32>
        %parallel_loop3A_377 = arith.addf %parallel_loop3A_372, %parallel_loop3A_376 : vector<16xf32>
        %parallel_loop3A_378 = arith.constant 1 : i32
        %parallel_loop3A_379 = arith.index_cast %parallel_loop3A_378 : i32 to index
        %parallel_loop3A_380 = arith.index_cast %parallel_loop3A_366 : i32 to index
        %parallel_loop3A_381 = arith.constant 0 : index
        %parallel_loop3A_382 = tpu.vector_load %arg7[%parallel_loop3A_379, %parallel_loop3A_380, %parallel_loop3A_381] {strides = array<i32>} : memref<4x32x96xf32, #tpu.memory_space<vmem>>, vector<1x1x16xf32>,
        %parallel_loop3A_383 = vector.shape_cast %parallel_loop3A_382 : vector<1x1x16xf32> to vector<16xf32>
        %parallel_loop3A_384 = vector.shape_cast %parallel_loop3A_377 : vector<16xf32> to vector<1x1x16xf32>
        tpu.vector_store %arg7[%parallel_loop3A_379, %parallel_loop3A_380, %parallel_loop3A_381], %parallel_loop3A_384 {strides = array<i32>} : memref<4x32x96xf32, #tpu.memory_space<vmem>>, vector<1x1x16xf32>,
        %parallel_loop3A_385 = arith.constant 1 : i32
        %parallel_loop3A_386 = arith.index_cast %parallel_loop3A_385 : i32 to index
        %parallel_loop3A_387 = arith.index_cast %parallel_loop3A_366 : i32 to index
        %parallel_loop3A_388 = arith.constant 16 : index
        %parallel_loop3A_389 = tpu.vector_load %arg6[%parallel_loop3A_386, %parallel_loop3A_387, %parallel_loop3A_388] {strides = array<i32>} : memref<4x32x96xf32, #tpu.memory_space<vmem>>, vector<1x1x16xf32>,
        %parallel_loop3A_390 = vector.shape_cast %parallel_loop3A_389 : vector<1x1x16xf32> to vector<16xf32>
        %parallel_loop3A_391 = arith.index_cast %parallel_loop3A_366 : i32 to index
        %parallel_loop3A_392 = arith.constant 16 : index
        %parallel_loop3A_393 = tpu.vector_load %arg5[%parallel_loop3A_391, %parallel_loop3A_392] {strides = array<i32>} : memref<32x96xf32, #tpu.memory_space<vmem>>, vector<1x16xf32>,
        %parallel_loop3A_394 = vector.shape_cast %parallel_loop3A_393 : vector<1x16xf32> to vector<16xf32>
        %parallel_loop3A_395 = arith.addf %parallel_loop3A_390, %parallel_loop3A_394 : vector<16xf32>
        %parallel_loop3A_396 = arith.constant 1 : i32
        %parallel_loop3A_397 = arith.index_cast %parallel_loop3A_396 : i32 to index
        %parallel_loop3A_398 = arith.index_cast %parallel_loop3A_366 : i32 to index
        %parallel_loop3A_399 = arith.constant 16 : index
        %parallel_loop3A_400 = tpu.vector_load %arg7[%parallel_loop3A_397, %parallel_loop3A_398, %parallel_loop3A_399] {strides = array<i32>} : memref<4x32x96xf32, #tpu.memory_space<vmem>>, vector<1x1x16xf32>,
        %parallel_loop3A_401 = vector.shape_cast %parallel_loop3A_400 : vector<1x1x16xf32> to vector<16xf32>
        %parallel_loop3A_402 = vector.shape_cast %parallel_loop3A_395 : vector<16xf32> to vector<1x1x16xf32>
        tpu.vector_store %arg7[%parallel_loop3A_397, %parallel_loop3A_398, %parallel_loop3A_399], %parallel_loop3A_402 {strides = array<i32>} : memref<4x32x96xf32, #tpu.memory_space<vmem>>, vector<1x1x16xf32>,
        %parallel_loop3A_403 = arith.constant 1 : i32
        %parallel_loop3A_404 = arith.index_cast %parallel_loop3A_403 : i32 to index
        %parallel_loop3A_405 = arith.index_cast %parallel_loop3A_366 : i32 to index
        %parallel_loop3A_406 = arith.constant 32 : index
        %parallel_loop3A_407 = tpu.vector_load %arg6[%parallel_loop3A_404, %parallel_loop3A_405, %parallel_loop3A_406] {strides = array<i32>} : memref<4x32x96xf32, #tpu.memory_space<vmem>>, vector<1x1x16xf32>,
        %parallel_loop3A_408 = vector.shape_cast %parallel_loop3A_407 : vector<1x1x16xf32> to vector<16xf32>
        %parallel_loop3A_409 = arith.index_cast %parallel_loop3A_366 : i32 to index
        %parallel_loop3A_410 = arith.constant 32 : index
        %parallel_loop3A_411 = tpu.vector_load %arg5[%parallel_loop3A_409, %parallel_loop3A_410] {strides = array<i32>} : memref<32x96xf32, #tpu.memory_space<vmem>>, vector<1x16xf32>,
        %parallel_loop3A_412 = vector.shape_cast %parallel_loop3A_411 : vector<1x16xf32> to vector<16xf32>
        %parallel_loop3A_413 = arith.addf %parallel_loop3A_408, %parallel_loop3A_412 : vector<16xf32>
        %parallel_loop3A_414 = arith.constant 1 : i32
        %parallel_loop3A_415 = arith.index_cast %parallel_loop3A_414 : i32 to index
        %parallel_loop3A_416 = arith.index_cast %parallel_loop3A_366 : i32 to index
        %parallel_loop3A_417 = arith.constant 32 : index
        %parallel_loop3A_418 = tpu.vector_load %arg7[%parallel_loop3A_415, %parallel_loop3A_416, %parallel_loop3A_417] {strides = array<i32>} : memref<4x32x96xf32, #tpu.memory_space<vmem>>, vector<1x1x16xf32>,
        %parallel_loop3A_419 = vector.shape_cast %parallel_loop3A_418 : vector<1x1x16xf32> to vector<16xf32>
        %parallel_loop3A_420 = vector.shape_cast %parallel_loop3A_413 : vector<16xf32> to vector<1x1x16xf32>
        tpu.vector_store %arg7[%parallel_loop3A_415, %parallel_loop3A_416, %parallel_loop3A_417], %parallel_loop3A_420 {strides = array<i32>} : memref<4x32x96xf32, #tpu.memory_space<vmem>>, vector<1x1x16xf32>,
        %parallel_loop3A_421 = arith.constant 1 : i32
        %parallel_loop3A_422 = arith.index_cast %parallel_loop3A_421 : i32 to index
        %parallel_loop3A_423 = arith.index_cast %parallel_loop3A_366 : i32 to index
        %parallel_loop3A_424 = arith.constant 48 : index
        %parallel_loop3A_425 = tpu.vector_load %arg6[%parallel_loop3A_422, %parallel_loop3A_423, %parallel_loop3A_424] {strides = array<i32>} : memref<4x32x96xf32, #tpu.memory_space<vmem>>, vector<1x1x16xf32>,
        %parallel_loop3A_426 = vector.shape_cast %parallel_loop3A_425 : vector<1x1x16xf32> to vector<16xf32>
        %parallel_loop3A_427 = arith.index_cast %parallel_loop3A_366 : i32 to index
        %parallel_loop3A_428 = arith.constant 48 : index
        %parallel_loop3A_429 = tpu.vector_load %arg5[%parallel_loop3A_427, %parallel_loop3A_428] {strides = array<i32>} : memref<32x96xf32, #tpu.memory_space<vmem>>, vector<1x16xf32>,
        %parallel_loop3A_430 = vector.shape_cast %parallel_loop3A_429 : vector<1x16xf32> to vector<16xf32>
        %parallel_loop3A_431 = arith.addf %parallel_loop3A_426, %parallel_loop3A_430 : vector<16xf32>
        %parallel_loop3A_432 = arith.constant 1 : i32
        %parallel_loop3A_433 = arith.index_cast %parallel_loop3A_432 : i32 to index
        %parallel_loop3A_434 = arith.index_cast %parallel_loop3A_366 : i32 to index
        %parallel_loop3A_435 = arith.constant 48 : index
        %parallel_loop3A_436 = tpu.vector_load %arg7[%parallel_loop3A_433, %parallel_loop3A_434, %parallel_loop3A_435] {strides = array<i32>} : memref<4x32x96xf32, #tpu.memory_space<vmem>>, vector<1x1x16xf32>,
        %parallel_loop3A_437 = vector.shape_cast %parallel_loop3A_436 : vector<1x1x16xf32> to vector<16xf32>
        %parallel_loop3A_438 = vector.shape_cast %parallel_loop3A_431 : vector<16xf32> to vector<1x1x16xf32>
        tpu.vector_store %arg7[%parallel_loop3A_433, %parallel_loop3A_434, %parallel_loop3A_435], %parallel_loop3A_438 {strides = array<i32>} : memref<4x32x96xf32, #tpu.memory_space<vmem>>, vector<1x1x16xf32>,
        %parallel_loop3A_439 = arith.constant 1 : i32
        %parallel_loop3A_440 = arith.index_cast %parallel_loop3A_439 : i32 to index
        %parallel_loop3A_441 = arith.index_cast %parallel_loop3A_366 : i32 to index
        %parallel_loop3A_442 = arith.constant 64 : index
        %parallel_loop3A_443 = tpu.vector_load %arg6[%parallel_loop3A_440, %parallel_loop3A_441, %parallel_loop3A_442] {strides = array<i32>} : memref<4x32x96xf32, #tpu.memory_space<vmem>>, vector<1x1x16xf32>,
        %parallel_loop3A_444 = vector.shape_cast %parallel_loop3A_443 : vector<1x1x16xf32> to vector<16xf32>
        %parallel_loop3A_445 = arith.index_cast %parallel_loop3A_366 : i32 to index
        %parallel_loop3A_446 = arith.constant 64 : index
        %parallel_loop3A_447 = tpu.vector_load %arg5[%parallel_loop3A_445, %parallel_loop3A_446] {strides = array<i32>} : memref<32x96xf32, #tpu.memory_space<vmem>>, vector<1x16xf32>,
        %parallel_loop3A_448 = vector.shape_cast %parallel_loop3A_447 : vector<1x16xf32> to vector<16xf32>
        %parallel_loop3A_449 = arith.addf %parallel_loop3A_444, %parallel_loop3A_448 : vector<16xf32>
        %parallel_loop3A_450 = arith.constant 1 : i32
        %parallel_loop3A_451 = arith.index_cast %parallel_loop3A_450 : i32 to index
        %parallel_loop3A_452 = arith.index_cast %parallel_loop3A_366 : i32 to index
        %parallel_loop3A_453 = arith.constant 64 : index
        %parallel_loop3A_454 = tpu.vector_load %arg7[%parallel_loop3A_451, %parallel_loop3A_452, %parallel_loop3A_453] {strides = array<i32>} : memref<4x32x96xf32, #tpu.memory_space<vmem>>, vector<1x1x16xf32>,
        %parallel_loop3A_455 = vector.shape_cast %parallel_loop3A_454 : vector<1x1x16xf32> to vector<16xf32>
        %parallel_loop3A_456 = vector.shape_cast %parallel_loop3A_449 : vector<16xf32> to vector<1x1x16xf32>
        tpu.vector_store %arg7[%parallel_loop3A_451, %parallel_loop3A_452, %parallel_loop3A_453], %parallel_loop3A_456 {strides = array<i32>} : memref<4x32x96xf32, #tpu.memory_space<vmem>>, vector<1x1x16xf32>,
        %parallel_loop3A_457 = arith.constant 1 : i32
        %parallel_loop3A_458 = arith.index_cast %parallel_loop3A_457 : i32 to index
        %parallel_loop3A_459 = arith.index_cast %parallel_loop3A_366 : i32 to index
        %parallel_loop3A_460 = arith.constant 80 : index
        %parallel_loop3A_461 = tpu.vector_load %arg6[%parallel_loop3A_458, %parallel_loop3A_459, %parallel_loop3A_460] {strides = array<i32>} : memref<4x32x96xf32, #tpu.memory_space<vmem>>, vector<1x1x16xf32>,
        %parallel_loop3A_462 = vector.shape_cast %parallel_loop3A_461 : vector<1x1x16xf32> to vector<16xf32>
        %parallel_loop3A_463 = arith.index_cast %parallel_loop3A_366 : i32 to index
        %parallel_loop3A_464 = arith.constant 80 : index
        %parallel_loop3A_465 = tpu.vector_load %arg5[%parallel_loop3A_463, %parallel_loop3A_464] {strides = array<i32>} : memref<32x96xf32, #tpu.memory_space<vmem>>, vector<1x16xf32>,
        %parallel_loop3A_466 = vector.shape_cast %parallel_loop3A_465 : vector<1x16xf32> to vector<16xf32>
        %parallel_loop3A_467 = arith.addf %parallel_loop3A_462, %parallel_loop3A_466 : vector<16xf32>
        %parallel_loop3A_468 = arith.constant 1 : i32
        %parallel_loop3A_469 = arith.index_cast %parallel_loop3A_468 : i32 to index
        %parallel_loop3A_470 = arith.index_cast %parallel_loop3A_366 : i32 to index
        %parallel_loop3A_471 = arith.constant 80 : index
        %parallel_loop3A_472 = tpu.vector_load %arg7[%parallel_loop3A_469, %parallel_loop3A_470, %parallel_loop3A_471] {strides = array<i32>} : memref<4x32x96xf32, #tpu.memory_space<vmem>>, vector<1x1x16xf32>,
        %parallel_loop3A_473 = vector.shape_cast %parallel_loop3A_472 : vector<1x1x16xf32> to vector<16xf32>
        %parallel_loop3A_474 = vector.shape_cast %parallel_loop3A_467 : vector<16xf32> to vector<1x1x16xf32>
        tpu.vector_store %arg7[%parallel_loop3A_469, %parallel_loop3A_470, %parallel_loop3A_471], %parallel_loop3A_474 {strides = array<i32>} : memref<4x32x96xf32, #tpu.memory_space<vmem>>, vector<1x1x16xf32>,
      } {sc.loop_unroll_factor = 8 : i64, sc.parallel_access}
      %dma_start3A_232 = arith.constant 1 : i32
      %dma_start3A_233 = arith.constant 0 : i32
      %dma_start3A_234 = arith.constant 0 : i32
      %dma_start3A_235 = tpu.memref_slice %arg7[%dma_start3A_232, %dma_start3A_233, %dma_start3A_234] : memref<4x32x96xf32, #tpu.memory_space<vmem>> -> memref<1x32x96xf32, #tpu.memory_space<vmem>>
      %dma_start3A_236 = tpu.memref_squeeze %dma_start3A_235 : memref<1x32x96xf32, #tpu.memory_space<vmem>> -> memref<32x96xf32, #tpu.memory_space<vmem>>
      %dma_start3A_237 = arith.constant 0 : i32
      %dma_start3A_238 = arith.constant 0 : i32
      %dma_start3A_239 = tpu.memref_slice %arg4[%add3A_204, %add3A, %dma_start3A_237, %dma_start3A_238] : memref<48x32x32x96xf32, #tpu.memory_space<hbm>> -> memref<1x1x32x96xf32, #tpu.memory_space<hbm>>
      %dma_start3A_240 = tpu.memref_squeeze %dma_start3A_239 : memref<1x1x32x96xf32, #tpu.memory_space<hbm>> -> memref<32x96xf32, #tpu.memory_space<hbm>>
      %dma_start3A_241 = arith.constant 0 : i32
      %dma_start3A_242 = arith.constant 0 : i32
      %dma_start3A_243 = tpu.memref_slice %arg4[%add3A_204, %add3A, %dma_start3A_241, %dma_start3A_242] : memref<48x32x32x96xf32, #tpu.memory_space<hbm>> -> memref<1x1x32x96xf32, #tpu.memory_space<hbm>>
      %dma_start3A_244 = tpu.memref_squeeze %dma_start3A_243 : memref<1x1x32x96xf32, #tpu.memory_space<hbm>> -> memref<32x96xf32, #tpu.memory_space<hbm>>
      %dma_start3A_245 = arith.constant 0 : i32
      %dma_start3A_246 = arith.constant 0 : i32
      %dma_start3A_247 = tpu.memref_slice %arg7[%dma_start3A_232, %dma_start3A_245, %dma_start3A_246] : memref<4x32x96xf32, #tpu.memory_space<vmem>> -> memref<1x32x96xf32, #tpu.memory_space<vmem>>
      %dma_start3A_248 = tpu.memref_squeeze %dma_start3A_247 : memref<1x32x96xf32, #tpu.memory_space<vmem>> -> memref<32x96xf32, #tpu.memory_space<vmem>>
      tpu.enqueue_dma source(%dma_start3A_248 : memref<32x96xf32, #tpu.memory_space<vmem>>) target(%dma_start3A_244 : memref<32x96xf32, #tpu.memory_space<hbm>>) target_semaphore(%arg13 : memref<!tpu.dma_semaphore, #tpu.memory_space<semaphore_mem>>)
      %add3A_249 = arith.constant 4 : i32
      %add3A_250 = arith.addi %add3A_204, %add3A_249 : i32
      %lt3A_251 = arith.constant 48 : i32
      %lt3A_252 = arith.cmpi slt, %add3A_250, %lt3A_251 : i32
      %convert_element_type3A_253 = arith.extui %lt3A_252 : i1 to i32
      %cond3A_254 = arith.constant 0 : i32
      %cond3A_255 = arith.cmpi ne, %convert_element_type3A_253, %cond3A_254 : i32
      scf.if %cond3A_255 {
        %add3A_366 = arith.constant 4 : i32
        %add3A_367 = arith.addi %add3A_204, %add3A_366 : i32
        %add3A_368 = arith.constant 80 : i32
        %add3A_369 = arith.addi %add3A_368, %add3A_367 : i32
        %dma_start3A_370 = arith.constant 1 : i32
        %dma_start3A_371 = arith.constant 0 : i32
        %dma_start3A_372 = arith.constant 0 : i32
        %dma_start3A_373 = tpu.memref_slice %arg6[%dma_start3A_370, %dma_start3A_371, %dma_start3A_372] : memref<4x32x96xf32, #tpu.memory_space<vmem>> -> memref<1x32x96xf32, #tpu.memory_space<vmem>>
        %dma_start3A_374 = tpu.memref_squeeze %dma_start3A_373 : memref<1x32x96xf32, #tpu.memory_space<vmem>> -> memref<32x96xf32, #tpu.memory_space<vmem>>
        %dma_start3A_375 = arith.constant 0 : i32
        %dma_start3A_376 = arith.constant 0 : i32
        %dma_start3A_377 = tpu.memref_slice %arg2[%add3A_369, %add3A, %dma_start3A_375, %dma_start3A_376] : memref<128x32x32x96xf32, #tpu.memory_space<hbm>> -> memref<1x1x32x96xf32, #tpu.memory_space<hbm>>
        %dma_start3A_378 = tpu.memref_squeeze %dma_start3A_377 : memref<1x1x32x96xf32, #tpu.memory_space<hbm>> -> memref<32x96xf32, #tpu.memory_space<hbm>>
        %dma_start3A_379 = arith.constant 0 : i32
        %dma_start3A_380 = arith.constant 0 : i32
        %dma_start3A_381 = tpu.memref_slice %arg6[%dma_start3A_370, %dma_start3A_379, %dma_start3A_380] : memref<4x32x96xf32, #tpu.memory_space<vmem>> -> memref<1x32x96xf32, #tpu.memory_space<vmem>>
        %dma_start3A_382 = tpu.memref_squeeze %dma_start3A_381 : memref<1x32x96xf32, #tpu.memory_space<vmem>> -> memref<32x96xf32, #tpu.memory_space<vmem>>
        %dma_start3A_383 = arith.constant 0 : i32
        %dma_start3A_384 = arith.constant 0 : i32
        %dma_start3A_385 = tpu.memref_slice %arg2[%add3A_369, %add3A, %dma_start3A_383, %dma_start3A_384] : memref<128x32x32x96xf32, #tpu.memory_space<hbm>> -> memref<1x1x32x96xf32, #tpu.memory_space<hbm>>
        %dma_start3A_386 = tpu.memref_squeeze %dma_start3A_385 : memref<1x1x32x96xf32, #tpu.memory_space<hbm>> -> memref<32x96xf32, #tpu.memory_space<hbm>>
        tpu.enqueue_dma source(%dma_start3A_386 : memref<32x96xf32, #tpu.memory_space<hbm>>) target(%dma_start3A_382 : memref<32x96xf32, #tpu.memory_space<vmem>>) target_semaphore(%arg9 : memref<!tpu.dma_semaphore, #tpu.memory_space<semaphore_mem>>)
      } else {
      }
      %mul3A_256 = arith.constant 4 : i32
      %mul3A_257 = arith.muli %scan3A_150, %mul3A_256 : i32
      %add3A_258 = arith.constant 2 : i32
      %add3A_259 = arith.addi %mul3A_257, %add3A_258 : i32
      %add3A_260 = arith.constant 80 : i32
      %add3A_261 = arith.addi %add3A_260, %add3A_259 : i32
      %dma_wait3A_262 = arith.constant 2 : i32
      %dma_wait3A_263 = arith.constant 0 : i32
      %dma_wait3A_264 = arith.constant 0 : i32
      %dma_wait3A_265 = tpu.memref_slice %arg6[%dma_wait3A_262, %dma_wait3A_263, %dma_wait3A_264] : memref<4x32x96xf32, #tpu.memory_space<vmem>> -> memref<1x32x96xf32, #tpu.memory_space<vmem>>
      %dma_wait3A_266 = tpu.memref_squeeze %dma_wait3A_265 : memref<1x32x96xf32, #tpu.memory_space<vmem>> -> memref<32x96xf32, #tpu.memory_space<vmem>>
      %dma_wait3A_267 = arith.constant 0 : i32
      %dma_wait3A_268 = arith.constant 0 : i32
      %dma_wait3A_269 = tpu.memref_slice %arg2[%add3A_261, %add3A, %dma_wait3A_267, %dma_wait3A_268] : memref<128x32x32x96xf32, #tpu.memory_space<hbm>> -> memref<1x1x32x96xf32, #tpu.memory_space<hbm>>
      %dma_wait3A_270 = tpu.memref_squeeze %dma_wait3A_269 : memref<1x1x32x96xf32, #tpu.memory_space<hbm>> -> memref<32x96xf32, #tpu.memory_space<hbm>>
      %dma_wait3A_271 = arith.constant 0 : i32
      %dma_wait3A_272 = arith.constant 0 : i32
      %dma_wait3A_273 = tpu.memref_slice %arg6[%dma_wait3A_262, %dma_wait3A_271, %dma_wait3A_272] : memref<4x32x96xf32, #tpu.memory_space<vmem>> -> memref<1x32x96xf32, #tpu.memory_space<vmem>>
      %dma_wait3A_274 = tpu.memref_squeeze %dma_wait3A_273 : memref<1x32x96xf32, #tpu.memory_space<vmem>> -> memref<32x96xf32, #tpu.memory_space<vmem>>
      %dma_wait3A_275 = arith.constant 0 : i32
      %dma_wait3A_276 = arith.constant 0 : i32
      %dma_wait3A_277 = tpu.memref_slice %arg2[%add3A_261, %add3A, %dma_wait3A_275, %dma_wait3A_276] : memref<128x32x32x96xf32, #tpu.memory_space<hbm>> -> memref<1x1x32x96xf32, #tpu.memory_space<hbm>>
      %dma_wait3A_278 = tpu.memref_squeeze %dma_wait3A_277 : memref<1x1x32x96xf32, #tpu.memory_space<hbm>> -> memref<32x96xf32, #tpu.memory_space<hbm>>
      tpu.wait_dma2 semaphore(%arg10 : memref<!tpu.dma_semaphore, #tpu.memory_space<semaphore_mem>>) src(%dma_wait3A_278 : memref<32x96xf32, #tpu.memory_space<hbm>>) dst(%dma_wait3A_274 : memref<32x96xf32, #tpu.memory_space<vmem>>)
      %ge3A_279 = arith.constant 1 : i32
      %ge3A_280 = arith.cmpi sge, %scan3A_150, %ge3A_279 : i32
      %convert_element_type3A_281 = arith.extui %ge3A_280 : i1 to i32
      %cond3A_282 = arith.constant 0 : i32
      %cond3A_283 = arith.cmpi ne, %convert_element_type3A_281, %cond3A_282 : i32
      scf.if %cond3A_283 {
        %sub3A = arith.constant 4 : i32
        %sub3A_366 = arith.subi %add3A_259, %sub3A : i32
        %dma_wait3A_367 = arith.constant 2 : i32
        %dma_wait3A_368 = arith.constant 0 : i32
        %dma_wait3A_369 = arith.constant 0 : i32
        %dma_wait3A_370 = tpu.memref_slice %arg7[%dma_wait3A_367, %dma_wait3A_368, %dma_wait3A_369] : memref<4x32x96xf32, #tpu.memory_space<vmem>> -> memref<1x32x96xf32, #tpu.memory_space<vmem>>
        %dma_wait3A_371 = tpu.memref_squeeze %dma_wait3A_370 : memref<1x32x96xf32, #tpu.memory_space<vmem>> -> memref<32x96xf32, #tpu.memory_space<vmem>>
        %dma_wait3A_372 = arith.constant 0 : i32
        %dma_wait3A_373 = arith.constant 0 : i32
        %dma_wait3A_374 = tpu.memref_slice %arg4[%sub3A_366, %add3A, %dma_wait3A_372, %dma_wait3A_373] : memref<48x32x32x96xf32, #tpu.memory_space<hbm>> -> memref<1x1x32x96xf32, #tpu.memory_space<hbm>>
        %dma_wait3A_375 = tpu.memref_squeeze %dma_wait3A_374 : memref<1x1x32x96xf32, #tpu.memory_space<hbm>> -> memref<32x96xf32, #tpu.memory_space<hbm>>
        %dma_wait3A_376 = arith.constant 0 : i32
        %dma_wait3A_377 = arith.constant 0 : i32
        %dma_wait3A_378 = tpu.memref_slice %arg4[%sub3A_366, %add3A, %dma_wait3A_376, %dma_wait3A_377] : memref<48x32x32x96xf32, #tpu.memory_space<hbm>> -> memref<1x1x32x96xf32, #tpu.memory_space<hbm>>
        %dma_wait3A_379 = tpu.memref_squeeze %dma_wait3A_378 : memref<1x1x32x96xf32, #tpu.memory_space<hbm>> -> memref<32x96xf32, #tpu.memory_space<hbm>>
        %dma_wait3A_380 = arith.constant 0 : i32
        %dma_wait3A_381 = arith.constant 0 : i32
        %dma_wait3A_382 = tpu.memref_slice %arg7[%dma_wait3A_367, %dma_wait3A_380, %dma_wait3A_381] : memref<4x32x96xf32, #tpu.memory_space<vmem>> -> memref<1x32x96xf32, #tpu.memory_space<vmem>>
        %dma_wait3A_383 = tpu.memref_squeeze %dma_wait3A_382 : memref<1x32x96xf32, #tpu.memory_space<vmem>> -> memref<32x96xf32, #tpu.memory_space<vmem>>
        tpu.wait_dma2 semaphore(%arg14 : memref<!tpu.dma_semaphore, #tpu.memory_space<semaphore_mem>>) src(%dma_wait3A_383 : memref<32x96xf32, #tpu.memory_space<vmem>>) dst(%dma_wait3A_379 : memref<32x96xf32, #tpu.memory_space<hbm>>)
      } else {
      }
      %parallel_loop3A_284 = arith.constant 0 : i32
      %parallel_loop3A_285 = arith.constant 32 : i32
      %parallel_loop3A_286 = arith.constant 1 : i32
      scf.for %parallel_loop3A_366 = %parallel_loop3A_284 to %parallel_loop3A_285 step %parallel_loop3A_286  : i32 {
        %parallel_loop3A_367 = arith.constant 2 : i32
        %parallel_loop3A_368 = arith.index_cast %parallel_loop3A_367 : i32 to index
        %parallel_loop3A_369 = arith.index_cast %parallel_loop3A_366 : i32 to index
        %parallel_loop3A_370 = arith.constant 0 : index
        %parallel_loop3A_371 = tpu.vector_load %arg6[%parallel_loop3A_368, %parallel_loop3A_369, %parallel_loop3A_370] {strides = array<i32>} : memref<4x32x96xf32, #tpu.memory_space<vmem>>, vector<1x1x16xf32>,
        %parallel_loop3A_372 = vector.shape_cast %parallel_loop3A_371 : vector<1x1x16xf32> to vector<16xf32>
        %parallel_loop3A_373 = arith.index_cast %parallel_loop3A_366 : i32 to index
        %parallel_loop3A_374 = arith.constant 0 : index
        %parallel_loop3A_375 = tpu.vector_load %arg5[%parallel_loop3A_373, %parallel_loop3A_374] {strides = array<i32>} : memref<32x96xf32, #tpu.memory_space<vmem>>, vector<1x16xf32>,
        %parallel_loop3A_376 = vector.shape_cast %parallel_loop3A_375 : vector<1x16xf32> to vector<16xf32>
        %parallel_loop3A_377 = arith.addf %parallel_loop3A_372, %parallel_loop3A_376 : vector<16xf32>
        %parallel_loop3A_378 = arith.constant 2 : i32
        %parallel_loop3A_379 = arith.index_cast %parallel_loop3A_378 : i32 to index
        %parallel_loop3A_380 = arith.index_cast %parallel_loop3A_366 : i32 to index
        %parallel_loop3A_381 = arith.constant 0 : index
        %parallel_loop3A_382 = tpu.vector_load %arg7[%parallel_loop3A_379, %parallel_loop3A_380, %parallel_loop3A_381] {strides = array<i32>} : memref<4x32x96xf32, #tpu.memory_space<vmem>>, vector<1x1x16xf32>,
        %parallel_loop3A_383 = vector.shape_cast %parallel_loop3A_382 : vector<1x1x16xf32> to vector<16xf32>
        %parallel_loop3A_384 = vector.shape_cast %parallel_loop3A_377 : vector<16xf32> to vector<1x1x16xf32>
        tpu.vector_store %arg7[%parallel_loop3A_379, %parallel_loop3A_380, %parallel_loop3A_381], %parallel_loop3A_384 {strides = array<i32>} : memref<4x32x96xf32, #tpu.memory_space<vmem>>, vector<1x1x16xf32>,
        %parallel_loop3A_385 = arith.constant 2 : i32
        %parallel_loop3A_386 = arith.index_cast %parallel_loop3A_385 : i32 to index
        %parallel_loop3A_387 = arith.index_cast %parallel_loop3A_366 : i32 to index
        %parallel_loop3A_388 = arith.constant 16 : index
        %parallel_loop3A_389 = tpu.vector_load %arg6[%parallel_loop3A_386, %parallel_loop3A_387, %parallel_loop3A_388] {strides = array<i32>} : memref<4x32x96xf32, #tpu.memory_space<vmem>>, vector<1x1x16xf32>,
        %parallel_loop3A_390 = vector.shape_cast %parallel_loop3A_389 : vector<1x1x16xf32> to vector<16xf32>
        %parallel_loop3A_391 = arith.index_cast %parallel_loop3A_366 : i32 to index
        %parallel_loop3A_392 = arith.constant 16 : index
        %parallel_loop3A_393 = tpu.vector_load %arg5[%parallel_loop3A_391, %parallel_loop3A_392] {strides = array<i32>} : memref<32x96xf32, #tpu.memory_space<vmem>>, vector<1x16xf32>,
        %parallel_loop3A_394 = vector.shape_cast %parallel_loop3A_393 : vector<1x16xf32> to vector<16xf32>
        %parallel_loop3A_395 = arith.addf %parallel_loop3A_390, %parallel_loop3A_394 : vector<16xf32>
        %parallel_loop3A_396 = arith.constant 2 : i32
        %parallel_loop3A_397 = arith.index_cast %parallel_loop3A_396 : i32 to index
        %parallel_loop3A_398 = arith.index_cast %parallel_loop3A_366 : i32 to index
        %parallel_loop3A_399 = arith.constant 16 : index
        %parallel_loop3A_400 = tpu.vector_load %arg7[%parallel_loop3A_397, %parallel_loop3A_398, %parallel_loop3A_399] {strides = array<i32>} : memref<4x32x96xf32, #tpu.memory_space<vmem>>, vector<1x1x16xf32>,
        %parallel_loop3A_401 = vector.shape_cast %parallel_loop3A_400 : vector<1x1x16xf32> to vector<16xf32>
        %parallel_loop3A_402 = vector.shape_cast %parallel_loop3A_395 : vector<16xf32> to vector<1x1x16xf32>
        tpu.vector_store %arg7[%parallel_loop3A_397, %parallel_loop3A_398, %parallel_loop3A_399], %parallel_loop3A_402 {strides = array<i32>} : memref<4x32x96xf32, #tpu.memory_space<vmem>>, vector<1x1x16xf32>,
        %parallel_loop3A_403 = arith.constant 2 : i32
        %parallel_loop3A_404 = arith.index_cast %parallel_loop3A_403 : i32 to index
        %parallel_loop3A_405 = arith.index_cast %parallel_loop3A_366 : i32 to index
        %parallel_loop3A_406 = arith.constant 32 : index
        %parallel_loop3A_407 = tpu.vector_load %arg6[%parallel_loop3A_404, %parallel_loop3A_405, %parallel_loop3A_406] {strides = array<i32>} : memref<4x32x96xf32, #tpu.memory_space<vmem>>, vector<1x1x16xf32>,
        %parallel_loop3A_408 = vector.shape_cast %parallel_loop3A_407 : vector<1x1x16xf32> to vector<16xf32>
        %parallel_loop3A_409 = arith.index_cast %parallel_loop3A_366 : i32 to index
        %parallel_loop3A_410 = arith.constant 32 : index
        %parallel_loop3A_411 = tpu.vector_load %arg5[%parallel_loop3A_409, %parallel_loop3A_410] {strides = array<i32>} : memref<32x96xf32, #tpu.memory_space<vmem>>, vector<1x16xf32>,
        %parallel_loop3A_412 = vector.shape_cast %parallel_loop3A_411 : vector<1x16xf32> to vector<16xf32>
        %parallel_loop3A_413 = arith.addf %parallel_loop3A_408, %parallel_loop3A_412 : vector<16xf32>
        %parallel_loop3A_414 = arith.constant 2 : i32
        %parallel_loop3A_415 = arith.index_cast %parallel_loop3A_414 : i32 to index
        %parallel_loop3A_416 = arith.index_cast %parallel_loop3A_366 : i32 to index
        %parallel_loop3A_417 = arith.constant 32 : index
        %parallel_loop3A_418 = tpu.vector_load %arg7[%parallel_loop3A_415, %parallel_loop3A_416, %parallel_loop3A_417] {strides = array<i32>} : memref<4x32x96xf32, #tpu.memory_space<vmem>>, vector<1x1x16xf32>,
        %parallel_loop3A_419 = vector.shape_cast %parallel_loop3A_418 : vector<1x1x16xf32> to vector<16xf32>
        %parallel_loop3A_420 = vector.shape_cast %parallel_loop3A_413 : vector<16xf32> to vector<1x1x16xf32>
        tpu.vector_store %arg7[%parallel_loop3A_415, %parallel_loop3A_416, %parallel_loop3A_417], %parallel_loop3A_420 {strides = array<i32>} : memref<4x32x96xf32, #tpu.memory_space<vmem>>, vector<1x1x16xf32>,
        %parallel_loop3A_421 = arith.constant 2 : i32
        %parallel_loop3A_422 = arith.index_cast %parallel_loop3A_421 : i32 to index
        %parallel_loop3A_423 = arith.index_cast %parallel_loop3A_366 : i32 to index
        %parallel_loop3A_424 = arith.constant 48 : index
        %parallel_loop3A_425 = tpu.vector_load %arg6[%parallel_loop3A_422, %parallel_loop3A_423, %parallel_loop3A_424] {strides = array<i32>} : memref<4x32x96xf32, #tpu.memory_space<vmem>>, vector<1x1x16xf32>,
        %parallel_loop3A_426 = vector.shape_cast %parallel_loop3A_425 : vector<1x1x16xf32> to vector<16xf32>
        %parallel_loop3A_427 = arith.index_cast %parallel_loop3A_366 : i32 to index
        %parallel_loop3A_428 = arith.constant 48 : index
        %parallel_loop3A_429 = tpu.vector_load %arg5[%parallel_loop3A_427, %parallel_loop3A_428] {strides = array<i32>} : memref<32x96xf32, #tpu.memory_space<vmem>>, vector<1x16xf32>,
        %parallel_loop3A_430 = vector.shape_cast %parallel_loop3A_429 : vector<1x16xf32> to vector<16xf32>
        %parallel_loop3A_431 = arith.addf %parallel_loop3A_426, %parallel_loop3A_430 : vector<16xf32>
        %parallel_loop3A_432 = arith.constant 2 : i32
        %parallel_loop3A_433 = arith.index_cast %parallel_loop3A_432 : i32 to index
        %parallel_loop3A_434 = arith.index_cast %parallel_loop3A_366 : i32 to index
        %parallel_loop3A_435 = arith.constant 48 : index
        %parallel_loop3A_436 = tpu.vector_load %arg7[%parallel_loop3A_433, %parallel_loop3A_434, %parallel_loop3A_435] {strides = array<i32>} : memref<4x32x96xf32, #tpu.memory_space<vmem>>, vector<1x1x16xf32>,
        %parallel_loop3A_437 = vector.shape_cast %parallel_loop3A_436 : vector<1x1x16xf32> to vector<16xf32>
        %parallel_loop3A_438 = vector.shape_cast %parallel_loop3A_431 : vector<16xf32> to vector<1x1x16xf32>
        tpu.vector_store %arg7[%parallel_loop3A_433, %parallel_loop3A_434, %parallel_loop3A_435], %parallel_loop3A_438 {strides = array<i32>} : memref<4x32x96xf32, #tpu.memory_space<vmem>>, vector<1x1x16xf32>,
        %parallel_loop3A_439 = arith.constant 2 : i32
        %parallel_loop3A_440 = arith.index_cast %parallel_loop3A_439 : i32 to index
        %parallel_loop3A_441 = arith.index_cast %parallel_loop3A_366 : i32 to index
        %parallel_loop3A_442 = arith.constant 64 : index
        %parallel_loop3A_443 = tpu.vector_load %arg6[%parallel_loop3A_440, %parallel_loop3A_441, %parallel_loop3A_442] {strides = array<i32>} : memref<4x32x96xf32, #tpu.memory_space<vmem>>, vector<1x1x16xf32>,
        %parallel_loop3A_444 = vector.shape_cast %parallel_loop3A_443 : vector<1x1x16xf32> to vector<16xf32>
        %parallel_loop3A_445 = arith.index_cast %parallel_loop3A_366 : i32 to index
        %parallel_loop3A_446 = arith.constant 64 : index
        %parallel_loop3A_447 = tpu.vector_load %arg5[%parallel_loop3A_445, %parallel_loop3A_446] {strides = array<i32>} : memref<32x96xf32, #tpu.memory_space<vmem>>, vector<1x16xf32>,
        %parallel_loop3A_448 = vector.shape_cast %parallel_loop3A_447 : vector<1x16xf32> to vector<16xf32>
        %parallel_loop3A_449 = arith.addf %parallel_loop3A_444, %parallel_loop3A_448 : vector<16xf32>
        %parallel_loop3A_450 = arith.constant 2 : i32
        %parallel_loop3A_451 = arith.index_cast %parallel_loop3A_450 : i32 to index
        %parallel_loop3A_452 = arith.index_cast %parallel_loop3A_366 : i32 to index
        %parallel_loop3A_453 = arith.constant 64 : index
        %parallel_loop3A_454 = tpu.vector_load %arg7[%parallel_loop3A_451, %parallel_loop3A_452, %parallel_loop3A_453] {strides = array<i32>} : memref<4x32x96xf32, #tpu.memory_space<vmem>>, vector<1x1x16xf32>,
        %parallel_loop3A_455 = vector.shape_cast %parallel_loop3A_454 : vector<1x1x16xf32> to vector<16xf32>
        %parallel_loop3A_456 = vector.shape_cast %parallel_loop3A_449 : vector<16xf32> to vector<1x1x16xf32>
        tpu.vector_store %arg7[%parallel_loop3A_451, %parallel_loop3A_452, %parallel_loop3A_453], %parallel_loop3A_456 {strides = array<i32>} : memref<4x32x96xf32, #tpu.memory_space<vmem>>, vector<1x1x16xf32>,
        %parallel_loop3A_457 = arith.constant 2 : i32
        %parallel_loop3A_458 = arith.index_cast %parallel_loop3A_457 : i32 to index
        %parallel_loop3A_459 = arith.index_cast %parallel_loop3A_366 : i32 to index
        %parallel_loop3A_460 = arith.constant 80 : index
        %parallel_loop3A_461 = tpu.vector_load %arg6[%parallel_loop3A_458, %parallel_loop3A_459, %parallel_loop3A_460] {strides = array<i32>} : memref<4x32x96xf32, #tpu.memory_space<vmem>>, vector<1x1x16xf32>,
        %parallel_loop3A_462 = vector.shape_cast %parallel_loop3A_461 : vector<1x1x16xf32> to vector<16xf32>
        %parallel_loop3A_463 = arith.index_cast %parallel_loop3A_366 : i32 to index
        %parallel_loop3A_464 = arith.constant 80 : index
        %parallel_loop3A_465 = tpu.vector_load %arg5[%parallel_loop3A_463, %parallel_loop3A_464] {strides = array<i32>} : memref<32x96xf32, #tpu.memory_space<vmem>>, vector<1x16xf32>,
        %parallel_loop3A_466 = vector.shape_cast %parallel_loop3A_465 : vector<1x16xf32> to vector<16xf32>
        %parallel_loop3A_467 = arith.addf %parallel_loop3A_462, %parallel_loop3A_466 : vector<16xf32>
        %parallel_loop3A_468 = arith.constant 2 : i32
        %parallel_loop3A_469 = arith.index_cast %parallel_loop3A_468 : i32 to index
        %parallel_loop3A_470 = arith.index_cast %parallel_loop3A_366 : i32 to index
        %parallel_loop3A_471 = arith.constant 80 : index
        %parallel_loop3A_472 = tpu.vector_load %arg7[%parallel_loop3A_469, %parallel_loop3A_470, %parallel_loop3A_471] {strides = array<i32>} : memref<4x32x96xf32, #tpu.memory_space<vmem>>, vector<1x1x16xf32>,
        %parallel_loop3A_473 = vector.shape_cast %parallel_loop3A_472 : vector<1x1x16xf32> to vector<16xf32>
        %parallel_loop3A_474 = vector.shape_cast %parallel_loop3A_467 : vector<16xf32> to vector<1x1x16xf32>
        tpu.vector_store %arg7[%parallel_loop3A_469, %parallel_loop3A_470, %parallel_loop3A_471], %parallel_loop3A_474 {strides = array<i32>} : memref<4x32x96xf32, #tpu.memory_space<vmem>>, vector<1x1x16xf32>,
      } {sc.loop_unroll_factor = 8 : i64, sc.parallel_access}
      %dma_start3A_287 = arith.constant 2 : i32
      %dma_start3A_288 = arith.constant 0 : i32
      %dma_start3A_289 = arith.constant 0 : i32
      %dma_start3A_290 = tpu.memref_slice %arg7[%dma_start3A_287, %dma_start3A_288, %dma_start3A_289] : memref<4x32x96xf32, #tpu.memory_space<vmem>> -> memref<1x32x96xf32, #tpu.memory_space<vmem>>
      %dma_start3A_291 = tpu.memref_squeeze %dma_start3A_290 : memref<1x32x96xf32, #tpu.memory_space<vmem>> -> memref<32x96xf32, #tpu.memory_space<vmem>>
      %dma_start3A_292 = arith.constant 0 : i32
      %dma_start3A_293 = arith.constant 0 : i32
      %dma_start3A_294 = tpu.memref_slice %arg4[%add3A_259, %add3A, %dma_start3A_292, %dma_start3A_293] : memref<48x32x32x96xf32, #tpu.memory_space<hbm>> -> memref<1x1x32x96xf32, #tpu.memory_space<hbm>>
      %dma_start3A_295 = tpu.memref_squeeze %dma_start3A_294 : memref<1x1x32x96xf32, #tpu.memory_space<hbm>> -> memref<32x96xf32, #tpu.memory_space<hbm>>
      %dma_start3A_296 = arith.constant 0 : i32
      %dma_start3A_297 = arith.constant 0 : i32
      %dma_start3A_298 = tpu.memref_slice %arg4[%add3A_259, %add3A, %dma_start3A_296, %dma_start3A_297] : memref<48x32x32x96xf32, #tpu.memory_space<hbm>> -> memref<1x1x32x96xf32, #tpu.memory_space<hbm>>
      %dma_start3A_299 = tpu.memref_squeeze %dma_start3A_298 : memref<1x1x32x96xf32, #tpu.memory_space<hbm>> -> memref<32x96xf32, #tpu.memory_space<hbm>>
      %dma_start3A_300 = arith.constant 0 : i32
      %dma_start3A_301 = arith.constant 0 : i32
      %dma_start3A_302 = tpu.memref_slice %arg7[%dma_start3A_287, %dma_start3A_300, %dma_start3A_301] : memref<4x32x96xf32, #tpu.memory_space<vmem>> -> memref<1x32x96xf32, #tpu.memory_space<vmem>>
      %dma_start3A_303 = tpu.memref_squeeze %dma_start3A_302 : memref<1x32x96xf32, #tpu.memory_space<vmem>> -> memref<32x96xf32, #tpu.memory_space<vmem>>
      tpu.enqueue_dma source(%dma_start3A_303 : memref<32x96xf32, #tpu.memory_space<vmem>>) target(%dma_start3A_299 : memref<32x96xf32, #tpu.memory_space<hbm>>) target_semaphore(%arg14 : memref<!tpu.dma_semaphore, #tpu.memory_space<semaphore_mem>>)
      %add3A_304 = arith.constant 4 : i32
      %add3A_305 = arith.addi %add3A_259, %add3A_304 : i32
      %lt3A_306 = arith.constant 48 : i32
      %lt3A_307 = arith.cmpi slt, %add3A_305, %lt3A_306 : i32
      %convert_element_type3A_308 = arith.extui %lt3A_307 : i1 to i32
      %cond3A_309 = arith.constant 0 : i32
      %cond3A_310 = arith.cmpi ne, %convert_element_type3A_308, %cond3A_309 : i32
      scf.if %cond3A_310 {
        %add3A_366 = arith.constant 4 : i32
        %add3A_367 = arith.addi %add3A_259, %add3A_366 : i32
        %add3A_368 = arith.constant 80 : i32
        %add3A_369 = arith.addi %add3A_368, %add3A_367 : i32
        %dma_start3A_370 = arith.constant 2 : i32
        %dma_start3A_371 = arith.constant 0 : i32
        %dma_start3A_372 = arith.constant 0 : i32
        %dma_start3A_373 = tpu.memref_slice %arg6[%dma_start3A_370, %dma_start3A_371, %dma_start3A_372] : memref<4x32x96xf32, #tpu.memory_space<vmem>> -> memref<1x32x96xf32, #tpu.memory_space<vmem>>
        %dma_start3A_374 = tpu.memref_squeeze %dma_start3A_373 : memref<1x32x96xf32, #tpu.memory_space<vmem>> -> memref<32x96xf32, #tpu.memory_space<vmem>>
        %dma_start3A_375 = arith.constant 0 : i32
        %dma_start3A_376 = arith.constant 0 : i32
        %dma_start3A_377 = tpu.memref_slice %arg2[%add3A_369, %add3A, %dma_start3A_375, %dma_start3A_376] : memref<128x32x32x96xf32, #tpu.memory_space<hbm>> -> memref<1x1x32x96xf32, #tpu.memory_space<hbm>>
        %dma_start3A_378 = tpu.memref_squeeze %dma_start3A_377 : memref<1x1x32x96xf32, #tpu.memory_space<hbm>> -> memref<32x96xf32, #tpu.memory_space<hbm>>
        %dma_start3A_379 = arith.constant 0 : i32
        %dma_start3A_380 = arith.constant 0 : i32
        %dma_start3A_381 = tpu.memref_slice %arg6[%dma_start3A_370, %dma_start3A_379, %dma_start3A_380] : memref<4x32x96xf32, #tpu.memory_space<vmem>> -> memref<1x32x96xf32, #tpu.memory_space<vmem>>
        %dma_start3A_382 = tpu.memref_squeeze %dma_start3A_381 : memref<1x32x96xf32, #tpu.memory_space<vmem>> -> memref<32x96xf32, #tpu.memory_space<vmem>>
        %dma_start3A_383 = arith.constant 0 : i32
        %dma_start3A_384 = arith.constant 0 : i32
        %dma_start3A_385 = tpu.memref_slice %arg2[%add3A_369, %add3A, %dma_start3A_383, %dma_start3A_384] : memref<128x32x32x96xf32, #tpu.memory_space<hbm>> -> memref<1x1x32x96xf32, #tpu.memory_space<hbm>>
        %dma_start3A_386 = tpu.memref_squeeze %dma_start3A_385 : memref<1x1x32x96xf32, #tpu.memory_space<hbm>> -> memref<32x96xf32, #tpu.memory_space<hbm>>
        tpu.enqueue_dma source(%dma_start3A_386 : memref<32x96xf32, #tpu.memory_space<hbm>>) target(%dma_start3A_382 : memref<32x96xf32, #tpu.memory_space<vmem>>) target_semaphore(%arg10 : memref<!tpu.dma_semaphore, #tpu.memory_space<semaphore_mem>>)
      } else {
      }
      %mul3A_311 = arith.constant 4 : i32
      %mul3A_312 = arith.muli %scan3A_150, %mul3A_311 : i32
      %add3A_313 = arith.constant 3 : i32
      %add3A_314 = arith.addi %mul3A_312, %add3A_313 : i32
      %add3A_315 = arith.constant 80 : i32
      %add3A_316 = arith.addi %add3A_315, %add3A_314 : i32
      %dma_wait3A_317 = arith.constant 3 : i32
      %dma_wait3A_318 = arith.constant 0 : i32
      %dma_wait3A_319 = arith.constant 0 : i32
      %dma_wait3A_320 = tpu.memref_slice %arg6[%dma_wait3A_317, %dma_wait3A_318, %dma_wait3A_319] : memref<4x32x96xf32, #tpu.memory_space<vmem>> -> memref<1x32x96xf32, #tpu.memory_space<vmem>>
      %dma_wait3A_321 = tpu.memref_squeeze %dma_wait3A_320 : memref<1x32x96xf32, #tpu.memory_space<vmem>> -> memref<32x96xf32, #tpu.memory_space<vmem>>
      %dma_wait3A_322 = arith.constant 0 : i32
      %dma_wait3A_323 = arith.constant 0 : i32
      %dma_wait3A_324 = tpu.memref_slice %arg2[%add3A_316, %add3A, %dma_wait3A_322, %dma_wait3A_323] : memref<128x32x32x96xf32, #tpu.memory_space<hbm>> -> memref<1x1x32x96xf32, #tpu.memory_space<hbm>>
      %dma_wait3A_325 = tpu.memref_squeeze %dma_wait3A_324 : memref<1x1x32x96xf32, #tpu.memory_space<hbm>> -> memref<32x96xf32, #tpu.memory_space<hbm>>
      %dma_wait3A_326 = arith.constant 0 : i32
      %dma_wait3A_327 = arith.constant 0 : i32
      %dma_wait3A_328 = tpu.memref_slice %arg6[%dma_wait3A_317, %dma_wait3A_326, %dma_wait3A_327] : memref<4x32x96xf32, #tpu.memory_space<vmem>> -> memref<1x32x96xf32, #tpu.memory_space<vmem>>
      %dma_wait3A_329 = tpu.memref_squeeze %dma_wait3A_328 : memref<1x32x96xf32, #tpu.memory_space<vmem>> -> memref<32x96xf32, #tpu.memory_space<vmem>>
      %dma_wait3A_330 = arith.constant 0 : i32
      %dma_wait3A_331 = arith.constant 0 : i32
      %dma_wait3A_332 = tpu.memref_slice %arg2[%add3A_316, %add3A, %dma_wait3A_330, %dma_wait3A_331] : memref<128x32x32x96xf32, #tpu.memory_space<hbm>> -> memref<1x1x32x96xf32, #tpu.memory_space<hbm>>
      %dma_wait3A_333 = tpu.memref_squeeze %dma_wait3A_332 : memref<1x1x32x96xf32, #tpu.memory_space<hbm>> -> memref<32x96xf32, #tpu.memory_space<hbm>>
      tpu.wait_dma2 semaphore(%arg11 : memref<!tpu.dma_semaphore, #tpu.memory_space<semaphore_mem>>) src(%dma_wait3A_333 : memref<32x96xf32, #tpu.memory_space<hbm>>) dst(%dma_wait3A_329 : memref<32x96xf32, #tpu.memory_space<vmem>>)
      %ge3A_334 = arith.constant 1 : i32
      %ge3A_335 = arith.cmpi sge, %scan3A_150, %ge3A_334 : i32
      %convert_element_type3A_336 = arith.extui %ge3A_335 : i1 to i32
      %cond3A_337 = arith.constant 0 : i32
      %cond3A_338 = arith.cmpi ne, %convert_element_type3A_336, %cond3A_337 : i32
      scf.if %cond3A_338 {
        %sub3A = arith.constant 4 : i32
        %sub3A_366 = arith.subi %add3A_314, %sub3A : i32
        %dma_wait3A_367 = arith.constant 3 : i32
        %dma_wait3A_368 = arith.constant 0 : i32
        %dma_wait3A_369 = arith.constant 0 : i32
        %dma_wait3A_370 = tpu.memref_slice %arg7[%dma_wait3A_367, %dma_wait3A_368, %dma_wait3A_369] : memref<4x32x96xf32, #tpu.memory_space<vmem>> -> memref<1x32x96xf32, #tpu.memory_space<vmem>>
        %dma_wait3A_371 = tpu.memref_squeeze %dma_wait3A_370 : memref<1x32x96xf32, #tpu.memory_space<vmem>> -> memref<32x96xf32, #tpu.memory_space<vmem>>
        %dma_wait3A_372 = arith.constant 0 : i32
        %dma_wait3A_373 = arith.constant 0 : i32
        %dma_wait3A_374 = tpu.memref_slice %arg4[%sub3A_366, %add3A, %dma_wait3A_372, %dma_wait3A_373] : memref<48x32x32x96xf32, #tpu.memory_space<hbm>> -> memref<1x1x32x96xf32, #tpu.memory_space<hbm>>
        %dma_wait3A_375 = tpu.memref_squeeze %dma_wait3A_374 : memref<1x1x32x96xf32, #tpu.memory_space<hbm>> -> memref<32x96xf32, #tpu.memory_space<hbm>>
        %dma_wait3A_376 = arith.constant 0 : i32
        %dma_wait3A_377 = arith.constant 0 : i32
        %dma_wait3A_378 = tpu.memref_slice %arg4[%sub3A_366, %add3A, %dma_wait3A_376, %dma_wait3A_377] : memref<48x32x32x96xf32, #tpu.memory_space<hbm>> -> memref<1x1x32x96xf32, #tpu.memory_space<hbm>>
        %dma_wait3A_379 = tpu.memref_squeeze %dma_wait3A_378 : memref<1x1x32x96xf32, #tpu.memory_space<hbm>> -> memref<32x96xf32, #tpu.memory_space<hbm>>
        %dma_wait3A_380 = arith.constant 0 : i32
        %dma_wait3A_381 = arith.constant 0 : i32
        %dma_wait3A_382 = tpu.memref_slice %arg7[%dma_wait3A_367, %dma_wait3A_380, %dma_wait3A_381] : memref<4x32x96xf32, #tpu.memory_space<vmem>> -> memref<1x32x96xf32, #tpu.memory_space<vmem>>
        %dma_wait3A_383 = tpu.memref_squeeze %dma_wait3A_382 : memref<1x32x96xf32, #tpu.memory_space<vmem>> -> memref<32x96xf32, #tpu.memory_space<vmem>>
        tpu.wait_dma2 semaphore(%arg15 : memref<!tpu.dma_semaphore, #tpu.memory_space<semaphore_mem>>) src(%dma_wait3A_383 : memref<32x96xf32, #tpu.memory_space<vmem>>) dst(%dma_wait3A_379 : memref<32x96xf32, #tpu.memory_space<hbm>>)
      } else {
      }
      %parallel_loop3A_339 = arith.constant 0 : i32
      %parallel_loop3A_340 = arith.constant 32 : i32
      %parallel_loop3A_341 = arith.constant 1 : i32
      scf.for %parallel_loop3A_366 = %parallel_loop3A_339 to %parallel_loop3A_340 step %parallel_loop3A_341  : i32 {
        %parallel_loop3A_367 = arith.constant 3 : i32
        %parallel_loop3A_368 = arith.index_cast %parallel_loop3A_367 : i32 to index
        %parallel_loop3A_369 = arith.index_cast %parallel_loop3A_366 : i32 to index
        %parallel_loop3A_370 = arith.constant 0 : index
        %parallel_loop3A_371 = tpu.vector_load %arg6[%parallel_loop3A_368, %parallel_loop3A_369, %parallel_loop3A_370] {strides = array<i32>} : memref<4x32x96xf32, #tpu.memory_space<vmem>>, vector<1x1x16xf32>,
        %parallel_loop3A_372 = vector.shape_cast %parallel_loop3A_371 : vector<1x1x16xf32> to vector<16xf32>
        %parallel_loop3A_373 = arith.index_cast %parallel_loop3A_366 : i32 to index
        %parallel_loop3A_374 = arith.constant 0 : index
        %parallel_loop3A_375 = tpu.vector_load %arg5[%parallel_loop3A_373, %parallel_loop3A_374] {strides = array<i32>} : memref<32x96xf32, #tpu.memory_space<vmem>>, vector<1x16xf32>,
        %parallel_loop3A_376 = vector.shape_cast %parallel_loop3A_375 : vector<1x16xf32> to vector<16xf32>
        %parallel_loop3A_377 = arith.addf %parallel_loop3A_372, %parallel_loop3A_376 : vector<16xf32>
        %parallel_loop3A_378 = arith.constant 3 : i32
        %parallel_loop3A_379 = arith.index_cast %parallel_loop3A_378 : i32 to index
        %parallel_loop3A_380 = arith.index_cast %parallel_loop3A_366 : i32 to index
        %parallel_loop3A_381 = arith.constant 0 : index
        %parallel_loop3A_382 = tpu.vector_load %arg7[%parallel_loop3A_379, %parallel_loop3A_380, %parallel_loop3A_381] {strides = array<i32>} : memref<4x32x96xf32, #tpu.memory_space<vmem>>, vector<1x1x16xf32>,
        %parallel_loop3A_383 = vector.shape_cast %parallel_loop3A_382 : vector<1x1x16xf32> to vector<16xf32>
        %parallel_loop3A_384 = vector.shape_cast %parallel_loop3A_377 : vector<16xf32> to vector<1x1x16xf32>
        tpu.vector_store %arg7[%parallel_loop3A_379, %parallel_loop3A_380, %parallel_loop3A_381], %parallel_loop3A_384 {strides = array<i32>} : memref<4x32x96xf32, #tpu.memory_space<vmem>>, vector<1x1x16xf32>,
        %parallel_loop3A_385 = arith.constant 3 : i32
        %parallel_loop3A_386 = arith.index_cast %parallel_loop3A_385 : i32 to index
        %parallel_loop3A_387 = arith.index_cast %parallel_loop3A_366 : i32 to index
        %parallel_loop3A_388 = arith.constant 16 : index
        %parallel_loop3A_389 = tpu.vector_load %arg6[%parallel_loop3A_386, %parallel_loop3A_387, %parallel_loop3A_388] {strides = array<i32>} : memref<4x32x96xf32, #tpu.memory_space<vmem>>, vector<1x1x16xf32>,
        %parallel_loop3A_390 = vector.shape_cast %parallel_loop3A_389 : vector<1x1x16xf32> to vector<16xf32>
        %parallel_loop3A_391 = arith.index_cast %parallel_loop3A_366 : i32 to index
        %parallel_loop3A_392 = arith.constant 16 : index
        %parallel_loop3A_393 = tpu.vector_load %arg5[%parallel_loop3A_391, %parallel_loop3A_392] {strides = array<i32>} : memref<32x96xf32, #tpu.memory_space<vmem>>, vector<1x16xf32>,
        %parallel_loop3A_394 = vector.shape_cast %parallel_loop3A_393 : vector<1x16xf32> to vector<16xf32>
        %parallel_loop3A_395 = arith.addf %parallel_loop3A_390, %parallel_loop3A_394 : vector<16xf32>
        %parallel_loop3A_396 = arith.constant 3 : i32
        %parallel_loop3A_397 = arith.index_cast %parallel_loop3A_396 : i32 to index
        %parallel_loop3A_398 = arith.index_cast %parallel_loop3A_366 : i32 to index
        %parallel_loop3A_399 = arith.constant 16 : index
        %parallel_loop3A_400 = tpu.vector_load %arg7[%parallel_loop3A_397, %parallel_loop3A_398, %parallel_loop3A_399] {strides = array<i32>} : memref<4x32x96xf32, #tpu.memory_space<vmem>>, vector<1x1x16xf32>,
        %parallel_loop3A_401 = vector.shape_cast %parallel_loop3A_400 : vector<1x1x16xf32> to vector<16xf32>
        %parallel_loop3A_402 = vector.shape_cast %parallel_loop3A_395 : vector<16xf32> to vector<1x1x16xf32>
        tpu.vector_store %arg7[%parallel_loop3A_397, %parallel_loop3A_398, %parallel_loop3A_399], %parallel_loop3A_402 {strides = array<i32>} : memref<4x32x96xf32, #tpu.memory_space<vmem>>, vector<1x1x16xf32>,
        %parallel_loop3A_403 = arith.constant 3 : i32
        %parallel_loop3A_404 = arith.index_cast %parallel_loop3A_403 : i32 to index
        %parallel_loop3A_405 = arith.index_cast %parallel_loop3A_366 : i32 to index
        %parallel_loop3A_406 = arith.constant 32 : index
        %parallel_loop3A_407 = tpu.vector_load %arg6[%parallel_loop3A_404, %parallel_loop3A_405, %parallel_loop3A_406] {strides = array<i32>} : memref<4x32x96xf32, #tpu.memory_space<vmem>>, vector<1x1x16xf32>,
        %parallel_loop3A_408 = vector.shape_cast %parallel_loop3A_407 : vector<1x1x16xf32> to vector<16xf32>
        %parallel_loop3A_409 = arith.index_cast %parallel_loop3A_366 : i32 to index
        %parallel_loop3A_410 = arith.constant 32 : index
        %parallel_loop3A_411 = tpu.vector_load %arg5[%parallel_loop3A_409, %parallel_loop3A_410] {strides = array<i32>} : memref<32x96xf32, #tpu.memory_space<vmem>>, vector<1x16xf32>,
        %parallel_loop3A_412 = vector.shape_cast %parallel_loop3A_411 : vector<1x16xf32> to vector<16xf32>
        %parallel_loop3A_413 = arith.addf %parallel_loop3A_408, %parallel_loop3A_412 : vector<16xf32>
        %parallel_loop3A_414 = arith.constant 3 : i32
        %parallel_loop3A_415 = arith.index_cast %parallel_loop3A_414 : i32 to index
        %parallel_loop3A_416 = arith.index_cast %parallel_loop3A_366 : i32 to index
        %parallel_loop3A_417 = arith.constant 32 : index
        %parallel_loop3A_418 = tpu.vector_load %arg7[%parallel_loop3A_415, %parallel_loop3A_416, %parallel_loop3A_417] {strides = array<i32>} : memref<4x32x96xf32, #tpu.memory_space<vmem>>, vector<1x1x16xf32>,
        %parallel_loop3A_419 = vector.shape_cast %parallel_loop3A_418 : vector<1x1x16xf32> to vector<16xf32>
        %parallel_loop3A_420 = vector.shape_cast %parallel_loop3A_413 : vector<16xf32> to vector<1x1x16xf32>
        tpu.vector_store %arg7[%parallel_loop3A_415, %parallel_loop3A_416, %parallel_loop3A_417], %parallel_loop3A_420 {strides = array<i32>} : memref<4x32x96xf32, #tpu.memory_space<vmem>>, vector<1x1x16xf32>,
        %parallel_loop3A_421 = arith.constant 3 : i32
        %parallel_loop3A_422 = arith.index_cast %parallel_loop3A_421 : i32 to index
        %parallel_loop3A_423 = arith.index_cast %parallel_loop3A_366 : i32 to index
        %parallel_loop3A_424 = arith.constant 48 : index
        %parallel_loop3A_425 = tpu.vector_load %arg6[%parallel_loop3A_422, %parallel_loop3A_423, %parallel_loop3A_424] {strides = array<i32>} : memref<4x32x96xf32, #tpu.memory_space<vmem>>, vector<1x1x16xf32>,
        %parallel_loop3A_426 = vector.shape_cast %parallel_loop3A_425 : vector<1x1x16xf32> to vector<16xf32>
        %parallel_loop3A_427 = arith.index_cast %parallel_loop3A_366 : i32 to index
        %parallel_loop3A_428 = arith.constant 48 : index
        %parallel_loop3A_429 = tpu.vector_load %arg5[%parallel_loop3A_427, %parallel_loop3A_428] {strides = array<i32>} : memref<32x96xf32, #tpu.memory_space<vmem>>, vector<1x16xf32>,
        %parallel_loop3A_430 = vector.shape_cast %parallel_loop3A_429 : vector<1x16xf32> to vector<16xf32>
        %parallel_loop3A_431 = arith.addf %parallel_loop3A_426, %parallel_loop3A_430 : vector<16xf32>
        %parallel_loop3A_432 = arith.constant 3 : i32
        %parallel_loop3A_433 = arith.index_cast %parallel_loop3A_432 : i32 to index
        %parallel_loop3A_434 = arith.index_cast %parallel_loop3A_366 : i32 to index
        %parallel_loop3A_435 = arith.constant 48 : index
        %parallel_loop3A_436 = tpu.vector_load %arg7[%parallel_loop3A_433, %parallel_loop3A_434, %parallel_loop3A_435] {strides = array<i32>} : memref<4x32x96xf32, #tpu.memory_space<vmem>>, vector<1x1x16xf32>,
        %parallel_loop3A_437 = vector.shape_cast %parallel_loop3A_436 : vector<1x1x16xf32> to vector<16xf32>
        %parallel_loop3A_438 = vector.shape_cast %parallel_loop3A_431 : vector<16xf32> to vector<1x1x16xf32>
        tpu.vector_store %arg7[%parallel_loop3A_433, %parallel_loop3A_434, %parallel_loop3A_435], %parallel_loop3A_438 {strides = array<i32>} : memref<4x32x96xf32, #tpu.memory_space<vmem>>, vector<1x1x16xf32>,
        %parallel_loop3A_439 = arith.constant 3 : i32
        %parallel_loop3A_440 = arith.index_cast %parallel_loop3A_439 : i32 to index
        %parallel_loop3A_441 = arith.index_cast %parallel_loop3A_366 : i32 to index
        %parallel_loop3A_442 = arith.constant 64 : index
        %parallel_loop3A_443 = tpu.vector_load %arg6[%parallel_loop3A_440, %parallel_loop3A_441, %parallel_loop3A_442] {strides = array<i32>} : memref<4x32x96xf32, #tpu.memory_space<vmem>>, vector<1x1x16xf32>,
        %parallel_loop3A_444 = vector.shape_cast %parallel_loop3A_443 : vector<1x1x16xf32> to vector<16xf32>
        %parallel_loop3A_445 = arith.index_cast %parallel_loop3A_366 : i32 to index
        %parallel_loop3A_446 = arith.constant 64 : index
        %parallel_loop3A_447 = tpu.vector_load %arg5[%parallel_loop3A_445, %parallel_loop3A_446] {strides = array<i32>} : memref<32x96xf32, #tpu.memory_space<vmem>>, vector<1x16xf32>,
        %parallel_loop3A_448 = vector.shape_cast %parallel_loop3A_447 : vector<1x16xf32> to vector<16xf32>
        %parallel_loop3A_449 = arith.addf %parallel_loop3A_444, %parallel_loop3A_448 : vector<16xf32>
        %parallel_loop3A_450 = arith.constant 3 : i32
        %parallel_loop3A_451 = arith.index_cast %parallel_loop3A_450 : i32 to index
        %parallel_loop3A_452 = arith.index_cast %parallel_loop3A_366 : i32 to index
        %parallel_loop3A_453 = arith.constant 64 : index
        %parallel_loop3A_454 = tpu.vector_load %arg7[%parallel_loop3A_451, %parallel_loop3A_452, %parallel_loop3A_453] {strides = array<i32>} : memref<4x32x96xf32, #tpu.memory_space<vmem>>, vector<1x1x16xf32>,
        %parallel_loop3A_455 = vector.shape_cast %parallel_loop3A_454 : vector<1x1x16xf32> to vector<16xf32>
        %parallel_loop3A_456 = vector.shape_cast %parallel_loop3A_449 : vector<16xf32> to vector<1x1x16xf32>
        tpu.vector_store %arg7[%parallel_loop3A_451, %parallel_loop3A_452, %parallel_loop3A_453], %parallel_loop3A_456 {strides = array<i32>} : memref<4x32x96xf32, #tpu.memory_space<vmem>>, vector<1x1x16xf32>,
        %parallel_loop3A_457 = arith.constant 3 : i32
        %parallel_loop3A_458 = arith.index_cast %parallel_loop3A_457 : i32 to index
        %parallel_loop3A_459 = arith.index_cast %parallel_loop3A_366 : i32 to index
        %parallel_loop3A_460 = arith.constant 80 : index
        %parallel_loop3A_461 = tpu.vector_load %arg6[%parallel_loop3A_458, %parallel_loop3A_459, %parallel_loop3A_460] {strides = array<i32>} : memref<4x32x96xf32, #tpu.memory_space<vmem>>, vector<1x1x16xf32>,
        %parallel_loop3A_462 = vector.shape_cast %parallel_loop3A_461 : vector<1x1x16xf32> to vector<16xf32>
        %parallel_loop3A_463 = arith.index_cast %parallel_loop3A_366 : i32 to index
        %parallel_loop3A_464 = arith.constant 80 : index
        %parallel_loop3A_465 = tpu.vector_load %arg5[%parallel_loop3A_463, %parallel_loop3A_464] {strides = array<i32>} : memref<32x96xf32, #tpu.memory_space<vmem>>, vector<1x16xf32>,
        %parallel_loop3A_466 = vector.shape_cast %parallel_loop3A_465 : vector<1x16xf32> to vector<16xf32>
        %parallel_loop3A_467 = arith.addf %parallel_loop3A_462, %parallel_loop3A_466 : vector<16xf32>
        %parallel_loop3A_468 = arith.constant 3 : i32
        %parallel_loop3A_469 = arith.index_cast %parallel_loop3A_468 : i32 to index
        %parallel_loop3A_470 = arith.index_cast %parallel_loop3A_366 : i32 to index
        %parallel_loop3A_471 = arith.constant 80 : index
        %parallel_loop3A_472 = tpu.vector_load %arg7[%parallel_loop3A_469, %parallel_loop3A_470, %parallel_loop3A_471] {strides = array<i32>} : memref<4x32x96xf32, #tpu.memory_space<vmem>>, vector<1x1x16xf32>,
        %parallel_loop3A_473 = vector.shape_cast %parallel_loop3A_472 : vector<1x1x16xf32> to vector<16xf32>
        %parallel_loop3A_474 = vector.shape_cast %parallel_loop3A_467 : vector<16xf32> to vector<1x1x16xf32>
        tpu.vector_store %arg7[%parallel_loop3A_469, %parallel_loop3A_470, %parallel_loop3A_471], %parallel_loop3A_474 {strides = array<i32>} : memref<4x32x96xf32, #tpu.memory_space<vmem>>, vector<1x1x16xf32>,
      } {sc.loop_unroll_factor = 8 : i64, sc.parallel_access}
      %dma_start3A_342 = arith.constant 3 : i32
      %dma_start3A_343 = arith.constant 0 : i32
      %dma_start3A_344 = arith.constant 0 : i32
      %dma_start3A_345 = tpu.memref_slice %arg7[%dma_start3A_342, %dma_start3A_343, %dma_start3A_344] : memref<4x32x96xf32, #tpu.memory_space<vmem>> -> memref<1x32x96xf32, #tpu.memory_space<vmem>>
      %dma_start3A_346 = tpu.memref_squeeze %dma_start3A_345 : memref<1x32x96xf32, #tpu.memory_space<vmem>> -> memref<32x96xf32, #tpu.memory_space<vmem>>
      %dma_start3A_347 = arith.constant 0 : i32
      %dma_start3A_348 = arith.constant 0 : i32
      %dma_start3A_349 = tpu.memref_slice %arg4[%add3A_314, %add3A, %dma_start3A_347, %dma_start3A_348] : memref<48x32x32x96xf32, #tpu.memory_space<hbm>> -> memref<1x1x32x96xf32, #tpu.memory_space<hbm>>
      %dma_start3A_350 = tpu.memref_squeeze %dma_start3A_349 : memref<1x1x32x96xf32, #tpu.memory_space<hbm>> -> memref<32x96xf32, #tpu.memory_space<hbm>>
      %dma_start3A_351 = arith.constant 0 : i32
      %dma_start3A_352 = arith.constant 0 : i32
      %dma_start3A_353 = tpu.memref_slice %arg4[%add3A_314, %add3A, %dma_start3A_351, %dma_start3A_352] : memref<48x32x32x96xf32, #tpu.memory_space<hbm>> -> memref<1x1x32x96xf32, #tpu.memory_space<hbm>>
      %dma_start3A_354 = tpu.memref_squeeze %dma_start3A_353 : memref<1x1x32x96xf32, #tpu.memory_space<hbm>> -> memref<32x96xf32, #tpu.memory_space<hbm>>
      %dma_start3A_355 = arith.constant 0 : i32
      %dma_start3A_356 = arith.constant 0 : i32
      %dma_start3A_357 = tpu.memref_slice %arg7[%dma_start3A_342, %dma_start3A_355, %dma_start3A_356] : memref<4x32x96xf32, #tpu.memory_space<vmem>> -> memref<1x32x96xf32, #tpu.memory_space<vmem>>
      %dma_start3A_358 = tpu.memref_squeeze %dma_start3A_357 : memref<1x32x96xf32, #tpu.memory_space<vmem>> -> memref<32x96xf32, #tpu.memory_space<vmem>>
      tpu.enqueue_dma source(%dma_start3A_358 : memref<32x96xf32, #tpu.memory_space<vmem>>) target(%dma_start3A_354 : memref<32x96xf32, #tpu.memory_space<hbm>>) target_semaphore(%arg15 : memref<!tpu.dma_semaphore, #tpu.memory_space<semaphore_mem>>)
      %add3A_359 = arith.constant 4 : i32
      %add3A_360 = arith.addi %add3A_314, %add3A_359 : i32
      %lt3A_361 = arith.constant 48 : i32
      %lt3A_362 = arith.cmpi slt, %add3A_360, %lt3A_361 : i32
      %convert_element_type3A_363 = arith.extui %lt3A_362 : i1 to i32
      %cond3A_364 = arith.constant 0 : i32
      %cond3A_365 = arith.cmpi ne, %convert_element_type3A_363, %cond3A_364 : i32
      scf.if %cond3A_365 {
        %add3A_366 = arith.constant 4 : i32
        %add3A_367 = arith.addi %add3A_314, %add3A_366 : i32
        %add3A_368 = arith.constant 80 : i32
        %add3A_369 = arith.addi %add3A_368, %add3A_367 : i32
        %dma_start3A_370 = arith.constant 3 : i32
        %dma_start3A_371 = arith.constant 0 : i32
        %dma_start3A_372 = arith.constant 0 : i32
        %dma_start3A_373 = tpu.memref_slice %arg6[%dma_start3A_370, %dma_start3A_371, %dma_start3A_372] : memref<4x32x96xf32, #tpu.memory_space<vmem>> -> memref<1x32x96xf32, #tpu.memory_space<vmem>>
        %dma_start3A_374 = tpu.memref_squeeze %dma_start3A_373 : memref<1x32x96xf32, #tpu.memory_space<vmem>> -> memref<32x96xf32, #tpu.memory_space<vmem>>
        %dma_start3A_375 = arith.constant 0 : i32
        %dma_start3A_376 = arith.constant 0 : i32
        %dma_start3A_377 = tpu.memref_slice %arg2[%add3A_369, %add3A, %dma_start3A_375, %dma_start3A_376] : memref<128x32x32x96xf32, #tpu.memory_space<hbm>> -> memref<1x1x32x96xf32, #tpu.memory_space<hbm>>
        %dma_start3A_378 = tpu.memref_squeeze %dma_start3A_377 : memref<1x1x32x96xf32, #tpu.memory_space<hbm>> -> memref<32x96xf32, #tpu.memory_space<hbm>>
        %dma_start3A_379 = arith.constant 0 : i32
        %dma_start3A_380 = arith.constant 0 : i32
        %dma_start3A_381 = tpu.memref_slice %arg6[%dma_start3A_370, %dma_start3A_379, %dma_start3A_380] : memref<4x32x96xf32, #tpu.memory_space<vmem>> -> memref<1x32x96xf32, #tpu.memory_space<vmem>>
        %dma_start3A_382 = tpu.memref_squeeze %dma_start3A_381 : memref<1x32x96xf32, #tpu.memory_space<vmem>> -> memref<32x96xf32, #tpu.memory_space<vmem>>
        %dma_start3A_383 = arith.constant 0 : i32
        %dma_start3A_384 = arith.constant 0 : i32
        %dma_start3A_385 = tpu.memref_slice %arg2[%add3A_369, %add3A, %dma_start3A_383, %dma_start3A_384] : memref<128x32x32x96xf32, #tpu.memory_space<hbm>> -> memref<1x1x32x96xf32, #tpu.memory_space<hbm>>
        %dma_start3A_386 = tpu.memref_squeeze %dma_start3A_385 : memref<1x1x32x96xf32, #tpu.memory_space<hbm>> -> memref<32x96xf32, #tpu.memory_space<hbm>>
        tpu.enqueue_dma source(%dma_start3A_386 : memref<32x96xf32, #tpu.memory_space<hbm>>) target(%dma_start3A_382 : memref<32x96xf32, #tpu.memory_space<vmem>>) target_semaphore(%arg11 : memref<!tpu.dma_semaphore, #tpu.memory_space<semaphore_mem>>)
      } else {
      }
    }
    %scan3A_78 = arith.constant 12 : i32
    %dma_wait3A = arith.constant 0 : i32
    %dma_wait3A_79 = arith.constant 0 : i32
    %dma_wait3A_80 = arith.constant 0 : i32
    %dma_wait3A_81 = arith.constant 0 : i32
    %dma_wait3A_82 = tpu.memref_slice %arg7[%dma_wait3A, %dma_wait3A_80, %dma_wait3A_81] : memref<4x32x96xf32, #tpu.memory_space<vmem>> -> memref<1x32x96xf32, #tpu.memory_space<vmem>>
    %dma_wait3A_83 = tpu.memref_squeeze %dma_wait3A_82 : memref<1x32x96xf32, #tpu.memory_space<vmem>> -> memref<32x96xf32, #tpu.memory_space<vmem>>
    %dma_wait3A_84 = arith.constant 0 : i32
    %dma_wait3A_85 = arith.constant 0 : i32
    %dma_wait3A_86 = tpu.memref_slice %arg4[%dma_wait3A_79, %add3A, %dma_wait3A_84, %dma_wait3A_85] : memref<48x32x32x96xf32, #tpu.memory_space<hbm>> -> memref<1x1x32x96xf32, #tpu.memory_space<hbm>>
    %dma_wait3A_87 = tpu.memref_squeeze %dma_wait3A_86 : memref<1x1x32x96xf32, #tpu.memory_space<hbm>> -> memref<32x96xf32, #tpu.memory_space<hbm>>
    %dma_wait3A_88 = arith.constant 0 : i32
    %dma_wait3A_89 = arith.constant 0 : i32
    %dma_wait3A_90 = tpu.memref_slice %arg4[%dma_wait3A_79, %add3A, %dma_wait3A_88, %dma_wait3A_89] : memref<48x32x32x96xf32, #tpu.memory_space<hbm>> -> memref<1x1x32x96xf32, #tpu.memory_space<hbm>>
    %dma_wait3A_91 = tpu.memref_squeeze %dma_wait3A_90 : memref<1x1x32x96xf32, #tpu.memory_space<hbm>> -> memref<32x96xf32, #tpu.memory_space<hbm>>
    %dma_wait3A_92 = arith.constant 0 : i32
    %dma_wait3A_93 = arith.constant 0 : i32
    %dma_wait3A_94 = tpu.memref_slice %arg7[%dma_wait3A, %dma_wait3A_92, %dma_wait3A_93] : memref<4x32x96xf32, #tpu.memory_space<vmem>> -> memref<1x32x96xf32, #tpu.memory_space<vmem>>
    %dma_wait3A_95 = tpu.memref_squeeze %dma_wait3A_94 : memref<1x32x96xf32, #tpu.memory_space<vmem>> -> memref<32x96xf32, #tpu.memory_space<vmem>>
    tpu.wait_dma2 semaphore(%arg12 : memref<!tpu.dma_semaphore, #tpu.memory_space<semaphore_mem>>) src(%dma_wait3A_95 : memref<32x96xf32, #tpu.memory_space<vmem>>) dst(%dma_wait3A_91 : memref<32x96xf32, #tpu.memory_space<hbm>>)
    %dma_wait3A_96 = arith.constant 1 : i32
    %dma_wait3A_97 = arith.constant 0 : i32
    %dma_wait3A_98 = arith.constant 0 : i32
    %dma_wait3A_99 = arith.constant 0 : i32
    %dma_wait3A_100 = tpu.memref_slice %arg7[%dma_wait3A_96, %dma_wait3A_98, %dma_wait3A_99] : memref<4x32x96xf32, #tpu.memory_space<vmem>> -> memref<1x32x96xf32, #tpu.memory_space<vmem>>
    %dma_wait3A_101 = tpu.memref_squeeze %dma_wait3A_100 : memref<1x32x96xf32, #tpu.memory_space<vmem>> -> memref<32x96xf32, #tpu.memory_space<vmem>>
    %dma_wait3A_102 = arith.constant 0 : i32
    %dma_wait3A_103 = arith.constant 0 : i32
    %dma_wait3A_104 = tpu.memref_slice %arg4[%dma_wait3A_97, %add3A, %dma_wait3A_102, %dma_wait3A_103] : memref<48x32x32x96xf32, #tpu.memory_space<hbm>> -> memref<1x1x32x96xf32, #tpu.memory_space<hbm>>
    %dma_wait3A_105 = tpu.memref_squeeze %dma_wait3A_104 : memref<1x1x32x96xf32, #tpu.memory_space<hbm>> -> memref<32x96xf32, #tpu.memory_space<hbm>>
    %dma_wait3A_106 = arith.constant 0 : i32
    %dma_wait3A_107 = arith.constant 0 : i32
    %dma_wait3A_108 = tpu.memref_slice %arg4[%dma_wait3A_97, %add3A, %dma_wait3A_106, %dma_wait3A_107] : memref<48x32x32x96xf32, #tpu.memory_space<hbm>> -> memref<1x1x32x96xf32, #tpu.memory_space<hbm>>
    %dma_wait3A_109 = tpu.memref_squeeze %dma_wait3A_108 : memref<1x1x32x96xf32, #tpu.memory_space<hbm>> -> memref<32x96xf32, #tpu.memory_space<hbm>>
    %dma_wait3A_110 = arith.constant 0 : i32
    %dma_wait3A_111 = arith.constant 0 : i32
    %dma_wait3A_112 = tpu.memref_slice %arg7[%dma_wait3A_96, %dma_wait3A_110, %dma_wait3A_111] : memref<4x32x96xf32, #tpu.memory_space<vmem>> -> memref<1x32x96xf32, #tpu.memory_space<vmem>>
    %dma_wait3A_113 = tpu.memref_squeeze %dma_wait3A_112 : memref<1x32x96xf32, #tpu.memory_space<vmem>> -> memref<32x96xf32, #tpu.memory_space<vmem>>
    tpu.wait_dma2 semaphore(%arg13 : memref<!tpu.dma_semaphore, #tpu.memory_space<semaphore_mem>>) src(%dma_wait3A_113 : memref<32x96xf32, #tpu.memory_space<vmem>>) dst(%dma_wait3A_109 : memref<32x96xf32, #tpu.memory_space<hbm>>)
    %dma_wait3A_114 = arith.constant 2 : i32
    %dma_wait3A_115 = arith.constant 0 : i32
    %dma_wait3A_116 = arith.constant 0 : i32
    %dma_wait3A_117 = arith.constant 0 : i32
    %dma_wait3A_118 = tpu.memref_slice %arg7[%dma_wait3A_114, %dma_wait3A_116, %dma_wait3A_117] : memref<4x32x96xf32, #tpu.memory_space<vmem>> -> memref<1x32x96xf32, #tpu.memory_space<vmem>>
    %dma_wait3A_119 = tpu.memref_squeeze %dma_wait3A_118 : memref<1x32x96xf32, #tpu.memory_space<vmem>> -> memref<32x96xf32, #tpu.memory_space<vmem>>
    %dma_wait3A_120 = arith.constant 0 : i32
    %dma_wait3A_121 = arith.constant 0 : i32
    %dma_wait3A_122 = tpu.memref_slice %arg4[%dma_wait3A_115, %add3A, %dma_wait3A_120, %dma_wait3A_121] : memref<48x32x32x96xf32, #tpu.memory_space<hbm>> -> memref<1x1x32x96xf32, #tpu.memory_space<hbm>>
    %dma_wait3A_123 = tpu.memref_squeeze %dma_wait3A_122 : memref<1x1x32x96xf32, #tpu.memory_space<hbm>> -> memref<32x96xf32, #tpu.memory_space<hbm>>
    %dma_wait3A_124 = arith.constant 0 : i32
    %dma_wait3A_125 = arith.constant 0 : i32
    %dma_wait3A_126 = tpu.memref_slice %arg4[%dma_wait3A_115, %add3A, %dma_wait3A_124, %dma_wait3A_125] : memref<48x32x32x96xf32, #tpu.memory_space<hbm>> -> memref<1x1x32x96xf32, #tpu.memory_space<hbm>>
    %dma_wait3A_127 = tpu.memref_squeeze %dma_wait3A_126 : memref<1x1x32x96xf32, #tpu.memory_space<hbm>> -> memref<32x96xf32, #tpu.memory_space<hbm>>
    %dma_wait3A_128 = arith.constant 0 : i32
    %dma_wait3A_129 = arith.constant 0 : i32
    %dma_wait3A_130 = tpu.memref_slice %arg7[%dma_wait3A_114, %dma_wait3A_128, %dma_wait3A_129] : memref<4x32x96xf32, #tpu.memory_space<vmem>> -> memref<1x32x96xf32, #tpu.memory_space<vmem>>
    %dma_wait3A_131 = tpu.memref_squeeze %dma_wait3A_130 : memref<1x32x96xf32, #tpu.memory_space<vmem>> -> memref<32x96xf32, #tpu.memory_space<vmem>>
    tpu.wait_dma2 semaphore(%arg14 : memref<!tpu.dma_semaphore, #tpu.memory_space<semaphore_mem>>) src(%dma_wait3A_131 : memref<32x96xf32, #tpu.memory_space<vmem>>) dst(%dma_wait3A_127 : memref<32x96xf32, #tpu.memory_space<hbm>>)
    %dma_wait3A_132 = arith.constant 3 : i32
    %dma_wait3A_133 = arith.constant 0 : i32
    %dma_wait3A_134 = arith.constant 0 : i32
    %dma_wait3A_135 = arith.constant 0 : i32
    %dma_wait3A_136 = tpu.memref_slice %arg7[%dma_wait3A_132, %dma_wait3A_134, %dma_wait3A_135] : memref<4x32x96xf32, #tpu.memory_space<vmem>> -> memref<1x32x96xf32, #tpu.memory_space<vmem>>
    %dma_wait3A_137 = tpu.memref_squeeze %dma_wait3A_136 : memref<1x32x96xf32, #tpu.memory_space<vmem>> -> memref<32x96xf32, #tpu.memory_space<vmem>>
    %dma_wait3A_138 = arith.constant 0 : i32
    %dma_wait3A_139 = arith.constant 0 : i32
    %dma_wait3A_140 = tpu.memref_slice %arg4[%dma_wait3A_133, %add3A, %dma_wait3A_138, %dma_wait3A_139] : memref<48x32x32x96xf32, #tpu.memory_space<hbm>> -> memref<1x1x32x96xf32, #tpu.memory_space<hbm>>
    %dma_wait3A_141 = tpu.memref_squeeze %dma_wait3A_140 : memref<1x1x32x96xf32, #tpu.memory_space<hbm>> -> memref<32x96xf32, #tpu.memory_space<hbm>>
    %dma_wait3A_142 = arith.constant 0 : i32
    %dma_wait3A_143 = arith.constant 0 : i32
    %dma_wait3A_144 = tpu.memref_slice %arg4[%dma_wait3A_133, %add3A, %dma_wait3A_142, %dma_wait3A_143] : memref<48x32x32x96xf32, #tpu.memory_space<hbm>> -> memref<1x1x32x96xf32, #tpu.memory_space<hbm>>
    %dma_wait3A_145 = tpu.memref_squeeze %dma_wait3A_144 : memref<1x1x32x96xf32, #tpu.memory_space<hbm>> -> memref<32x96xf32, #tpu.memory_space<hbm>>
    %dma_wait3A_146 = arith.constant 0 : i32
    %dma_wait3A_147 = arith.constant 0 : i32
    %dma_wait3A_148 = tpu.memref_slice %arg7[%dma_wait3A_132, %dma_wait3A_146, %dma_wait3A_147] : memref<4x32x96xf32, #tpu.memory_space<vmem>> -> memref<1x32x96xf32, #tpu.memory_space<vmem>>
    %dma_wait3A_149 = tpu.memref_squeeze %dma_wait3A_148 : memref<1x32x96xf32, #tpu.memory_space<vmem>> -> memref<32x96xf32, #tpu.memory_space<vmem>>
    tpu.wait_dma2 semaphore(%arg15 : memref<!tpu.dma_semaphore, #tpu.memory_space<semaphore_mem>>) src(%dma_wait3A_149 : memref<32x96xf32, #tpu.memory_space<vmem>>) dst(%dma_wait3A_145 : memref<32x96xf32, #tpu.memory_space<hbm>>)
    return
  }
}

module attributes {stable_mosaic.version = 14 : i64} {
  func.func @body(%arg0: i32, %arg1: memref<8x32x3072xf32, #tpu.memory_space<vmem>>, %arg2: memref<64x6144xf32, #tpu.memory_space<vmem>>, %arg3: memref<8x32x3072xf32, #tpu.memory_space<vmem>>) attributes {dimension_semantics = [#tpu.dimension_semantics<arbitrary>], iteration_bounds = array<i64: 10>, scalar_prefetch = 0 : i64, scratch_operands = 0 : i64, tpu.core_type = #tpu.core_type<tc>, window_params = [{transform_indices = @transform_0, window_bounds = array<i64: 8, 32, 3072>}, {pipeline_mode = #tpu.pipeline_mode<synchronous>, transform_indices = @transform_1, window_bounds = array<i64: 64, 6144>}, {transform_indices = @transform_2, window_bounds = array<i64: 8, 32, 3072>}]} {
    %get3A = arith.constant 0 : index
    %get3A_0 = arith.constant 0 : index
    %get3A_1 = arith.constant 0 : index
    %get3A_2 = vector.load %arg1[%get3A, %get3A_0, %get3A_1] : memref<8x32x3072xf32, #tpu.memory_space<vmem>>, vector<8x32x3072xf32>
    %get3A_3 = arith.constant 0 : index
    %get3A_4 = arith.constant 0 : index
    %get3A_5 = vector.load %arg2[%get3A_3, %get3A_4] : memref<64x6144xf32, #tpu.memory_space<vmem>>, vector<32x3072xf32>
    %broadcast_in_dim3A = vector.shape_cast %get3A_5 : vector<32x3072xf32> to vector<1x32x3072xf32>
    %add3A = vector.broadcast %broadcast_in_dim3A : vector<1x32x3072xf32> to vector<8x32x3072xf32>
    %add3A_6 = arith.addf %get3A_2, %add3A : vector<8x32x3072xf32>
    %swap3A = arith.constant 0 : index
    %swap3A_7 = arith.constant 0 : index
    %swap3A_8 = arith.constant 0 : index
    %swap3A_9 = vector.load %arg3[%swap3A, %swap3A_7, %swap3A_8] : memref<8x32x3072xf32, #tpu.memory_space<vmem>>, vector<8x32x3072xf32>
    tpu.vector_store %arg3[%swap3A, %swap3A_7, %swap3A_8], %add3A_6 {strides = array<i32>} : memref<8x32x3072xf32, #tpu.memory_space<vmem>>, vector<8x32x3072xf32>,
    return
  }
  func.func @transform_0(%arg0: i32) -> (i32, i32, i32) {
    %c0_i32 = arith.constant 0 : i32
    %c0_i32_0 = arith.constant 0 : i32
    %c0_i32_1 = arith.constant 0 : i32
    return %arg0, %c0_i32, %c0_i32_0 : i32, i32, i32
  }
  func.func @transform_1(%arg0: i32) -> (i32, i32) {
    %c0_i32 = arith.constant 0 : i32
    %c0_i32_0 = arith.constant 0 : i32
    %c0_i32_1 = arith.constant 0 : i32
    return %c0_i32, %c0_i32_0 : i32, i32
  }
  func.func @transform_2(%arg0: i32) -> (i32, i32, i32) {
    %c0_i32 = arith.constant 0 : i32
    %c0_i32_0 = arith.constant 0 : i32
    %c0_i32_1 = arith.constant 0 : i32
    return %arg0, %c0_i32, %c0_i32_0 : i32, i32, i32
  }
}

</mosaic_0001>

<sc_bundles>
// kernel: kernel.4.cloned.1.call-start
scs
__scs_entry_jumppad:
0x0: {  	(pc) =	sbr.rel $0x88, $3  }
0x1: {  	(tag) =	ssettag $0x0;
	lr =	simm.s32 $0x1  }
0x2: {  	[smem:$0x3F9F] =	sst lr;
	_ =	strace $0xD0000000  }
0x3: {  	_ = 	snop  }
0x4: {  	_ = 	snop  }
0x5: {  	_ = 	snop  }
0x6: {  	_ = 	snop  }
0x7: {  	_ = 	snop  }
__scs_overlays_trampoline_lowered:
0x8: {  	[smem:$0x3FAE] =	sst s0  }
0x9: {  	[smem:$0x3FAF] =	sst s1  }
0xa: {  	[smem:$0x3FB0] =	sst s2  }
0xb: {  	[smem:$0x3FB1] =	sst s3  }
0xc: {  	[smem:$0x3FB2] =	sst s4  }
0xd: {  	[smem:$0x3FB3] =	sst s5  }
0xe: {  	[smem:$0x3FB4] =	sst s6  }
0xf: {  	[smem:$0x3FB5] =	sst s7  }
0x10: {  	[smem:$0x3FB6] =	sst s8  }
0x11: {  	[smem:$0x3FB7] =	sst s9;
	s0 =	simm.s32 @!p0 $0x0  }
0x12: {  	s1 =	sld [smem:$0x3F9D];
	s0 =	simm.s32 @p0 $0x1  }
0x13: {  	[smem:$0x3FB8] =	sst s0;
	s0 =	simm.s32 @!p1 $0x0  }
0x14: {  	s2 =	sld [smem:$0x3F9C];
	s0 =	simm.s32 @p1 $0x1  }
0x15: {  	[smem:$0x3FB9] =	sst s0;
	s0 =	simm.s32 @!p2 $0x0  }
0x16: {  	s3 =	sld [smem:$0x3FDB];
	s0 =	simm.s32 @p2 $0x1  }
0x17: {  	s4 =	simm.s32 $0x1BF5;
	[smem:$0x3FBB] =	sst s0  }
0x18: {  	s0 =	sld [smem:$0x3F9E];
	_ =	swait.ge [sflag:s4], $0x0  }
0x19: {  	s7 =	sld [smem:$0x3F9F]  }
0x1a: {  	s8 =	sadd.s32 $0xFFFFE003, lr  }
0x1b: {  	s9 =	sadd.s32 $0xFFFFFEF7, lr;
	s5 =	simm.s32 $0xFFFFFFFF;
	p2 =	slt.u32 s8, $0xFFFFF086  }
0x1c: {  	p1 =	slt.u32 s9, $0xF7A;
	s5 =	simm.s32 @!p2 $0x0  }
0x1d: {  	s5 =	simm.s32 @p1 $0x1;
	p0 =	seq.s32 s7, s2  }
0x1e: {  	s7 =	smul.u32 @!p0 $0xF7A, s2;
	p2 =	seq.s32 @!p0 s5, $0x0  }
0x1f: {  	s9 =	smul.u32 $0xF7A, s1;
	s8 =	simm.s32 @!p0 $0x1BF5;
	p2 =	por !p2, p0  }
0x20: {  	[sflag:s8] =	ssyncset.s32 @!p0 $0xFFFFF086;
	s6 =	sadd.s32 @!p0 s3, s7;
	s7 =	simm.s32 @!p0 $0x108  }
0x21: {  	s3 =	sadd.s32 s3, s9;
	s6 =	sadd.s32 @!p0 $0x88, s6;
	s7 =	simm.s32 @p2 $0x1082  }
0x22: {  	[simem:s7], [sflag:s8] =	dma.local @!p0 [hbm:s6], $0xF7A  }
0x23: {  	s9 =	sor.u32 $0xD0000000, s2;
	s6 =	simm.s32 $0x108;
	_ =	swait.ge @!p0 [sflag:s8], $0x0  }
0x24: {  	s3 =	sadd.s32 $0x88, s3;
	s6 =	simm.s32 @!p1 $0x1082;
	[sflag:s4] =	ssyncset.s32 $0xFFFFF086  }
0x25: {  	[simem:s6], [sflag:s4] =	dma.local [hbm:s3], $0xF7A  }
0x26: {  	[smem:$0x3F9F] =	sst s1;
	(tag) =	ssettag s2;
	_ =	strace s9  }
0x27: {  	s1 =	sld [smem:$0x3FAF]  }
0x28: {  	s2 =	sld [smem:$0x3FB0]  }
0x29: {  	s4 =	sld [smem:$0x3FB2]  }
0x2a: {  	p0 =	seq.s32 s5, $0x0;
	s5 =	sld [smem:$0x3FB3]  }
0x2b: {  	s6 =	sld [smem:$0x3FB4]  }
0x2c: {  	s7 =	sld [smem:$0x3FB5]  }
0x2d: {  	s3 =	simm.s32 $0x108;
	s8 =	sld [smem:$0x3FB6]  }
0x2e: {  	s3 =	simm.s32 @!p0 $0x1082;
	s9 =	sld [smem:$0x3FB7]  }
0x2f: {  	lr =	sadd.s32 s0, s3;
	s0 =	sld [smem:$0x3FAE]  }
0x30: {  	s3 =	sld [smem:$0x3FB1]  }
0x31: {  	[smem:$0x3FBA] =	sst s10  }
0x32: {  	s10 =	sld [smem:$0x3FB8];
	_ =	sdelay $0x3  }
0x33: {  	p0 =	seq.s32 s10, $0x1;
	s10 =	sld [smem:$0x3FBA];
	_ =	sdelay $0x3  }
0x34: {  	[smem:$0x3FBA] =	sst s10  }
0x35: {  	s10 =	sld [smem:$0x3FB9];
	_ =	sdelay $0x3  }
0x36: {  	p1 =	seq.s32 s10, $0x1;
	s10 =	sld [smem:$0x3FBA];
	_ =	sdelay $0x3  }
0x37: {  	[smem:$0x3FBA] =	sst s10  }
0x38: {  	s10 =	sld [smem:$0x3FBB]  }
0x39: {  	_ = 	snop;
	(pc) =	sbr.ind lr, $3  }
0x3a: {  	_ = 	snop  }
0x3b: {  	_ = 	snop  }
0x3c: {  	p2 =	seq.s32 s10, $0x1;
	s10 =	sld [smem:$0x3FBA]  }
0x3d: {  	_ =	shalt  }
0x3e: {  	_ =	shalt  }
0x3f: {  	_ =	shalt  }
0x40: {  	_ =	shalt  }
0x41: {  	_ =	shalt  }
0x42: {  	_ =	shalt  }
0x43: {  	_ =	shalt  }
0x44: {  	_ =	shalt  }
0x45: {  	_ =	shalt  }
0x46: {  	_ =	shalt  }
0x47: {  	_ =	shalt  }
0x48: {  	_ =	shalt  }
0x49: {  	_ =	shalt  }
0x4a: {  	_ =	shalt  }
0x4b: {  	_ =	shalt  }
0x4c: {  	_ =	shalt  }
0x4d: {  	_ =	shalt  }
0x4e: {  	_ =	shalt  }
0x4f: {  	_ =	shalt  }
0x50: {  	_ =	shalt  }
0x51: {  	_ =	shalt  }
0x52: {  	_ =	shalt  }
0x53: {  	_ =	shalt  }
0x54: {  	_ =	shalt  }
0x55: {  	_ =	shalt  }
0x56: {  	_ =	shalt  }
0x57: {  	_ =	shalt  }
0x58: {  	_ =	shalt  }
0x59: {  	_ =	shalt  }
0x5a: {  	_ =	shalt  }
0x5b: {  	_ =	shalt  }
0x5c: {  	_ =	shalt  }
0x5d: {  	_ =	shalt  }
0x5e: {  	_ =	shalt  }
0x5f: {  	_ =	shalt  }
0x60: {  	_ =	shalt  }
0x61: {  	_ =	shalt  }
0x62: {  	_ =	shalt  }
0x63: {  	_ =	shalt  }
0x64: {  	_ =	shalt  }
0x65: {  	_ =	shalt  }
0x66: {  	_ =	shalt  }
0x67: {  	_ =	shalt  }
0x68: {  	_ =	shalt  }
0x69: {  	_ =	shalt  }
0x6a: {  	_ =	shalt  }
0x6b: {  	_ =	shalt  }
0x6c: {  	_ =	shalt  }
0x6d: {  	_ =	shalt  }
0x6e: {  	_ =	shalt  }
0x6f: {  	_ =	shalt  }
0x70: {  	_ =	shalt  }
0x71: {  	_ =	shalt  }
0x72: {  	_ =	shalt  }
0x73: {  	_ =	shalt  }
0x74: {  	_ =	shalt  }
0x75: {  	_ =	shalt  }
0x76: {  	_ =	shalt  }
0x77: {  	_ =	shalt  }
0x78: {  	_ =	shalt  }
0x79: {  	_ =	shalt  }
0x7a: {  	_ =	shalt  }
0x7b: {  	_ =	shalt  }
0x7c: {  	_ =	shalt  }
0x7d: {  	_ =	shalt  }
0x7e: {  	_ =	shalt  }
0x7f: {  	_ =	shalt  }
0x80: {  	_ =	shalt  }
0x81: {  	_ =	shalt  }
0x82: {  	_ =	shalt  }
0x83: {  	_ =	shalt  }
0x84: {  	_ =	shalt  }
0x85: {  	_ =	shalt  }
0x86: {  	_ =	shalt  }
0x87: {  	_ =	shalt  }
.Lfunc_end0:
.L_simem_size_0:
called_computation_lowered:
.L_overlay_start_0:
0x88: {  	s2 =	sld [smem:$0x3FD9]  }
0x89: {  	s3 =	sld [smem:$0x3FFE];
	_ =	sdelay $0x1  }
0x8a: {  	s1 =	srdreg.scid  }
0x8b: {  	s0 =	sand.u32 $0x1, s1  }
0x8c: {  	s16 =	sshll.u32 s0, $0xA;
	s2 =	sadd.s32 s3, s2  }
0x8d: {  	s2 =	sadd.s32 s2, s16  }
0x8e: {  	[smem:$0x3FC6] =	sst s2  }
0x8f: {  	_ = 	snop  }
0x90: {  	(tm) =	ssettm $0x1  }
0x91: {  	s17 =	sld [smem:$0x3FFB];
	_ =	sdelay $0x3  }
0x92: {  	_ =	strace s17  }
0x93: {  	s2 =	sld [smem:$0x3FFC];
	_ =	sdelay $0x3  }
0x94: {  	_ =	strace s2  }
0x95: {  	s2 =	sld [smem:$0x3FFD];
	_ =	sdelay $0x3  }
0x96: {  	_ =	strace s2  }
0x97: {  	_ =	strace $0x8FFFFFFF  }
0x98: {  	s18 =	sld [smem:$0x3FDB];
	_ =	sdelay $0x1  }
0x99: {  	s19 =	simm.s32 $_scs_section_size  }
0x9a: {  	s4 =	simm.s32 $_size__tile_overlayer_lowered;
	s5 =	simm.s32 $_tile_overlayer_lowered  }
0x9b: {  	s22 =	simm.s32 $0x1BFF;
	s21 =	sshll.u32 s5, $0x1;
	s2 =	sadd.s32 s19, s18  }
0x9c: {  	s6 =	simm.s32 $0x0;
	s20 =	sshll.u32 s4, $0x1;
	s4 =	sadd.s32 s21, s2  }
0x9d: {  	[timem:s6], [sflag:s22] =	dma.local [hbm:s4], s20  }
0x9e: {  	_ =	swait.ge [sflag:s22], s20  }
0x9f: {  	s3 =	ssub.s32 $0x0, s20;
	[sflag:s22] =	ssyncset.done $0x0  }
0xa0: {  	[sflag:s22] =	ssyncadd.s32 s3;
	_ =	sdelay $0x1  }
0xa1: {  	s23 =	simm.s32 $0x1B8B  }
0xa2: {  	_ =	swait.ge [sflag:s23], $0x1  }
0xa3: {  	[sflag:s23] =	ssyncset.done $0x0  }
0xa4: {  	s25 =	simm.s32 $0x1B8E;
	s24 =	sld [smem:$0x3FFE];
	[sflag:s23] =	ssyncadd.s32 $0xFFFFFFFF  }
0xa5: {  	s26 =	simm.s32 $execute0_lowered;
	[smem:$0x3FD2] =	sst s25  }
0xa6: {  	s4 =	sshll.u32 s26, $0x1;
	_ =	strace $0x80000046;
	[dreg:$0x1] =	wrdreg $0xFFFFFFFF  }
0xa7: {  	s28 =	simm.s32 $_size_execute0_lowered;
	s2 =	sadd.s32 s2, s4;
	[dreg:$0x0] =	wrdreg $0x0  }
0xa8: {  	s4 =	sshll.u32 s28, $0x1;
	[dreg:$0x2] =	wrdreg s2  }
0xa9: {  	[dreg:$0x3] =	wrdreg s4  }
0xaa: {  	[dreg:$0x4] =	wrdreg $0xC0  }
0xab: {  	_ =	task [dreg:s6], $0x5FFFF  }
0xac: {  	[dreg:$0x1] =	wrdreg $0xFFFFFFFF  }
0xad: {  	[dreg:$0x0] =	wrdreg $0x60  }
0xae: {  	[dreg:$0x2] =	wrdreg s24  }
0xaf: {  	[dreg:$0x3] =	wrdreg $0x9  }
0xb0: {  	_ =	task.clear_ibuf [dreg:s6], $0x4FFFF;
	_ =	strace $0x90000046  }
0xb1: {  	s29 =	simm.s32 $0x9;
	_ =	strace $0x80000048  }
0xb2: {  	_ =	swait.ge [sflag:s29], $0x1  }
0xb3: {  	[sflag:s29] =	ssyncadd.s32 $0xFFFFFFFF  }
0xb4: {  	_ =	strace $0x90000048  }
0xb5: {  	_ =	sfence  }
0xb6: {  	s30 =	sld [smem:$0x0];
	_ =	sdelay $0x2  }
0xb7: {  	s31 =	sshll.u32 s1, $0xD;
	s1 =	sshrl.u32 s1, $0x2  }
0xb8: {  	s3 =	sand.u32 $0x4000, s31;
	s1 =	sadd.s32 s1, s30  }
0xb9: {  	s0 =	sor.u32 s3, s0;
	s1 =	sshll.u32 s1, $0x11  }
0xba: {  	s0 =	sor.u32 s1, s0  }
0xbb: {  	s0 =	sadd.s32 $0x8F2B, s0  }
0xbc: {  	[sflag:s0] =	ssyncadd.remote.s32 $0x1  }
0xbd: {  	_ =	sfence.sel $0xFFFF  }
0xbe: {  	[dreg:$0x0] =	wrdreg $0xFFFFFFFF;
	(pc) =	sbr.abs _section_cstart, $3  }
0xbf: {  	[dreg:$0x1] =	wrdreg $0xFFFFFFFF  }
0xc0: {  	_ =	task.clear_ibuf [dreg:s6], $0x2FFFF;
	_ =	strace $0x9FFFFFFF  }
0xc1: {  	(tm) =	ssettm $0x7FFFFFFF  }
tec
execute0_lowered:
.L_overlay_start_1:
0x0: {  	(tag) =	ssettag $0x1  }
0x1: {  	s0 =	rddreg [dreg:$0x0];
	s1 =	srdreg.scid  }
0x2: {  	s3 =	stileid.u32;
	s2 =	simm.s32 $0x0;
	s28 =	simm.s32 $0x6  }
0x3: {  	s29 =	simm.s32 $0x6000;
	s30 =	simm.s32 $0x3;
	s31 =	simm.s32 $0x7  }
0x4: {  	s9 =	simm.s32 $0x0;
	s1 =	sand.u32 $0x1, s1;
	[smem:$0x7FF] =	sst s2  }
0x5: {  	s3 =	sshll.u32 s3, $0x1;
	s15 =	sadd.s32 $0x214600, s0;
	s16 =	sadd.s32 $0x218600, s0  }
0x6: {  	s17 =	sadd.s32 $0x21C600, s0;
	s5 =	sor.u32 s1, s3;
	_ =	strace $0x80000047  }
0x7: {  	s1 =	ssub.s32 $0x2, s1;
	s3 =	sadd.s32 $0x10600, s0;
	s4 =	sshll.u32 s5, $0xA  }
0x8: {  	s7 =	sshrl.u32 s1, $0x1;
	s22 =	sshll.u32 s5, $0x9;
	s6 =	sadd.s32 s4, s0  }
0x9: {  	s4 =	sadd.s32 $0x210600, s0;
	s1 =	ssub.s32 s1, s7;
	s23 =	sadd.s32 s22, s3  }
0xa: {  	s22 =	simm.s32 $0x3000;
	s0 =	simm.s32 $0x7000;
	s6 =	sadd.s32 $0x600, s6  }
0xb: {  	s7 =	sadd.s32 $0x140000, s23;
	s24 =	sadd.s32 $0x144000, s23;
	[dreg:$0x2] =	wrdreg s6  }
0xc: {  	s25 =	sadd.s32 $0x148000, s23;
	s26 =	smax.u32 s1, $0x1;
	[dreg:$0x3] =	wrdreg s7  }
0xd: {  	s1 =	simm.s32 $0x4;
	s6 =	sshll.u32 s5, $0xC;
	[dreg:$0x4] =	wrdreg s24  }
.Ltmp0:
0xe: {  	[dreg:$0x5] =	wrdreg s25;
	s5 =	sadd.s32 $0x14C000, s23;
	(pc) =	sbr.rel .LBB2_1-.Ltmp0, $4  }
0xf: {  	[dreg:$0x7] =	wrdreg s26;
	s23 =	simm.s32 $0x4000;
	s24 =	simm.s32 $0x1  }
0x10: {  	s25 =	simm.s32 $0x5000;
	s26 =	simm.s32 $0x2;
	s7 =	simm.s32 $0x8000  }
0x11: {  	[dreg:$0x6] =	wrdreg s5;
	s11 =	sor.u32 $0xA80000, s6;
	s12 =	sor.u32 $0xAA0000, s6  }
0x12: {  	s13 =	sor.u32 $0xAC0000, s6;
	s14 =	sor.u32 $0xAE0000, s6;
	s5 =	simm.s32 $0x8  }
.LBB2_24:
0x13: {  	s8 =	simm.s32 $0x5  }
0x14: {  	_ =	swait.ge [sflag:s8], $0x1000  }
0x15: {  	[sflag:s8] =	ssyncset.done $0x0  }
0x16: {  	[sflag:s8] =	ssyncadd.s32 $0xFFFFF000  }
0x17: {  	_ =	swait.ge [sflag:s28], $0x1000  }
0x18: {  	[sflag:s28] =	ssyncset.done $0x0  }
0x19: {  	[sflag:s28] =	ssyncadd.s32 $0xFFFFF000  }
0x1a: {  	_ =	swait.ge [sflag:s31], $0x1000  }
0x1b: {  	[sflag:s31] =	ssyncset.done $0x0  }
0x1c: {  	[sflag:s31] =	ssyncadd.s32 $0xFFFFF000  }
0x1d: {  	_ =	swait.ge [sflag:s5], $0x1000  }
0x1e: {  	s9 =	rddreg [dreg:$0x8]  }
0x1f: {  	s21 =	rddreg [dreg:$0x7];
	s9 =	sadd.s32 $0x1, s9  }
0x20: {  	p0 =	sne.s32 s9, s21  }
.Ltmp1:
0x21: {  	_ = 	snop;
	(pc) =	sbr.rel @!p0 .LBB2_25-.Ltmp1, $3  }
0x22: {  	_ =	sdelay $0x1  }
0x23: {  	[sflag:s5] =	ssyncset.done $0x0  }
0x24: {  	[sflag:s5] =	ssyncadd.s32 $0xFFFFF000  }
.LBB2_1:
0x25: {  	[dreg:$0x8] =	wrdreg s9  }
0x26: {  	s8 =	rddreg [dreg:$0x2];
	s21 =	simm.s32 $0x9  }
0x27: {  	[tilespmem:s2], [sflag:$0x9] =	stream.linear.gather [hbm4b:s8+s2], $0x1000, $0x38;
	[tilespmem:$0x9000] =	vst v63  }
0x28: {  	_ =	swait.ge [sflag:s21], $0x1000  }
0x29: {  	[sflag:s21] =	ssyncset.done $0x0  }
0x2a: {  	s10 =	simm.s32 $0x1000;
	s9 =	rddreg [dreg:$0x3];
	[sflag:s21] =	ssyncadd.s32 $0xFFFFF000  }
0x2b: {  	[tilespmem:s10], [sflag:$0x1] =	stream.linear.gather [hbm4b:s9+s2], $0x1000, $0x38;
	[tilespmem:$0x9000] =	vst v63  }
0x2c: {  	s19 =	simm.s32 $0x2000;
	s18 =	rddreg [dreg:$0x4]  }
0x2d: {  	[tilespmem:s19], [sflag:$0x2] =	stream.linear.gather [hbm4b:s18+s2], $0x1000, $0x38;
	[tilespmem:$0x9000] =	vst v63  }
0x2e: {  	s20 =	rddreg [dreg:$0x5]  }
0x2f: {  	[tilespmem:s22], [sflag:$0x3] =	stream.linear.gather [hbm4b:s20+s2], $0x1000, $0x38;
	[tilespmem:$0x9000] =	vst v63  }
0x30: {  	s21 =	rddreg [dreg:$0x6];
	s10 =	simm.s32 $0x0  }
0x31: {  	[tilespmem:s23], [sflag:$0x4] =	stream.linear.gather [hbm4b:s21+s2], $0x1000, $0x38;
	[tilespmem:$0x9000] =	vst v63  }
.LBB2_2:
0x32: {  	_ =	swait.ge [sflag:s24], $0x1000  }
0x33: {  	p0 =	seq.s32 s10, $0x0;
	[sflag:s24] =	ssyncset.done $0x0  }
0x34: {  	s8 =	simm.s32 @!p0 $0x5;
	[sflag:s24] =	ssyncadd.s32 $0xFFFFF000  }
0x35: {  	_ =	swait.ge @!p0 [sflag:s8], $0x1000  }
0x36: {  	[sflag:s8] =	ssyncset.done @!p0 $0x0  }
0x37: {  	s9 =	simm.s32 $0x1200;
	[sflag:s8] =	ssyncadd.s32 @!p0 $0xFFFFF000  }
0x38: {  	s18 =	simm.s32 $0x200;
	v0 =	vld [tilespmem:s9+$0x180]  }
0x39: {  	v1 =	vld [tilespmem:s18+$0x180]  }
0x3a: {  	v2 =	vld [tilespmem:s18+$0xFFFFFE00]  }
0x3b: {  	v3 =	vld [tilespmem:s9+$0xFFFFFE80]  }
0x3c: {  	v4 =	vld [tilespmem:s18+$0xFFFFFE80]  }
0x3d: {  	v5 =	vld [tilespmem:s9+$0xFFFFFF00]  }
0x3e: {  	v6 =	vld [tilespmem:s18+$0xFFFFFF00]  }
0x3f: {  	v7 =	vld [tilespmem:s18+$0xFFFFFF80]  }
0x40: {  	v9 =	vld [tilespmem:s9+$0x0]  }
0x41: {  	v10 =	vld [tilespmem:s18+$0x0];
	v0 =	vadd.f32 v1, v0  }
0x42: {  	s8 =	simm.s32 $0x5200;
	v11 =	vld [tilespmem:s9+$0x80]  }
0x43: {  	v1 =	vld [tilespmem:s9+$0xFFFFFF80];
	[tilespmem:s8+$0x180] =	vst v0  }
0x44: {  	v0 =	vld [tilespmem:s9+$0x190]  }
0x45: {  	v8 =	vld [tilespmem:s18+$0x190]  }
0x46: {  	v3 =	vadd.f32 v4, v3;
	v4 =	vld [tilespmem:s9+$0xFFFFFE00]  }
0x47: {  	v12 =	vld [tilespmem:s18+$0x80]  }
0x48: {  	v13 =	vld [tilespmem:s9+$0x100];
	[tilespmem:s8+$0xFFFFFE80] =	vst v3;
	v3 =	vadd.f32 v6, v5  }
0x49: {  	v6 =	vld [tilespmem:s9+$0xFFFFFE90];
	v1 =	vadd.f32 v7, v1  }
0x4a: {  	[tilespmem:s8+$0xFFFFFF00] =	vst v3;
	v3 =	vld [tilespmem:s18+$0xFFFFFE90];
	v0 =	vadd.f32 v8, v0  }
0x4b: {  	v2 =	vadd.f32 v2, v4;
	v4 =	vld [tilespmem:s9+$0xFFFFFF10];
	[tilespmem:s8+$0xFFFFFF80] =	vst v1  }
0x4c: {  	v1 =	vld [tilespmem:s18+$0xFFFFFF10];
	[tilespmem:s8+$0x190] =	vst v0  }
0x4d: {  	v0 =	vld [tilespmem:s9+$0x1A0]  }
0x4e: {  	v5 =	vld [tilespmem:s18+$0x1A0]  }
0x4f: {  	[tilespmem:s8+$0xFFFFFE00] =	vst v2;
	v2 =	vld [tilespmem:s9+$0xFFFFFF90]  }
0x50: {  	v43 =	vld [tilespmem:s18+$0xFFFFFF90]  }
0x51: {  	v8 =	vld [tilespmem:s18+$0x100];
	v3 =	vadd.f32 v3, v6  }
0x52: {  	v7 =	vld [tilespmem:s18+$0xFFFFFE10];
	v1 =	vadd.f32 v1, v4  }
0x53: {  	[tilespmem:s8+$0xFFFFFE90] =	vst v3;
	v0 =	vadd.f32 v5, v0;
	v5 =	vld [tilespmem:s9+$0xFFFFFE10]  }
0x54: {  	v4 =	vld [tilespmem:s9+$0xFFFFFEA0];
	[tilespmem:s8+$0xFFFFFF10] =	vst v1  }
0x55: {  	v1 =	vadd.f32 v43, v2;
	v2 =	vld [tilespmem:s18+$0xFFFFFEA0];
	[tilespmem:s8+$0x1A0] =	vst v0;
	v0 =	vadd.f32 v10, v9  }
0x56: {  	v41 =	vld [tilespmem:s9+$0x1B0]  }
0x57: {  	v42 =	vld [tilespmem:s18+$0x1B0];
	[tilespmem:s8+$0x0] =	vst v0;
	v0 =	vadd.f32 v12, v11  }
0x58: {  	v47 =	vld [tilespmem:s9+$0xFFFFFF20];
	[tilespmem:s8+$0xFFFFFF90] =	vst v1;
	v5 =	vadd.f32 v7, v5  }
0x59: {  	v1 =	vld [tilespmem:s18+$0xFFFFFF20];
	[tilespmem:s8+$0x80] =	vst v0;
	v0 =	vadd.f32 v8, v13  }
0x5a: {  	v45 =	vld [tilespmem:s9+$0x90];
	[tilespmem:s8+$0xFFFFFE10] =	vst v5  }
0x5b: {  	[tilespmem:s8+$0x100] =	vst v0;
	v0 =	vld [tilespmem:s18+$0x90]  }
0x5c: {  	v9 =	vadd.f32 v42, v41;
	v6 =	vld [tilespmem:s9+$0xFFFFFE20]  }
0x5d: {  	v46 =	vld [tilespmem:s9+$0x110]  }
0x5e: {  	v7 =	vld [tilespmem:s18+$0x110];
	[tilespmem:s8+$0x1B0] =	vst v9  }
0x5f: {  	v9 =	vld [tilespmem:s9+$0x1C0]  }
0x60: {  	v5 =	vld [tilespmem:s18+$0x1C0]  }
0x61: {  	v3 =	vld [tilespmem:s18+$0xFFFFFE20]  }
0x62: {  	v44 =	vld [tilespmem:s9+$0x10];
	v0 =	vadd.f32 v0, v45  }
0x63: {  	v8 =	vld [tilespmem:s18+$0x10]  }
0x64: {  	v48 =	vld [tilespmem:s9+$0xFFFFFFA0];
	[tilespmem:s8+$0x90] =	vst v0;
	v0 =	vadd.f32 v7, v46  }
0x65: {  	v5 =	vadd.f32 v5, v9;
	v51 =	vld [tilespmem:s9+$0xA0]  }
0x66: {  	[tilespmem:s8+$0x110] =	vst v0;
	v0 =	vadd.f32 v3, v6;
	v3 =	vld [tilespmem:s18+$0xA0]  }
0x67: {  	[tilespmem:s8+$0x1C0] =	vst v5;
	v6 =	vld [tilespmem:s9+$0x120]  }
0x68: {  	v5 =	vadd.f32 v8, v44;
	v8 =	vld [tilespmem:s9+$0x1D0]  }
0x69: {  	v49 =	vld [tilespmem:s18+$0x1D0];
	[tilespmem:s8+$0xFFFFFE20] =	vst v0  }
0x6a: {  	[tilespmem:s8+$0x10] =	vst v5;
	v5 =	vld [tilespmem:s18+$0xFFFFFFA0]  }
0x6b: {  	v0 =	vadd.f32 v2, v4;
	v4 =	vld [tilespmem:s9+$0xFFFFFE30]  }
0x6c: {  	v50 =	vld [tilespmem:s9+$0x20]  }
0x6d: {  	[tilespmem:s8+$0xFFFFFEA0] =	vst v0;
	v0 =	vadd.f32 v1, v47;
	v1 =	vld [tilespmem:s18+$0xFFFFFE30]  }
0x6e: {  	v7 =	vld [tilespmem:s18+$0x20]  }
0x6f: {  	v2 =	vld [tilespmem:s18+$0x120]  }
0x70: {  	v52 =	vld [tilespmem:s9+$0xFFFFFEB0];
	[tilespmem:s8+$0xFFFFFF20] =	vst v0  }
0x71: {  	v53 =	vld [tilespmem:s9+$0xFFFFFF30];
	v0 =	vadd.f32 v5, v48  }
0x72: {  	v5 =	vld [tilespmem:s18+$0xFFFFFEB0];
	v1 =	vadd.f32 v1, v4  }
0x73: {  	[tilespmem:s8+$0xFFFFFFA0] =	vst v0;
	v0 =	vadd.f32 v7, v50;
	v7 =	vld [tilespmem:s18+$0xFFFFFF30]  }
0x74: {  	v54 =	vld [tilespmem:s9+$0xFFFFFFB0];
	[tilespmem:s8+$0xFFFFFE30] =	vst v1  }
0x75: {  	[tilespmem:s8+$0x20] =	vst v0;
	v0 =	vadd.f32 v3, v51;
	v3 =	vld [tilespmem:s18+$0xFFFFFFB0]  }
0x76: {  	v56 =	vld [tilespmem:s9+$0xFFFFFE40]  }
0x77: {  	v55 =	vld [tilespmem:s9+$0x30]  }
0x78: {  	v1 =	vadd.f32 v5, v52;
	[tilespmem:s8+$0xA0] =	vst v0;
	v0 =	vadd.f32 v2, v6;
	v2 =	vld [tilespmem:s18+$0x30]  }
0x79: {  	v6 =	vld [tilespmem:s9+$0xB0]  }
0x7a: {  	[tilespmem:s8+$0xFFFFFEB0] =	vst v1;
	v1 =	vadd.f32 v7, v53;
	v7 =	vld [tilespmem:s18+$0xFFFFFE40]  }
0x7b: {  	[tilespmem:s8+$0x120] =	vst v0;
	v0 =	vld [tilespmem:s18+$0xB0]  }
0x7c: {  	v57 =	vld [tilespmem:s9+$0xFFFFFEC0]  }
0x7d: {  	v4 =	vld [tilespmem:s9+$0x130]  }
0x7e: {  	v5 =	vld [tilespmem:s18+$0x130]  }
0x7f: {  	[tilespmem:s8+$0xFFFFFF30] =	vst v1;
	v1 =	vadd.f32 v3, v54;
	v3 =	vld [tilespmem:s18+$0xFFFFFEC0]  }
0x80: {  	v58 =	vld [tilespmem:s9+$0xFFFFFF40]  }
0x81: {  	[tilespmem:s8+$0xFFFFFFB0] =	vst v1;
	v1 =	vadd.f32 v2, v55;
	v2 =	vld [tilespmem:s18+$0xFFFFFF40]  }
0x82: {  	v59 =	vld [tilespmem:s9+$0xFFFFFFC0];
	v7 =	vadd.f32 v7, v56  }
0x83: {  	[tilespmem:s8+$0x30] =	vst v1;
	v0 =	vadd.f32 v0, v6;
	v1 =	vld [tilespmem:s18+$0xFFFFFFC0]  }
0x84: {  	v6 =	vld [tilespmem:s9+$0x40];
	[tilespmem:s8+$0xFFFFFE40] =	vst v7  }
0x85: {  	[tilespmem:s8+$0xB0] =	vst v0;
	v0 =	vadd.f32 v5, v4;
	v4 =	vld [tilespmem:s18+$0x40]  }
0x86: {  	v3 =	vadd.f32 v3, v57;
	v61 =	vld [tilespmem:s9+$0xFFFFFE50]  }
0x87: {  	v5 =	vld [tilespmem:s9+$0xC0]  }
0x88: {  	[tilespmem:s8+$0xFFFFFEC0] =	vst v3;
	v3 =	vld [tilespmem:s18+$0xFFFFFE50]  }
0x89: {  	[tilespmem:s8+$0x130] =	vst v0;
	v0 =	vld [tilespmem:s18+$0xC0]  }
0x8a: {  	v62 =	vld [tilespmem:s9+$0xFFFFFED0]  }
0x8b: {  	v2 =	vadd.f32 v2, v58;
	v63 =	vld [tilespmem:s18+$0xFFFFFED0]  }
0x8c: {  	v60 =	vld [tilespmem:s9+$0x140]  }
0x8d: {  	v7 =	vld [tilespmem:s18+$0x140];
	[tilespmem:s8+$0xFFFFFF40] =	vst v2;
	v1 =	vadd.f32 v1, v59  }
0x8e: {  	v14 =	vld [tilespmem:s9+$0xFFFFFF50]  }
0x8f: {  	[tilespmem:s8+$0xFFFFFFC0] =	vst v1;
	v1 =	vadd.f32 v4, v6;
	v4 =	vld [tilespmem:s18+$0xFFFFFF50]  }
0x90: {  	v2 =	vadd.f32 v49, v8;
	v6 =	vld [tilespmem:s9+$0xFFFFFFD0]  }
0x91: {  	[tilespmem:s8+$0x40] =	vst v1;
	v1 =	vadd.f32 v0, v5;
	v5 =	vld [tilespmem:s18+$0xFFFFFFD0]  }
0x92: {  	[tilespmem:s8+$0x1D0] =	vst v2;
	v7 =	vadd.f32 v7, v60;
	v0 =	vld [tilespmem:s9+$0x50]  }
0x93: {  	v3 =	vadd.f32 v3, v61;
	v2 =	vld [tilespmem:s18+$0x50];
	[tilespmem:s8+$0xC0] =	vst v1  }
0x94: {  	[tilespmem:s8+$0x140] =	vst v7;
	v7 =	vadd.f32 v63, v62;
	v1 =	vld [tilespmem:s9+$0xD0]  }
0x95: {  	[tilespmem:s8+$0xFFFFFE50] =	vst v3;
	v8 =	vadd.f32 v4, v14;
	v4 =	vld [tilespmem:s18+$0xD0]  }
0x96: {  	v3 =	vld [tilespmem:s9+$0x150];
	[tilespmem:s8+$0xFFFFFED0] =	vst v7;
	v6 =	vadd.f32 v5, v6  }
0x97: {  	s19 =	simm.s32 $0x1600;
	s9 =	simm.s32 $0x0;
	[tilespmem:s8+$0xFFFFFF50] =	vst v8;
	v5 =	vld [tilespmem:s18+$0x150]  }
.LBB2_3:
0x98: {  	v7 =	vld [tilespmem:s19+$0x180];
	[tilespmem:s8+$0xFFFFFFD0] =	vst v6;
	v0 =	vadd.f32 v2, v0;
	s18 =	sadd.s32 $0x400, s18  }
0x99: {  	v2 =	vld [tilespmem:s18+$0x180]  }
0x9a: {  	v6 =	vld [tilespmem:s18+$0xFFFFFE00];
	[tilespmem:s8+$0x50] =	vst v0;
	v0 =	vadd.f32 v4, v1  }
0x9b: {  	v1 =	vld [tilespmem:s19+$0xFFFFFE80]  }
0x9c: {  	v4 =	vld [tilespmem:s18+$0xFFFFFE80];
	[tilespmem:s8+$0xD0] =	vst v0;
	v0 =	vadd.f32 v5, v3  }
0x9d: {  	v3 =	vld [tilespmem:s19+$0xFFFFFF00]  }
0x9e: {  	s9 =	sadd.s32 $0x8, s9;
	v5 =	vld [tilespmem:s18+$0xFFFFFF00];
	v2 =	vadd.f32 v2, v7;
	[tilespmem:s8+$0x150] =	vst v0  }
0x9f: {  	p1 =	slt.u32 s9, $0x18;
	s8 =	sadd.s32 $0x400, s8;
	v0 =	vld [tilespmem:s19+$0xFFFFFF80]  }
0xa0: {  	v7 =	vld [tilespmem:s18+$0xFFFFFF80];
	[tilespmem:s8+$0x180] =	vst v2  }
0xa1: {  	v1 =	vadd.f32 v4, v1;
	v2 =	vld [tilespmem:s19+$0x190]  }
0xa2: {  	v4 =	vld [tilespmem:s18+$0x190]  }
0xa3: {  	[tilespmem:s8+$0xFFFFFE80] =	vst v1;
	v1 =	vadd.f32 v5, v3;
	v3 =	vld [tilespmem:s19+$0x0]  }
0xa4: {  	v5 =	vld [tilespmem:s18+$0x0]  }
0xa5: {  	[tilespmem:s8+$0xFFFFFF00] =	vst v1;
	v0 =	vadd.f32 v7, v0;
	v1 =	vld [tilespmem:s19+$0x80]  }
0xa6: {  	v7 =	vld [tilespmem:s18+$0x80]  }
0xa7: {  	[tilespmem:s8+$0xFFFFFF80] =	vst v0;
	v0 =	vld [tilespmem:s19+$0x100];
	v2 =	vadd.f32 v4, v2  }
0xa8: {  	v4 =	vld [tilespmem:s18+$0x100]  }
0xa9: {  	v8 =	vld [tilespmem:s19+$0xFFFFFE00];
	v3 =	vadd.f32 v5, v3;
	[tilespmem:s8+$0x190] =	vst v2  }
0xaa: {  	v2 =	vld [tilespmem:s19+$0x1A0]  }
0xab: {  	[tilespmem:s8+$0x0] =	vst v3;
	v1 =	vadd.f32 v7, v1;
	v3 =	vld [tilespmem:s18+$0x1A0]  }
0xac: {  	v5 =	vld [tilespmem:s19+$0xFFFFFE90]  }
0xad: {  	v7 =	vld [tilespmem:s18+$0xFFFFFE90];
	[tilespmem:s8+$0x80] =	vst v1;
	v0 =	vadd.f32 v4, v0  }
0xae: {  	v1 =	vadd.f32 v6, v8;
	v4 =	vld [tilespmem:s19+$0xFFFFFF10]  }
0xaf: {  	v6 =	vld [tilespmem:s18+$0xFFFFFF10];
	[tilespmem:s8+$0x100] =	vst v0  }
0xb0: {  	[tilespmem:s8+$0xFFFFFE00] =	vst v1;
	v0 =	vld [tilespmem:s19+$0xFFFFFF90];
	v1 =	vadd.f32 v3, v2  }
0xb1: {  	v2 =	vld [tilespmem:s19+$0xFFFFFE10]  }
0xb2: {  	v3 =	vld [tilespmem:s18+$0xFFFFFE10];
	v5 =	vadd.f32 v7, v5;
	[tilespmem:s8+$0x1A0] =	vst v1  }
0xb3: {  	v1 =	vld [tilespmem:s19+$0x1B0]  }
0xb4: {  	[tilespmem:s8+$0xFFFFFE90] =	vst v5;
	v4 =	vadd.f32 v6, v4;
	v5 =	vld [tilespmem:s18+$0x1B0]  }
0xb5: {  	v6 =	vld [tilespmem:s18+$0xFFFFFF90]  }
0xb6: {  	[tilespmem:s8+$0xFFFFFF10] =	vst v4;
	v4 =	vld [tilespmem:s19+$0x10]  }
0xb7: {  	v2 =	vadd.f32 v3, v2;
	v3 =	vld [tilespmem:s18+$0x10]  }
0xb8: {  	v7 =	vld [tilespmem:s19+$0x90]  }
0xb9: {  	[tilespmem:s8+$0xFFFFFE10] =	vst v2;
	v2 =	vld [tilespmem:s18+$0x90];
	v1 =	vadd.f32 v5, v1  }
0xba: {  	v0 =	vadd.f32 v6, v0;
	v5 =	vld [tilespmem:s19+$0x110]  }
0xbb: {  	v6 =	vld [tilespmem:s18+$0x110];
	[tilespmem:s8+$0x1B0] =	vst v1  }
0xbc: {  	[tilespmem:s8+$0xFFFFFF90] =	vst v0;
	v0 =	vadd.f32 v3, v4;
	v1 =	vld [tilespmem:s19+$0x1C0]  }
0xbd: {  	v3 =	vld [tilespmem:s18+$0x1C0]  }
0xbe: {  	v4 =	vld [tilespmem:s19+$0xFFFFFE20];
	[tilespmem:s8+$0x10] =	vst v0;
	v0 =	vadd.f32 v2, v7  }
0xbf: {  	v2 =	vld [tilespmem:s18+$0xFFFFFE20]  }
0xc0: {  	v7 =	vld [tilespmem:s19+$0xFFFFFEA0];
	[tilespmem:s8+$0x90] =	vst v0;
	v0 =	vadd.f32 v6, v5  }
0xc1: {  	v5 =	vld [tilespmem:s18+$0xFFFFFEA0]  }
0xc2: {  	v6 =	vld [tilespmem:s19+$0xFFFFFF20];
	[tilespmem:s8+$0x110] =	vst v0;
	v0 =	vadd.f32 v3, v1  }
0xc3: {  	v1 =	vld [tilespmem:s18+$0xFFFFFF20]  }
0xc4: {  	v2 =	vadd.f32 v2, v4;
	v3 =	vld [tilespmem:s19+$0xFFFFFFA0];
	[tilespmem:s8+$0x1C0] =	vst v0  }
0xc5: {  	v0 =	vld [tilespmem:s19+$0x1D0]  }
0xc6: {  	[tilespmem:s8+$0xFFFFFE20] =	vst v2;
	v2 =	vadd.f32 v5, v7;
	v4 =	vld [tilespmem:s18+$0x1D0]  }
0xc7: {  	v5 =	vld [tilespmem:s18+$0xFFFFFFA0]  }
0xc8: {  	[tilespmem:s8+$0xFFFFFEA0] =	vst v2;
	v1 =	vadd.f32 v1, v6;
	v2 =	vld [tilespmem:s19+$0x20]  }
0xc9: {  	v6 =	vld [tilespmem:s18+$0x20]  }
0xca: {  	[tilespmem:s8+$0xFFFFFF20] =	vst v1;
	v1 =	vld [tilespmem:s19+$0xA0]  }
0xcb: {  	v7 =	vld [tilespmem:s18+$0xA0];
	v0 =	vadd.f32 v4, v0  }
0xcc: {  	v3 =	vadd.f32 v5, v3;
	v4 =	vld [tilespmem:s19+$0x120]  }
0xcd: {  	v5 =	vld [tilespmem:s18+$0x120];
	[tilespmem:s8+$0x1D0] =	vst v0  }
0xce: {  	v0 =	vld [tilespmem:s19+$0xFFFFFE30];
	[tilespmem:s8+$0xFFFFFFA0] =	vst v3;
	v2 =	vadd.f32 v6, v2  }
0xcf: {  	v3 =	vld [tilespmem:s18+$0xFFFFFE30]  }
0xd0: {  	v6 =	vld [tilespmem:s19+$0xFFFFFEB0];
	[tilespmem:s8+$0x20] =	vst v2;
	v1 =	vadd.f32 v7, v1  }
0xd1: {  	v2 =	vld [tilespmem:s18+$0xFFFFFEB0]  }
0xd2: {  	v7 =	vld [tilespmem:s19+$0xFFFFFF30];
	[tilespmem:s8+$0xA0] =	vst v1;
	v1 =	vadd.f32 v5, v4  }
0xd3: {  	v4 =	vld [tilespmem:s18+$0xFFFFFF30]  }
0xd4: {  	v0 =	vadd.f32 v3, v0;
	v3 =	vld [tilespmem:s19+$0xFFFFFFB0];
	[tilespmem:s8+$0x120] =	vst v1  }
0xd5: {  	v1 =	vld [tilespmem:s18+$0xFFFFFFB0]  }
0xd6: {  	[tilespmem:s8+$0xFFFFFE30] =	vst v0;
	v0 =	vadd.f32 v2, v6;
	v2 =	vld [tilespmem:s19+$0x30]  }
0xd7: {  	v5 =	vld [tilespmem:s18+$0x30]  }
0xd8: {  	[tilespmem:s8+$0xFFFFFEB0] =	vst v0;
	v0 =	vadd.f32 v4, v7;
	v4 =	vld [tilespmem:s19+$0xB0]  }
0xd9: {  	v6 =	vld [tilespmem:s18+$0xB0]  }
0xda: {  	[tilespmem:s8+$0xFFFFFF30] =	vst v0;
	v0 =	vadd.f32 v1, v3;
	v1 =	vld [tilespmem:s19+$0x130]  }
0xdb: {  	v3 =	vld [tilespmem:s18+$0x130]  }
0xdc: {  	v7 =	vld [tilespmem:s19+$0xFFFFFE40];
	[tilespmem:s8+$0xFFFFFFB0] =	vst v0;
	v0 =	vadd.f32 v5, v2  }
0xdd: {  	v2 =	vld [tilespmem:s18+$0xFFFFFE40]  }
0xde: {  	v5 =	vld [tilespmem:s19+$0xFFFFFEC0];
	[tilespmem:s8+$0x30] =	vst v0;
	v0 =	vadd.f32 v6, v4  }
0xdf: {  	v4 =	vld [tilespmem:s18+$0xFFFFFEC0]  }
0xe0: {  	v6 =	vld [tilespmem:s19+$0xFFFFFF40];
	[tilespmem:s8+$0xB0] =	vst v0;
	v0 =	vadd.f32 v3, v1  }
0xe1: {  	v1 =	vld [tilespmem:s18+$0xFFFFFF40]  }
0xe2: {  	v2 =	vadd.f32 v2, v7;
	v3 =	vld [tilespmem:s19+$0xFFFFFFC0];
	[tilespmem:s8+$0x130] =	vst v0  }
0xe3: {  	v0 =	vld [tilespmem:s18+$0xFFFFFFC0]  }
0xe4: {  	[tilespmem:s8+$0xFFFFFE40] =	vst v2;
	v2 =	vadd.f32 v4, v5;
	v4 =	vld [tilespmem:s19+$0x40]  }
0xe5: {  	v5 =	vld [tilespmem:s18+$0x40]  }
0xe6: {  	[tilespmem:s8+$0xFFFFFEC0] =	vst v2;
	v1 =	vadd.f32 v1, v6;
	v2 =	vld [tilespmem:s19+$0xC0]  }
0xe7: {  	v6 =	vld [tilespmem:s18+$0xC0]  }
0xe8: {  	[tilespmem:s8+$0xFFFFFF40] =	vst v1;
	v0 =	vadd.f32 v0, v3;
	v1 =	vld [tilespmem:s19+$0x140]  }
0xe9: {  	v3 =	vld [tilespmem:s18+$0x140]  }
0xea: {  	v7 =	vld [tilespmem:s19+$0xFFFFFE50];
	[tilespmem:s8+$0xFFFFFFC0] =	vst v0;
	v0 =	vadd.f32 v5, v4  }
0xeb: {  	v4 =	vld [tilespmem:s18+$0xFFFFFE50]  }
0xec: {  	v5 =	vld [tilespmem:s19+$0xFFFFFED0];
	[tilespmem:s8+$0x40] =	vst v0;
	v0 =	vadd.f32 v6, v2  }
0xed: {  	v2 =	vld [tilespmem:s18+$0xFFFFFED0]  }
0xee: {  	v6 =	vld [tilespmem:s19+$0xFFFFFF50];
	[tilespmem:s8+$0xC0] =	vst v0;
	v0 =	vadd.f32 v3, v1  }
0xef: {  	v1 =	vld [tilespmem:s18+$0xFFFFFF50]  }
0xf0: {  	v3 =	vadd.f32 v4, v7;
	v7 =	vld [tilespmem:s19+$0xFFFFFFD0];
	[tilespmem:s8+$0x140] =	vst v0  }
0xf1: {  	v8 =	vld [tilespmem:s18+$0xFFFFFFD0]  }
0xf2: {  	[tilespmem:s8+$0xFFFFFE50] =	vst v3;
	v3 =	vadd.f32 v2, v5;
	v0 =	vld [tilespmem:s19+$0x50]  }
.Ltmp2:
0xf3: {  	v2 =	vld [tilespmem:s18+$0x50];
	(pc) =	sbr.rel @p1 .LBB2_3-.Ltmp2, $4  }
0xf4: {  	[tilespmem:s8+$0xFFFFFED0] =	vst v3;
	v3 =	vadd.f32 v1, v6;
	v1 =	vld [tilespmem:s19+$0xD0]  }
0xf5: {  	v4 =	vld [tilespmem:s18+$0xD0]  }
0xf6: {  	[tilespmem:s8+$0xFFFFFF50] =	vst v3;
	v6 =	vadd.f32 v8, v7;
	v3 =	vld [tilespmem:s19+$0x150]  }
0xf7: {  	s19 =	sadd.s32 $0x400, s19;
	v5 =	vld [tilespmem:s18+$0x150]  }
0xf8: {  	_ =	sdelay $0x1  }
0xf9: {  	v0 =	vadd.f32 v2, v0;
	p1 =	sne.s32 s10, $0xB  }
.Ltmp3:
0xfa: {  	[tilespmem:s8+$0xFFFFFFD0] =	vst v6;
	s18 =	sshll.u32 s10, $0x13;
	v1 =	vadd.f32 v4, v1;
	(pc) =	sbr.rel @p1 .LBB2_6-.Ltmp3, $4  }
0xfb: {  	s9 =	sor.u32 s6, s18;
	[tilespmem:s8+$0x50] =	vst v0;
	v63 =	vadd.f32 v5, v3  }
0xfc: {  	s19 =	sshrl.u32 s9, $0x3;
	[tilespmem:s8+$0xD0] =	vst v1  }
0xfd: {  	s21 =	sadd.s32 s4, s19;
	[tilespmem:s8+$0x150] =	vst v63  }
0xfe: {  	[hbm4b:s21+s2] =	stream.linear.scatter [tilespmem:s25], [sflag:$0x5], $0x1000, $0x38;
	[tilespmem:$0x9000] =	vst v63  }
.Ltmp4:
0xff: {  	(pc) =	sbr.rel .LBB2_7-.Ltmp4, $4  }
0x100: {  	_ = 	snop  }
0x101: {  	_ =	swait.ge [sflag:s26], $0x1000  }
0x102: {  	[sflag:s26] =	ssyncset.done $0x0  }
0x103: {  	[sflag:s26] =	ssyncadd.s32 $0xFFFFF000  }
.LBB2_6:
0x104: {  	s8 =	sadd.s32 s11, s18  }
0x105: {  	s8 =	sshrl.u32 s8, $0x3  }
.Ltmp5:
0x106: {  	s9 =	simm.s32 $0x1000;
	s8 =	sadd.s32 s3, s8;
	(pc) =	sbr.rel @p0 .LBB2_8-.Ltmp5, $4  }
0x107: {  	[tilespmem:s9], [sflag:$0x1] =	stream.linear.gather [hbm4b:s8+s2], $0x1000, $0x38;
	[tilespmem:$0x9000] =	vst v63  }
0x108: {  	_ =	swait.ge [sflag:s26], $0x1000  }
0x109: {  	[sflag:s26] =	ssyncset.done $0x0  }
0x10a: {  	[sflag:s26] =	ssyncadd.s32 $0xFFFFF000  }
.LBB2_7:
0x10b: {  	_ =	swait.ge [sflag:s28], $0x1000  }
0x10c: {  	[sflag:s28] =	ssyncset.done $0x0  }
0x10d: {  	[sflag:s28] =	ssyncadd.s32 $0xFFFFF000  }
.LBB2_8:
0x10e: {  	s20 =	simm.s32 $0x23D0  }
0x10f: {  	s8 =	simm.s32 $0x200;
	v0 =	vld [tilespmem:s20+$0xFFFFFFB0]  }
0x110: {  	v1 =	vld [tilespmem:s8+$0x180]  }
0x111: {  	v2 =	vld [tilespmem:s8+$0xFFFFFE00]  }
0x112: {  	v3 =	vld [tilespmem:s20+$0xFFFFFCB0]  }
0x113: {  	v4 =	vld [tilespmem:s8+$0xFFFFFE80]  }
0x114: {  	v5 =	vld [tilespmem:s20+$0xFFFFFD30]  }
0x115: {  	v6 =	vld [tilespmem:s8+$0xFFFFFF00]  }
0x116: {  	v7 =	vld [tilespmem:s8+$0xFFFFFF80]  }
0x117: {  	v9 =	vld [tilespmem:s20+$0xFFFFFE30]  }
0x118: {  	v10 =	vld [tilespmem:s8+$0x0];
	v0 =	vadd.f32 v1, v0  }
0x119: {  	s9 =	simm.s32 $0x63D0;
	v11 =	vld [tilespmem:s20+$0xFFFFFEB0]  }
0x11a: {  	v1 =	vld [tilespmem:s20+$0xFFFFFDB0];
	[tilespmem:s9+$0xFFFFFFB0] =	vst v0  }
0x11b: {  	v0 =	vld [tilespmem:s20+$0xFFFFFFC0]  }
0x11c: {  	v8 =	vld [tilespmem:s8+$0x190]  }
0x11d: {  	v3 =	vadd.f32 v4, v3;
	v4 =	vld [tilespmem:s20+$0xFFFFFC30]  }
0x11e: {  	v12 =	vld [tilespmem:s8+$0x80]  }
0x11f: {  	v13 =	vld [tilespmem:s20+$0xFFFFFF30];
	[tilespmem:s9+$0xFFFFFCB0] =	vst v3;
	v3 =	vadd.f32 v6, v5  }
0x120: {  	v6 =	vld [tilespmem:s20+$0xFFFFFCC0];
	v1 =	vadd.f32 v7, v1  }
0x121: {  	[tilespmem:s9+$0xFFFFFD30] =	vst v3;
	v3 =	vld [tilespmem:s8+$0xFFFFFE90];
	v0 =	vadd.f32 v8, v0  }
0x122: {  	v2 =	vadd.f32 v2, v4;
	v4 =	vld [tilespmem:s20+$0xFFFFFD40];
	[tilespmem:s9+$0xFFFFFDB0] =	vst v1  }
0x123: {  	v1 =	vld [tilespmem:s8+$0xFFFFFF10];
	[tilespmem:s9+$0xFFFFFFC0] =	vst v0  }
0x124: {  	v0 =	vld [tilespmem:s20+$0xFFFFFFD0]  }
0x125: {  	v5 =	vld [tilespmem:s8+$0x1A0]  }
0x126: {  	[tilespmem:s9+$0xFFFFFC30] =	vst v2;
	v2 =	vld [tilespmem:s20+$0xFFFFFDC0]  }
0x127: {  	v43 =	vld [tilespmem:s8+$0xFFFFFF90]  }
0x128: {  	v8 =	vld [tilespmem:s8+$0x100];
	v3 =	vadd.f32 v3, v6  }
0x129: {  	v7 =	vld [tilespmem:s8+$0xFFFFFE10];
	v1 =	vadd.f32 v1, v4  }
0x12a: {  	[tilespmem:s9+$0xFFFFFCC0] =	vst v3;
	v0 =	vadd.f32 v5, v0;
	v5 =	vld [tilespmem:s20+$0xFFFFFC40]  }
0x12b: {  	v4 =	vld [tilespmem:s20+$0xFFFFFCD0];
	[tilespmem:s9+$0xFFFFFD40] =	vst v1  }
0x12c: {  	v1 =	vadd.f32 v43, v2;
	v2 =	vld [tilespmem:s8+$0xFFFFFEA0];
	[tilespmem:s9+$0xFFFFFFD0] =	vst v0;
	v0 =	vadd.f32 v10, v9  }
0x12d: {  	v41 =	vld [tilespmem:s20+$0xFFFFFFE0]  }
0x12e: {  	v42 =	vld [tilespmem:s8+$0x1B0];
	[tilespmem:s9+$0xFFFFFE30] =	vst v0;
	v0 =	vadd.f32 v12, v11  }
0x12f: {  	v47 =	vld [tilespmem:s20+$0xFFFFFD50];
	[tilespmem:s9+$0xFFFFFDC0] =	vst v1;
	v5 =	vadd.f32 v7, v5  }
0x130: {  	v1 =	vld [tilespmem:s8+$0xFFFFFF20];
	[tilespmem:s9+$0xFFFFFEB0] =	vst v0;
	v0 =	vadd.f32 v8, v13  }
0x131: {  	v45 =	vld [tilespmem:s20+$0xFFFFFEC0];
	[tilespmem:s9+$0xFFFFFC40] =	vst v5  }
0x132: {  	[tilespmem:s9+$0xFFFFFF30] =	vst v0;
	v0 =	vld [tilespmem:s8+$0x90]  }
0x133: {  	v9 =	vadd.f32 v42, v41;
	v6 =	vld [tilespmem:s20+$0xFFFFFC50]  }
0x134: {  	v46 =	vld [tilespmem:s20+$0xFFFFFF40]  }
0x135: {  	v7 =	vld [tilespmem:s8+$0x110];
	[tilespmem:s9+$0xFFFFFFE0] =	vst v9  }
0x136: {  	v9 =	vld [tilespmem:s20+$0xFFFFFFF0]  }
0x137: {  	v5 =	vld [tilespmem:s8+$0x1C0]  }
0x138: {  	v3 =	vld [tilespmem:s8+$0xFFFFFE20]  }
0x139: {  	v44 =	vld [tilespmem:s20+$0xFFFFFE40];
	v0 =	vadd.f32 v0, v45  }
0x13a: {  	v8 =	vld [tilespmem:s8+$0x10]  }
0x13b: {  	v48 =	vld [tilespmem:s20+$0xFFFFFDD0];
	[tilespmem:s9+$0xFFFFFEC0] =	vst v0;
	v0 =	vadd.f32 v7, v46  }
0x13c: {  	v5 =	vadd.f32 v5, v9;
	v51 =	vld [tilespmem:s20+$0xFFFFFED0]  }
0x13d: {  	[tilespmem:s9+$0xFFFFFF40] =	vst v0;
	v0 =	vadd.f32 v3, v6;
	v3 =	vld [tilespmem:s8+$0xA0]  }
0x13e: {  	[tilespmem:s9+$0xFFFFFFF0] =	vst v5;
	v6 =	vld [tilespmem:s20+$0xFFFFFF50]  }
0x13f: {  	v5 =	vadd.f32 v8, v44;
	v8 =	vld [tilespmem:s20+$0x0]  }
0x140: {  	v49 =	vld [tilespmem:s8+$0x1D0];
	[tilespmem:s9+$0xFFFFFC50] =	vst v0  }
0x141: {  	[tilespmem:s9+$0xFFFFFE40] =	vst v5;
	v5 =	vld [tilespmem:s8+$0xFFFFFFA0]  }
0x142: {  	v0 =	vadd.f32 v2, v4;
	v4 =	vld [tilespmem:s20+$0xFFFFFC60]  }
0x143: {  	v50 =	vld [tilespmem:s20+$0xFFFFFE50]  }
0x144: {  	[tilespmem:s9+$0xFFFFFCD0] =	vst v0;
	v0 =	vadd.f32 v1, v47;
	v1 =	vld [tilespmem:s8+$0xFFFFFE30]  }
0x145: {  	v7 =	vld [tilespmem:s8+$0x20]  }
0x146: {  	v2 =	vld [tilespmem:s8+$0x120]  }
0x147: {  	v52 =	vld [tilespmem:s20+$0xFFFFFCE0];
	[tilespmem:s9+$0xFFFFFD50] =	vst v0  }
0x148: {  	v53 =	vld [tilespmem:s20+$0xFFFFFD60];
	v0 =	vadd.f32 v5, v48  }
0x149: {  	v5 =	vld [tilespmem:s8+$0xFFFFFEB0];
	v1 =	vadd.f32 v1, v4  }
0x14a: {  	[tilespmem:s9+$0xFFFFFDD0] =	vst v0;
	v0 =	vadd.f32 v7, v50;
	v7 =	vld [tilespmem:s8+$0xFFFFFF30]  }
0x14b: {  	v54 =	vld [tilespmem:s20+$0xFFFFFDE0];
	[tilespmem:s9+$0xFFFFFC60] =	vst v1  }
0x14c: {  	[tilespmem:s9+$0xFFFFFE50] =	vst v0;
	v0 =	vadd.f32 v3, v51;
	v3 =	vld [tilespmem:s8+$0xFFFFFFB0]  }
0x14d: {  	v56 =	vld [tilespmem:s20+$0xFFFFFC70]  }
0x14e: {  	v55 =	vld [tilespmem:s20+$0xFFFFFE60]  }
0x14f: {  	v1 =	vadd.f32 v5, v52;
	[tilespmem:s9+$0xFFFFFED0] =	vst v0;
	v0 =	vadd.f32 v2, v6;
	v2 =	vld [tilespmem:s8+$0x30]  }
0x150: {  	v6 =	vld [tilespmem:s20+$0xFFFFFEE0]  }
0x151: {  	[tilespmem:s9+$0xFFFFFCE0] =	vst v1;
	v1 =	vadd.f32 v7, v53;
	v7 =	vld [tilespmem:s8+$0xFFFFFE40]  }
0x152: {  	[tilespmem:s9+$0xFFFFFF50] =	vst v0;
	v0 =	vld [tilespmem:s8+$0xB0]  }
0x153: {  	v57 =	vld [tilespmem:s20+$0xFFFFFCF0]  }
0x154: {  	v4 =	vld [tilespmem:s20+$0xFFFFFF60]  }
0x155: {  	v5 =	vld [tilespmem:s8+$0x130]  }
0x156: {  	[tilespmem:s9+$0xFFFFFD60] =	vst v1;
	v1 =	vadd.f32 v3, v54;
	v3 =	vld [tilespmem:s8+$0xFFFFFEC0]  }
0x157: {  	v58 =	vld [tilespmem:s20+$0xFFFFFD70]  }
0x158: {  	[tilespmem:s9+$0xFFFFFDE0] =	vst v1;
	v1 =	vadd.f32 v2, v55;
	v2 =	vld [tilespmem:s8+$0xFFFFFF40]  }
0x159: {  	v59 =	vld [tilespmem:s20+$0xFFFFFDF0];
	v7 =	vadd.f32 v7, v56  }
0x15a: {  	[tilespmem:s9+$0xFFFFFE60] =	vst v1;
	v0 =	vadd.f32 v0, v6;
	v1 =	vld [tilespmem:s8+$0xFFFFFFC0]  }
0x15b: {  	v6 =	vld [tilespmem:s20+$0xFFFFFE70];
	[tilespmem:s9+$0xFFFFFC70] =	vst v7  }
0x15c: {  	[tilespmem:s9+$0xFFFFFEE0] =	vst v0;
	v0 =	vadd.f32 v5, v4;
	v4 =	vld [tilespmem:s8+$0x40]  }
0x15d: {  	v3 =	vadd.f32 v3, v57;
	v61 =	vld [tilespmem:s20+$0xFFFFFC80]  }
0x15e: {  	v5 =	vld [tilespmem:s20+$0xFFFFFEF0]  }
0x15f: {  	[tilespmem:s9+$0xFFFFFCF0] =	vst v3;
	v3 =	vld [tilespmem:s8+$0xFFFFFE50]  }
0x160: {  	[tilespmem:s9+$0xFFFFFF60] =	vst v0;
	v0 =	vld [tilespmem:s8+$0xC0]  }
0x161: {  	v62 =	vld [tilespmem:s20+$0xFFFFFD00]  }
0x162: {  	v2 =	vadd.f32 v2, v58;
	v63 =	vld [tilespmem:s8+$0xFFFFFED0]  }
0x163: {  	v60 =	vld [tilespmem:s20+$0xFFFFFF70]  }
0x164: {  	v7 =	vld [tilespmem:s8+$0x140];
	[tilespmem:s9+$0xFFFFFD70] =	vst v2;
	v1 =	vadd.f32 v1, v59  }
0x165: {  	v14 =	vld [tilespmem:s20+$0xFFFFFD80]  }
0x166: {  	[tilespmem:s9+$0xFFFFFDF0] =	vst v1;
	v1 =	vadd.f32 v4, v6;
	v4 =	vld [tilespmem:s8+$0xFFFFFF50]  }
0x167: {  	v2 =	vadd.f32 v49, v8;
	v6 =	vld [tilespmem:s20+$0xFFFFFE00]  }
0x168: {  	[tilespmem:s9+$0xFFFFFE70] =	vst v1;
	v1 =	vadd.f32 v0, v5;
	v5 =	vld [tilespmem:s8+$0xFFFFFFD0]  }
0x169: {  	[tilespmem:s9+$0x0] =	vst v2;
	v7 =	vadd.f32 v7, v60;
	v0 =	vld [tilespmem:s20+$0xFFFFFE80]  }
0x16a: {  	v3 =	vadd.f32 v3, v61;
	v2 =	vld [tilespmem:s8+$0x50];
	[tilespmem:s9+$0xFFFFFEF0] =	vst v1  }
0x16b: {  	[tilespmem:s9+$0xFFFFFF70] =	vst v7;
	v7 =	vadd.f32 v63, v62;
	v1 =	vld [tilespmem:s20+$0xFFFFFF00]  }
0x16c: {  	[tilespmem:s9+$0xFFFFFC80] =	vst v3;
	v8 =	vadd.f32 v4, v14;
	v4 =	vld [tilespmem:s8+$0xD0]  }
0x16d: {  	v3 =	vld [tilespmem:s20+$0xFFFFFF80];
	[tilespmem:s9+$0xFFFFFD00] =	vst v7;
	v6 =	vadd.f32 v5, v6  }
0x16e: {  	s21 =	simm.s32 $0x27D0;
	s20 =	simm.s32 $0x0;
	[tilespmem:s9+$0xFFFFFD80] =	vst v8;
	v5 =	vld [tilespmem:s8+$0x150]  }
.LBB2_9:
0x16f: {  	v7 =	vld [tilespmem:s21+$0xFFFFFFB0];
	[tilespmem:s9+$0xFFFFFE00] =	vst v6;
	v0 =	vadd.f32 v2, v0;
	s8 =	sadd.s32 $0x400, s8  }
0x170: {  	v2 =	vld [tilespmem:s8+$0x180]  }
0x171: {  	v6 =	vld [tilespmem:s8+$0xFFFFFE00];
	[tilespmem:s9+$0xFFFFFE80] =	vst v0;
	v0 =	vadd.f32 v4, v1  }
0x172: {  	v1 =	vld [tilespmem:s21+$0xFFFFFCB0]  }
0x173: {  	v4 =	vld [tilespmem:s8+$0xFFFFFE80];
	[tilespmem:s9+$0xFFFFFF00] =	vst v0;
	v0 =	vadd.f32 v5, v3  }
0x174: {  	v3 =	vld [tilespmem:s21+$0xFFFFFD30]  }
0x175: {  	s20 =	sadd.s32 $0x8, s20;
	v5 =	vld [tilespmem:s8+$0xFFFFFF00];
	v2 =	vadd.f32 v2, v7;
	[tilespmem:s9+$0xFFFFFF80] =	vst v0  }
0x176: {  	p2 =	slt.u32 s20, $0x18;
	s9 =	sadd.s32 $0x400, s9;
	v0 =	vld [tilespmem:s21+$0xFFFFFDB0]  }
0x177: {  	v7 =	vld [tilespmem:s8+$0xFFFFFF80];
	[tilespmem:s9+$0xFFFFFFB0] =	vst v2  }
0x178: {  	v1 =	vadd.f32 v4, v1;
	v2 =	vld [tilespmem:s21+$0xFFFFFFC0]  }
0x179: {  	v4 =	vld [tilespmem:s8+$0x190]  }
0x17a: {  	[tilespmem:s9+$0xFFFFFCB0] =	vst v1;
	v1 =	vadd.f32 v5, v3;
	v3 =	vld [tilespmem:s21+$0xFFFFFE30]  }
0x17b: {  	v5 =	vld [tilespmem:s8+$0x0]  }
0x17c: {  	[tilespmem:s9+$0xFFFFFD30] =	vst v1;
	v0 =	vadd.f32 v7, v0;
	v1 =	vld [tilespmem:s21+$0xFFFFFEB0]  }
0x17d: {  	v7 =	vld [tilespmem:s8+$0x80]  }
0x17e: {  	[tilespmem:s9+$0xFFFFFDB0] =	vst v0;
	v0 =	vld [tilespmem:s21+$0xFFFFFF30];
	v2 =	vadd.f32 v4, v2  }
0x17f: {  	v4 =	vld [tilespmem:s8+$0x100]  }
0x180: {  	v8 =	vld [tilespmem:s21+$0xFFFFFC30];
	v3 =	vadd.f32 v5, v3;
	[tilespmem:s9+$0xFFFFFFC0] =	vst v2  }
0x181: {  	v2 =	vld [tilespmem:s21+$0xFFFFFFD0]  }
0x182: {  	[tilespmem:s9+$0xFFFFFE30] =	vst v3;
	v1 =	vadd.f32 v7, v1;
	v3 =	vld [tilespmem:s8+$0x1A0]  }
0x183: {  	v5 =	vld [tilespmem:s21+$0xFFFFFCC0]  }
0x184: {  	v7 =	vld [tilespmem:s8+$0xFFFFFE90];
	[tilespmem:s9+$0xFFFFFEB0] =	vst v1;
	v0 =	vadd.f32 v4, v0  }
0x185: {  	v1 =	vadd.f32 v6, v8;
	v4 =	vld [tilespmem:s21+$0xFFFFFD40]  }
0x186: {  	v6 =	vld [tilespmem:s8+$0xFFFFFF10];
	[tilespmem:s9+$0xFFFFFF30] =	vst v0  }
0x187: {  	[tilespmem:s9+$0xFFFFFC30] =	vst v1;
	v0 =	vld [tilespmem:s21+$0xFFFFFDC0];
	v1 =	vadd.f32 v3, v2  }
0x188: {  	v2 =	vld [tilespmem:s21+$0xFFFFFC40]  }
0x189: {  	v3 =	vld [tilespmem:s8+$0xFFFFFE10];
	v5 =	vadd.f32 v7, v5;
	[tilespmem:s9+$0xFFFFFFD0] =	vst v1  }
0x18a: {  	v1 =	vld [tilespmem:s21+$0xFFFFFFE0]  }
0x18b: {  	[tilespmem:s9+$0xFFFFFCC0] =	vst v5;
	v4 =	vadd.f32 v6, v4;
	v5 =	vld [tilespmem:s8+$0x1B0]  }
0x18c: {  	v6 =	vld [tilespmem:s8+$0xFFFFFF90]  }
0x18d: {  	[tilespmem:s9+$0xFFFFFD40] =	vst v4;
	v4 =	vld [tilespmem:s21+$0xFFFFFE40]  }
0x18e: {  	v2 =	vadd.f32 v3, v2;
	v3 =	vld [tilespmem:s8+$0x10]  }
0x18f: {  	v7 =	vld [tilespmem:s21+$0xFFFFFEC0]  }
0x190: {  	[tilespmem:s9+$0xFFFFFC40] =	vst v2;
	v2 =	vld [tilespmem:s8+$0x90];
	v1 =	vadd.f32 v5, v1  }
0x191: {  	v0 =	vadd.f32 v6, v0;
	v5 =	vld [tilespmem:s21+$0xFFFFFF40]  }
0x192: {  	v6 =	vld [tilespmem:s8+$0x110];
	[tilespmem:s9+$0xFFFFFFE0] =	vst v1  }
0x193: {  	[tilespmem:s9+$0xFFFFFDC0] =	vst v0;
	v0 =	vadd.f32 v3, v4;
	v1 =	vld [tilespmem:s21+$0xFFFFFFF0]  }
0x194: {  	v3 =	vld [tilespmem:s8+$0x1C0]  }
0x195: {  	v4 =	vld [tilespmem:s21+$0xFFFFFC50];
	[tilespmem:s9+$0xFFFFFE40] =	vst v0;
	v0 =	vadd.f32 v2, v7  }
0x196: {  	v2 =	vld [tilespmem:s8+$0xFFFFFE20]  }
0x197: {  	v7 =	vld [tilespmem:s21+$0xFFFFFCD0];
	[tilespmem:s9+$0xFFFFFEC0] =	vst v0;
	v0 =	vadd.f32 v6, v5  }
0x198: {  	v5 =	vld [tilespmem:s8+$0xFFFFFEA0]  }
0x199: {  	v6 =	vld [tilespmem:s21+$0xFFFFFD50];
	[tilespmem:s9+$0xFFFFFF40] =	vst v0;
	v0 =	vadd.f32 v3, v1  }
0x19a: {  	v1 =	vld [tilespmem:s8+$0xFFFFFF20]  }
0x19b: {  	v2 =	vadd.f32 v2, v4;
	v3 =	vld [tilespmem:s21+$0xFFFFFDD0];
	[tilespmem:s9+$0xFFFFFFF0] =	vst v0  }
0x19c: {  	v0 =	vld [tilespmem:s21+$0x0]  }
0x19d: {  	[tilespmem:s9+$0xFFFFFC50] =	vst v2;
	v2 =	vadd.f32 v5, v7;
	v4 =	vld [tilespmem:s8+$0x1D0]  }
0x19e: {  	v5 =	vld [tilespmem:s8+$0xFFFFFFA0]  }
0x19f: {  	[tilespmem:s9+$0xFFFFFCD0] =	vst v2;
	v1 =	vadd.f32 v1, v6;
	v2 =	vld [tilespmem:s21+$0xFFFFFE50]  }
0x1a0: {  	v6 =	vld [tilespmem:s8+$0x20]  }
0x1a1: {  	[tilespmem:s9+$0xFFFFFD50] =	vst v1;
	v1 =	vld [tilespmem:s21+$0xFFFFFED0]  }
0x1a2: {  	v7 =	vld [tilespmem:s8+$0xA0];
	v0 =	vadd.f32 v4, v0  }
0x1a3: {  	v3 =	vadd.f32 v5, v3;
	v4 =	vld [tilespmem:s21+$0xFFFFFF50]  }
0x1a4: {  	v5 =	vld [tilespmem:s8+$0x120];
	[tilespmem:s9+$0x0] =	vst v0  }
0x1a5: {  	v0 =	vld [tilespmem:s21+$0xFFFFFC60];
	[tilespmem:s9+$0xFFFFFDD0] =	vst v3;
	v2 =	vadd.f32 v6, v2  }
0x1a6: {  	v3 =	vld [tilespmem:s8+$0xFFFFFE30]  }
0x1a7: {  	v6 =	vld [tilespmem:s21+$0xFFFFFCE0];
	[tilespmem:s9+$0xFFFFFE50] =	vst v2;
	v1 =	vadd.f32 v7, v1  }
0x1a8: {  	v2 =	vld [tilespmem:s8+$0xFFFFFEB0]  }
0x1a9: {  	v7 =	vld [tilespmem:s21+$0xFFFFFD60];
	[tilespmem:s9+$0xFFFFFED0] =	vst v1;
	v1 =	vadd.f32 v5, v4  }
0x1aa: {  	v4 =	vld [tilespmem:s8+$0xFFFFFF30]  }
0x1ab: {  	v0 =	vadd.f32 v3, v0;
	v3 =	vld [tilespmem:s21+$0xFFFFFDE0];
	[tilespmem:s9+$0xFFFFFF50] =	vst v1  }
0x1ac: {  	v1 =	vld [tilespmem:s8+$0xFFFFFFB0]  }
0x1ad: {  	[tilespmem:s9+$0xFFFFFC60] =	vst v0;
	v0 =	vadd.f32 v2, v6;
	v2 =	vld [tilespmem:s21+$0xFFFFFE60]  }
0x1ae: {  	v5 =	vld [tilespmem:s8+$0x30]  }
0x1af: {  	[tilespmem:s9+$0xFFFFFCE0] =	vst v0;
	v0 =	vadd.f32 v4, v7;
	v4 =	vld [tilespmem:s21+$0xFFFFFEE0]  }
0x1b0: {  	v6 =	vld [tilespmem:s8+$0xB0]  }
0x1b1: {  	[tilespmem:s9+$0xFFFFFD60] =	vst v0;
	v0 =	vadd.f32 v1, v3;
	v1 =	vld [tilespmem:s21+$0xFFFFFF60]  }
0x1b2: {  	v3 =	vld [tilespmem:s8+$0x130]  }
0x1b3: {  	v7 =	vld [tilespmem:s21+$0xFFFFFC70];
	[tilespmem:s9+$0xFFFFFDE0] =	vst v0;
	v0 =	vadd.f32 v5, v2  }
0x1b4: {  	v2 =	vld [tilespmem:s8+$0xFFFFFE40]  }
0x1b5: {  	v5 =	vld [tilespmem:s21+$0xFFFFFCF0];
	[tilespmem:s9+$0xFFFFFE60] =	vst v0;
	v0 =	vadd.f32 v6, v4  }
0x1b6: {  	v4 =	vld [tilespmem:s8+$0xFFFFFEC0]  }
0x1b7: {  	v6 =	vld [tilespmem:s21+$0xFFFFFD70];
	[tilespmem:s9+$0xFFFFFEE0] =	vst v0;
	v0 =	vadd.f32 v3, v1  }
0x1b8: {  	v1 =	vld [tilespmem:s8+$0xFFFFFF40]  }
0x1b9: {  	v2 =	vadd.f32 v2, v7;
	v3 =	vld [tilespmem:s21+$0xFFFFFDF0];
	[tilespmem:s9+$0xFFFFFF60] =	vst v0  }
0x1ba: {  	v0 =	vld [tilespmem:s8+$0xFFFFFFC0]  }
0x1bb: {  	[tilespmem:s9+$0xFFFFFC70] =	vst v2;
	v2 =	vadd.f32 v4, v5;
	v4 =	vld [tilespmem:s21+$0xFFFFFE70]  }
0x1bc: {  	v5 =	vld [tilespmem:s8+$0x40]  }
0x1bd: {  	[tilespmem:s9+$0xFFFFFCF0] =	vst v2;
	v1 =	vadd.f32 v1, v6;
	v2 =	vld [tilespmem:s21+$0xFFFFFEF0]  }
0x1be: {  	v6 =	vld [tilespmem:s8+$0xC0]  }
0x1bf: {  	[tilespmem:s9+$0xFFFFFD70] =	vst v1;
	v0 =	vadd.f32 v0, v3;
	v1 =	vld [tilespmem:s21+$0xFFFFFF70]  }
0x1c0: {  	v3 =	vld [tilespmem:s8+$0x140]  }
0x1c1: {  	v7 =	vld [tilespmem:s21+$0xFFFFFC80];
	[tilespmem:s9+$0xFFFFFDF0] =	vst v0;
	v0 =	vadd.f32 v5, v4  }
0x1c2: {  	v4 =	vld [tilespmem:s8+$0xFFFFFE50]  }
0x1c3: {  	v5 =	vld [tilespmem:s21+$0xFFFFFD00];
	[tilespmem:s9+$0xFFFFFE70] =	vst v0;
	v0 =	vadd.f32 v6, v2  }
0x1c4: {  	v2 =	vld [tilespmem:s8+$0xFFFFFED0]  }
0x1c5: {  	v6 =	vld [tilespmem:s21+$0xFFFFFD80];
	[tilespmem:s9+$0xFFFFFEF0] =	vst v0;
	v0 =	vadd.f32 v3, v1  }
0x1c6: {  	v1 =	vld [tilespmem:s8+$0xFFFFFF50]  }
0x1c7: {  	v3 =	vadd.f32 v4, v7;
	v7 =	vld [tilespmem:s21+$0xFFFFFE00];
	[tilespmem:s9+$0xFFFFFF70] =	vst v0  }
0x1c8: {  	v8 =	vld [tilespmem:s8+$0xFFFFFFD0]  }
0x1c9: {  	[tilespmem:s9+$0xFFFFFC80] =	vst v3;
	v3 =	vadd.f32 v2, v5;
	v0 =	vld [tilespmem:s21+$0xFFFFFE80]  }
.Ltmp6:
0x1ca: {  	v2 =	vld [tilespmem:s8+$0x50];
	(pc) =	sbr.rel @p2 .LBB2_9-.Ltmp6, $4  }
0x1cb: {  	[tilespmem:s9+$0xFFFFFD00] =	vst v3;
	v3 =	vadd.f32 v1, v6;
	v1 =	vld [tilespmem:s21+$0xFFFFFF00]  }
0x1cc: {  	v4 =	vld [tilespmem:s8+$0xD0]  }
0x1cd: {  	[tilespmem:s9+$0xFFFFFD80] =	vst v3;
	v6 =	vadd.f32 v8, v7;
	v3 =	vld [tilespmem:s21+$0xFFFFFF80]  }
0x1ce: {  	s21 =	sadd.s32 $0x400, s21;
	v5 =	vld [tilespmem:s8+$0x150]  }
0x1cf: {  	_ =	sdelay $0x1  }
0x1d0: {  	v0 =	vadd.f32 v2, v0  }
.Ltmp7:
0x1d1: {  	[tilespmem:s9+$0xFFFFFE00] =	vst v6;
	v1 =	vadd.f32 v4, v1;
	(pc) =	sbr.rel @p1 .LBB2_12-.Ltmp7, $4  }
0x1d2: {  	[tilespmem:s9+$0xFFFFFE80] =	vst v0;
	v63 =	vadd.f32 v5, v3  }
0x1d3: {  	[tilespmem:s9+$0xFFFFFF00] =	vst v1  }
0x1d4: {  	s8 =	sadd.s32 s19, s15;
	[tilespmem:s9+$0xFFFFFF80] =	vst v63  }
0x1d5: {  	[hbm4b:s8+s2] =	stream.linear.scatter [tilespmem:s29], [sflag:$0x6], $0x1000, $0x38;
	[tilespmem:$0x9000] =	vst v63  }
.Ltmp8:
0x1d6: {  	(pc) =	sbr.rel .LBB2_13-.Ltmp8, $4  }
0x1d7: {  	_ = 	snop  }
0x1d8: {  	_ =	swait.ge [sflag:s30], $0x1000  }
0x1d9: {  	[sflag:s30] =	ssyncset.done $0x0  }
0x1da: {  	[sflag:s30] =	ssyncadd.s32 $0xFFFFF000  }
.LBB2_12:
0x1db: {  	s8 =	sadd.s32 s12, s18  }
0x1dc: {  	s8 =	sshrl.u32 s8, $0x3  }
.Ltmp9:
0x1dd: {  	s9 =	simm.s32 $0x2000;
	s8 =	sadd.s32 s3, s8;
	(pc) =	sbr.rel @p0 .LBB2_14-.Ltmp9, $4  }
0x1de: {  	[tilespmem:s9], [sflag:$0x2] =	stream.linear.gather [hbm4b:s8+s2], $0x1000, $0x38;
	[tilespmem:$0x9000] =	vst v63  }
0x1df: {  	_ =	swait.ge [sflag:s30], $0x1000  }
0x1e0: {  	[sflag:s30] =	ssyncset.done $0x0  }
0x1e1: {  	[sflag:s30] =	ssyncadd.s32 $0xFFFFF000  }
.LBB2_13:
0x1e2: {  	_ =	swait.ge [sflag:s31], $0x1000  }
0x1e3: {  	[sflag:s31] =	ssyncset.done $0x0  }
0x1e4: {  	[sflag:s31] =	ssyncadd.s32 $0xFFFFF000  }
.LBB2_14:
0x1e5: {  	s20 =	simm.s32 $0x33D0  }
0x1e6: {  	s8 =	simm.s32 $0x200;
	v0 =	vld [tilespmem:s20+$0xFFFFFFB0]  }
0x1e7: {  	v1 =	vld [tilespmem:s8+$0x180]  }
0x1e8: {  	v2 =	vld [tilespmem:s8+$0xFFFFFE00]  }
0x1e9: {  	v3 =	vld [tilespmem:s20+$0xFFFFFCB0]  }
0x1ea: {  	v4 =	vld [tilespmem:s8+$0xFFFFFE80]  }
0x1eb: {  	v5 =	vld [tilespmem:s20+$0xFFFFFD30]  }
0x1ec: {  	v6 =	vld [tilespmem:s8+$0xFFFFFF00]  }
0x1ed: {  	v7 =	vld [tilespmem:s8+$0xFFFFFF80]  }
0x1ee: {  	v9 =	vld [tilespmem:s20+$0xFFFFFE30]  }
0x1ef: {  	v10 =	vld [tilespmem:s8+$0x0];
	v0 =	vadd.f32 v1, v0  }
0x1f0: {  	s9 =	simm.s32 $0x73D0;
	v11 =	vld [tilespmem:s20+$0xFFFFFEB0]  }
0x1f1: {  	v1 =	vld [tilespmem:s20+$0xFFFFFDB0];
	[tilespmem:s9+$0xFFFFFFB0] =	vst v0  }
0x1f2: {  	v0 =	vld [tilespmem:s20+$0xFFFFFFC0]  }
0x1f3: {  	v8 =	vld [tilespmem:s8+$0x190]  }
0x1f4: {  	v3 =	vadd.f32 v4, v3;
	v4 =	vld [tilespmem:s20+$0xFFFFFC30]  }
0x1f5: {  	v12 =	vld [tilespmem:s8+$0x80]  }
0x1f6: {  	v13 =	vld [tilespmem:s20+$0xFFFFFF30];
	[tilespmem:s9+$0xFFFFFCB0] =	vst v3;
	v3 =	vadd.f32 v6, v5  }
0x1f7: {  	v6 =	vld [tilespmem:s20+$0xFFFFFCC0];
	v1 =	vadd.f32 v7, v1  }
0x1f8: {  	[tilespmem:s9+$0xFFFFFD30] =	vst v3;
	v3 =	vld [tilespmem:s8+$0xFFFFFE90];
	v0 =	vadd.f32 v8, v0  }
0x1f9: {  	v2 =	vadd.f32 v2, v4;
	v4 =	vld [tilespmem:s20+$0xFFFFFD40];
	[tilespmem:s9+$0xFFFFFDB0] =	vst v1  }
0x1fa: {  	v1 =	vld [tilespmem:s8+$0xFFFFFF10];
	[tilespmem:s9+$0xFFFFFFC0] =	vst v0  }
0x1fb: {  	v0 =	vld [tilespmem:s20+$0xFFFFFFD0]  }
0x1fc: {  	v5 =	vld [tilespmem:s8+$0x1A0]  }
0x1fd: {  	[tilespmem:s9+$0xFFFFFC30] =	vst v2;
	v2 =	vld [tilespmem:s20+$0xFFFFFDC0]  }
0x1fe: {  	v43 =	vld [tilespmem:s8+$0xFFFFFF90]  }
0x1ff: {  	v8 =	vld [tilespmem:s8+$0x100];
	v3 =	vadd.f32 v3, v6  }
0x200: {  	v7 =	vld [tilespmem:s8+$0xFFFFFE10];
	v1 =	vadd.f32 v1, v4  }
0x201: {  	[tilespmem:s9+$0xFFFFFCC0] =	vst v3;
	v0 =	vadd.f32 v5, v0;
	v5 =	vld [tilespmem:s20+$0xFFFFFC40]  }
0x202: {  	v4 =	vld [tilespmem:s20+$0xFFFFFCD0];
	[tilespmem:s9+$0xFFFFFD40] =	vst v1  }
0x203: {  	v1 =	vadd.f32 v43, v2;
	v2 =	vld [tilespmem:s8+$0xFFFFFEA0];
	[tilespmem:s9+$0xFFFFFFD0] =	vst v0;
	v0 =	vadd.f32 v10, v9  }
0x204: {  	v41 =	vld [tilespmem:s20+$0xFFFFFFE0]  }
0x205: {  	v42 =	vld [tilespmem:s8+$0x1B0];
	[tilespmem:s9+$0xFFFFFE30] =	vst v0;
	v0 =	vadd.f32 v12, v11  }
0x206: {  	v47 =	vld [tilespmem:s20+$0xFFFFFD50];
	[tilespmem:s9+$0xFFFFFDC0] =	vst v1;
	v5 =	vadd.f32 v7, v5  }
0x207: {  	v1 =	vld [tilespmem:s8+$0xFFFFFF20];
	[tilespmem:s9+$0xFFFFFEB0] =	vst v0;
	v0 =	vadd.f32 v8, v13  }
0x208: {  	v45 =	vld [tilespmem:s20+$0xFFFFFEC0];
	[tilespmem:s9+$0xFFFFFC40] =	vst v5  }
0x209: {  	[tilespmem:s9+$0xFFFFFF30] =	vst v0;
	v0 =	vld [tilespmem:s8+$0x90]  }
0x20a: {  	v9 =	vadd.f32 v42, v41;
	v6 =	vld [tilespmem:s20+$0xFFFFFC50]  }
0x20b: {  	v46 =	vld [tilespmem:s20+$0xFFFFFF40]  }
0x20c: {  	v7 =	vld [tilespmem:s8+$0x110];
	[tilespmem:s9+$0xFFFFFFE0] =	vst v9  }
0x20d: {  	v9 =	vld [tilespmem:s20+$0xFFFFFFF0]  }
0x20e: {  	v5 =	vld [tilespmem:s8+$0x1C0]  }
0x20f: {  	v3 =	vld [tilespmem:s8+$0xFFFFFE20]  }
0x210: {  	v44 =	vld [tilespmem:s20+$0xFFFFFE40];
	v0 =	vadd.f32 v0, v45  }
0x211: {  	v8 =	vld [tilespmem:s8+$0x10]  }
0x212: {  	v48 =	vld [tilespmem:s20+$0xFFFFFDD0];
	[tilespmem:s9+$0xFFFFFEC0] =	vst v0;
	v0 =	vadd.f32 v7, v46  }
0x213: {  	v5 =	vadd.f32 v5, v9;
	v51 =	vld [tilespmem:s20+$0xFFFFFED0]  }
0x214: {  	[tilespmem:s9+$0xFFFFFF40] =	vst v0;
	v0 =	vadd.f32 v3, v6;
	v3 =	vld [tilespmem:s8+$0xA0]  }
0x215: {  	[tilespmem:s9+$0xFFFFFFF0] =	vst v5;
	v6 =	vld [tilespmem:s20+$0xFFFFFF50]  }
0x216: {  	v5 =	vadd.f32 v8, v44;
	v8 =	vld [tilespmem:s20+$0x0]  }
0x217: {  	v49 =	vld [tilespmem:s8+$0x1D0];
	[tilespmem:s9+$0xFFFFFC50] =	vst v0  }
0x218: {  	[tilespmem:s9+$0xFFFFFE40] =	vst v5;
	v5 =	vld [tilespmem:s8+$0xFFFFFFA0]  }
0x219: {  	v0 =	vadd.f32 v2, v4;
	v4 =	vld [tilespmem:s20+$0xFFFFFC60]  }
0x21a: {  	v50 =	vld [tilespmem:s20+$0xFFFFFE50]  }
0x21b: {  	[tilespmem:s9+$0xFFFFFCD0] =	vst v0;
	v0 =	vadd.f32 v1, v47;
	v1 =	vld [tilespmem:s8+$0xFFFFFE30]  }
0x21c: {  	v7 =	vld [tilespmem:s8+$0x20]  }
0x21d: {  	v2 =	vld [tilespmem:s8+$0x120]  }
0x21e: {  	v52 =	vld [tilespmem:s20+$0xFFFFFCE0];
	[tilespmem:s9+$0xFFFFFD50] =	vst v0  }
0x21f: {  	v53 =	vld [tilespmem:s20+$0xFFFFFD60];
	v0 =	vadd.f32 v5, v48  }
0x220: {  	v5 =	vld [tilespmem:s8+$0xFFFFFEB0];
	v1 =	vadd.f32 v1, v4  }
0x221: {  	[tilespmem:s9+$0xFFFFFDD0] =	vst v0;
	v0 =	vadd.f32 v7, v50;
	v7 =	vld [tilespmem:s8+$0xFFFFFF30]  }
0x222: {  	v54 =	vld [tilespmem:s20+$0xFFFFFDE0];
	[tilespmem:s9+$0xFFFFFC60] =	vst v1  }
0x223: {  	[tilespmem:s9+$0xFFFFFE50] =	vst v0;
	v0 =	vadd.f32 v3, v51;
	v3 =	vld [tilespmem:s8+$0xFFFFFFB0]  }
0x224: {  	v56 =	vld [tilespmem:s20+$0xFFFFFC70]  }
0x225: {  	v55 =	vld [tilespmem:s20+$0xFFFFFE60]  }
0x226: {  	v1 =	vadd.f32 v5, v52;
	[tilespmem:s9+$0xFFFFFED0] =	vst v0;
	v0 =	vadd.f32 v2, v6;
	v2 =	vld [tilespmem:s8+$0x30]  }
0x227: {  	v6 =	vld [tilespmem:s20+$0xFFFFFEE0]  }
0x228: {  	[tilespmem:s9+$0xFFFFFCE0] =	vst v1;
	v1 =	vadd.f32 v7, v53;
	v7 =	vld [tilespmem:s8+$0xFFFFFE40]  }
0x229: {  	[tilespmem:s9+$0xFFFFFF50] =	vst v0;
	v0 =	vld [tilespmem:s8+$0xB0]  }
0x22a: {  	v57 =	vld [tilespmem:s20+$0xFFFFFCF0]  }
0x22b: {  	v4 =	vld [tilespmem:s20+$0xFFFFFF60]  }
0x22c: {  	v5 =	vld [tilespmem:s8+$0x130]  }
0x22d: {  	[tilespmem:s9+$0xFFFFFD60] =	vst v1;
	v1 =	vadd.f32 v3, v54;
	v3 =	vld [tilespmem:s8+$0xFFFFFEC0]  }
0x22e: {  	v58 =	vld [tilespmem:s20+$0xFFFFFD70]  }
0x22f: {  	[tilespmem:s9+$0xFFFFFDE0] =	vst v1;
	v1 =	vadd.f32 v2, v55;
	v2 =	vld [tilespmem:s8+$0xFFFFFF40]  }
0x230: {  	v59 =	vld [tilespmem:s20+$0xFFFFFDF0];
	v7 =	vadd.f32 v7, v56  }
0x231: {  	[tilespmem:s9+$0xFFFFFE60] =	vst v1;
	v0 =	vadd.f32 v0, v6;
	v1 =	vld [tilespmem:s8+$0xFFFFFFC0]  }
0x232: {  	v6 =	vld [tilespmem:s20+$0xFFFFFE70];
	[tilespmem:s9+$0xFFFFFC70] =	vst v7  }
0x233: {  	[tilespmem:s9+$0xFFFFFEE0] =	vst v0;
	v0 =	vadd.f32 v5, v4;
	v4 =	vld [tilespmem:s8+$0x40]  }
0x234: {  	v3 =	vadd.f32 v3, v57;
	v61 =	vld [tilespmem:s20+$0xFFFFFC80]  }
0x235: {  	v5 =	vld [tilespmem:s20+$0xFFFFFEF0]  }
0x236: {  	[tilespmem:s9+$0xFFFFFCF0] =	vst v3;
	v3 =	vld [tilespmem:s8+$0xFFFFFE50]  }
0x237: {  	[tilespmem:s9+$0xFFFFFF60] =	vst v0;
	v0 =	vld [tilespmem:s8+$0xC0]  }
0x238: {  	v62 =	vld [tilespmem:s20+$0xFFFFFD00]  }
0x239: {  	v2 =	vadd.f32 v2, v58;
	v63 =	vld [tilespmem:s8+$0xFFFFFED0]  }
0x23a: {  	v60 =	vld [tilespmem:s20+$0xFFFFFF70]  }
0x23b: {  	v7 =	vld [tilespmem:s8+$0x140];
	[tilespmem:s9+$0xFFFFFD70] =	vst v2;
	v1 =	vadd.f32 v1, v59  }
0x23c: {  	v14 =	vld [tilespmem:s20+$0xFFFFFD80]  }
0x23d: {  	[tilespmem:s9+$0xFFFFFDF0] =	vst v1;
	v1 =	vadd.f32 v4, v6;
	v4 =	vld [tilespmem:s8+$0xFFFFFF50]  }
0x23e: {  	v2 =	vadd.f32 v49, v8;
	v6 =	vld [tilespmem:s20+$0xFFFFFE00]  }
0x23f: {  	[tilespmem:s9+$0xFFFFFE70] =	vst v1;
	v1 =	vadd.f32 v0, v5;
	v5 =	vld [tilespmem:s8+$0xFFFFFFD0]  }
0x240: {  	[tilespmem:s9+$0x0] =	vst v2;
	v7 =	vadd.f32 v7, v60;
	v0 =	vld [tilespmem:s20+$0xFFFFFE80]  }
0x241: {  	v3 =	vadd.f32 v3, v61;
	v2 =	vld [tilespmem:s8+$0x50];
	[tilespmem:s9+$0xFFFFFEF0] =	vst v1  }
0x242: {  	[tilespmem:s9+$0xFFFFFF70] =	vst v7;
	v7 =	vadd.f32 v63, v62;
	v1 =	vld [tilespmem:s20+$0xFFFFFF00]  }
0x243: {  	[tilespmem:s9+$0xFFFFFC80] =	vst v3;
	v8 =	vadd.f32 v4, v14;
	v4 =	vld [tilespmem:s8+$0xD0]  }
0x244: {  	v3 =	vld [tilespmem:s20+$0xFFFFFF80];
	[tilespmem:s9+$0xFFFFFD00] =	vst v7;
	v6 =	vadd.f32 v5, v6  }
0x245: {  	s21 =	simm.s32 $0x37D0;
	s20 =	simm.s32 $0x0;
	[tilespmem:s9+$0xFFFFFD80] =	vst v8;
	v5 =	vld [tilespmem:s8+$0x150]  }
.LBB2_15:
0x246: {  	v7 =	vld [tilespmem:s21+$0xFFFFFFB0];
	[tilespmem:s9+$0xFFFFFE00] =	vst v6;
	v0 =	vadd.f32 v2, v0;
	s8 =	sadd.s32 $0x400, s8  }
0x247: {  	v2 =	vld [tilespmem:s8+$0x180]  }
0x248: {  	v6 =	vld [tilespmem:s8+$0xFFFFFE00];
	[tilespmem:s9+$0xFFFFFE80] =	vst v0;
	v0 =	vadd.f32 v4, v1  }
0x249: {  	v1 =	vld [tilespmem:s21+$0xFFFFFCB0]  }
0x24a: {  	v4 =	vld [tilespmem:s8+$0xFFFFFE80];
	[tilespmem:s9+$0xFFFFFF00] =	vst v0;
	v0 =	vadd.f32 v5, v3  }
0x24b: {  	v3 =	vld [tilespmem:s21+$0xFFFFFD30]  }
0x24c: {  	s20 =	sadd.s32 $0x8, s20;
	v5 =	vld [tilespmem:s8+$0xFFFFFF00];
	v2 =	vadd.f32 v2, v7;
	[tilespmem:s9+$0xFFFFFF80] =	vst v0  }
0x24d: {  	p2 =	slt.u32 s20, $0x18;
	s9 =	sadd.s32 $0x400, s9;
	v0 =	vld [tilespmem:s21+$0xFFFFFDB0]  }
0x24e: {  	v7 =	vld [tilespmem:s8+$0xFFFFFF80];
	[tilespmem:s9+$0xFFFFFFB0] =	vst v2  }
0x24f: {  	v1 =	vadd.f32 v4, v1;
	v2 =	vld [tilespmem:s21+$0xFFFFFFC0]  }
0x250: {  	v4 =	vld [tilespmem:s8+$0x190]  }
0x251: {  	[tilespmem:s9+$0xFFFFFCB0] =	vst v1;
	v1 =	vadd.f32 v5, v3;
	v3 =	vld [tilespmem:s21+$0xFFFFFE30]  }
0x252: {  	v5 =	vld [tilespmem:s8+$0x0]  }
0x253: {  	[tilespmem:s9+$0xFFFFFD30] =	vst v1;
	v0 =	vadd.f32 v7, v0;
	v1 =	vld [tilespmem:s21+$0xFFFFFEB0]  }
0x254: {  	v7 =	vld [tilespmem:s8+$0x80]  }
0x255: {  	[tilespmem:s9+$0xFFFFFDB0] =	vst v0;
	v0 =	vld [tilespmem:s21+$0xFFFFFF30];
	v2 =	vadd.f32 v4, v2  }
0x256: {  	v4 =	vld [tilespmem:s8+$0x100]  }
0x257: {  	v8 =	vld [tilespmem:s21+$0xFFFFFC30];
	v3 =	vadd.f32 v5, v3;
	[tilespmem:s9+$0xFFFFFFC0] =	vst v2  }
0x258: {  	v2 =	vld [tilespmem:s21+$0xFFFFFFD0]  }
0x259: {  	[tilespmem:s9+$0xFFFFFE30] =	vst v3;
	v1 =	vadd.f32 v7, v1;
	v3 =	vld [tilespmem:s8+$0x1A0]  }
0x25a: {  	v5 =	vld [tilespmem:s21+$0xFFFFFCC0]  }
0x25b: {  	v7 =	vld [tilespmem:s8+$0xFFFFFE90];
	[tilespmem:s9+$0xFFFFFEB0] =	vst v1;
	v0 =	vadd.f32 v4, v0  }
0x25c: {  	v1 =	vadd.f32 v6, v8;
	v4 =	vld [tilespmem:s21+$0xFFFFFD40]  }
0x25d: {  	v6 =	vld [tilespmem:s8+$0xFFFFFF10];
	[tilespmem:s9+$0xFFFFFF30] =	vst v0  }
0x25e: {  	[tilespmem:s9+$0xFFFFFC30] =	vst v1;
	v0 =	vld [tilespmem:s21+$0xFFFFFDC0];
	v1 =	vadd.f32 v3, v2  }
0x25f: {  	v2 =	vld [tilespmem:s21+$0xFFFFFC40]  }
0x260: {  	v3 =	vld [tilespmem:s8+$0xFFFFFE10];
	v5 =	vadd.f32 v7, v5;
	[tilespmem:s9+$0xFFFFFFD0] =	vst v1  }
0x261: {  	v1 =	vld [tilespmem:s21+$0xFFFFFFE0]  }
0x262: {  	[tilespmem:s9+$0xFFFFFCC0] =	vst v5;
	v4 =	vadd.f32 v6, v4;
	v5 =	vld [tilespmem:s8+$0x1B0]  }
0x263: {  	v6 =	vld [tilespmem:s8+$0xFFFFFF90]  }
0x264: {  	[tilespmem:s9+$0xFFFFFD40] =	vst v4;
	v4 =	vld [tilespmem:s21+$0xFFFFFE40]  }
0x265: {  	v2 =	vadd.f32 v3, v2;
	v3 =	vld [tilespmem:s8+$0x10]  }
0x266: {  	v7 =	vld [tilespmem:s21+$0xFFFFFEC0]  }
0x267: {  	[tilespmem:s9+$0xFFFFFC40] =	vst v2;
	v2 =	vld [tilespmem:s8+$0x90];
	v1 =	vadd.f32 v5, v1  }
0x268: {  	v0 =	vadd.f32 v6, v0;
	v5 =	vld [tilespmem:s21+$0xFFFFFF40]  }
0x269: {  	v6 =	vld [tilespmem:s8+$0x110];
	[tilespmem:s9+$0xFFFFFFE0] =	vst v1  }
0x26a: {  	[tilespmem:s9+$0xFFFFFDC0] =	vst v0;
	v0 =	vadd.f32 v3, v4;
	v1 =	vld [tilespmem:s21+$0xFFFFFFF0]  }
0x26b: {  	v3 =	vld [tilespmem:s8+$0x1C0]  }
0x26c: {  	v4 =	vld [tilespmem:s21+$0xFFFFFC50];
	[tilespmem:s9+$0xFFFFFE40] =	vst v0;
	v0 =	vadd.f32 v2, v7  }
0x26d: {  	v2 =	vld [tilespmem:s8+$0xFFFFFE20]  }
0x26e: {  	v7 =	vld [tilespmem:s21+$0xFFFFFCD0];
	[tilespmem:s9+$0xFFFFFEC0] =	vst v0;
	v0 =	vadd.f32 v6, v5  }
0x26f: {  	v5 =	vld [tilespmem:s8+$0xFFFFFEA0]  }
0x270: {  	v6 =	vld [tilespmem:s21+$0xFFFFFD50];
	[tilespmem:s9+$0xFFFFFF40] =	vst v0;
	v0 =	vadd.f32 v3, v1  }
0x271: {  	v1 =	vld [tilespmem:s8+$0xFFFFFF20]  }
0x272: {  	v2 =	vadd.f32 v2, v4;
	v3 =	vld [tilespmem:s21+$0xFFFFFDD0];
	[tilespmem:s9+$0xFFFFFFF0] =	vst v0  }
0x273: {  	v0 =	vld [tilespmem:s21+$0x0]  }
0x274: {  	[tilespmem:s9+$0xFFFFFC50] =	vst v2;
	v2 =	vadd.f32 v5, v7;
	v4 =	vld [tilespmem:s8+$0x1D0]  }
0x275: {  	v5 =	vld [tilespmem:s8+$0xFFFFFFA0]  }
0x276: {  	[tilespmem:s9+$0xFFFFFCD0] =	vst v2;
	v1 =	vadd.f32 v1, v6;
	v2 =	vld [tilespmem:s21+$0xFFFFFE50]  }
0x277: {  	v6 =	vld [tilespmem:s8+$0x20]  }
0x278: {  	[tilespmem:s9+$0xFFFFFD50] =	vst v1;
	v1 =	vld [tilespmem:s21+$0xFFFFFED0]  }
0x279: {  	v7 =	vld [tilespmem:s8+$0xA0];
	v0 =	vadd.f32 v4, v0  }
0x27a: {  	v3 =	vadd.f32 v5, v3;
	v4 =	vld [tilespmem:s21+$0xFFFFFF50]  }
0x27b: {  	v5 =	vld [tilespmem:s8+$0x120];
	[tilespmem:s9+$0x0] =	vst v0  }
0x27c: {  	v0 =	vld [tilespmem:s21+$0xFFFFFC60];
	[tilespmem:s9+$0xFFFFFDD0] =	vst v3;
	v2 =	vadd.f32 v6, v2  }
0x27d: {  	v3 =	vld [tilespmem:s8+$0xFFFFFE30]  }
0x27e: {  	v6 =	vld [tilespmem:s21+$0xFFFFFCE0];
	[tilespmem:s9+$0xFFFFFE50] =	vst v2;
	v1 =	vadd.f32 v7, v1  }
0x27f: {  	v2 =	vld [tilespmem:s8+$0xFFFFFEB0]  }
0x280: {  	v7 =	vld [tilespmem:s21+$0xFFFFFD60];
	[tilespmem:s9+$0xFFFFFED0] =	vst v1;
	v1 =	vadd.f32 v5, v4  }
0x281: {  	v4 =	vld [tilespmem:s8+$0xFFFFFF30]  }
0x282: {  	v0 =	vadd.f32 v3, v0;
	v3 =	vld [tilespmem:s21+$0xFFFFFDE0];
	[tilespmem:s9+$0xFFFFFF50] =	vst v1  }
0x283: {  	v1 =	vld [tilespmem:s8+$0xFFFFFFB0]  }
0x284: {  	[tilespmem:s9+$0xFFFFFC60] =	vst v0;
	v0 =	vadd.f32 v2, v6;
	v2 =	vld [tilespmem:s21+$0xFFFFFE60]  }
0x285: {  	v5 =	vld [tilespmem:s8+$0x30]  }
0x286: {  	[tilespmem:s9+$0xFFFFFCE0] =	vst v0;
	v0 =	vadd.f32 v4, v7;
	v4 =	vld [tilespmem:s21+$0xFFFFFEE0]  }
0x287: {  	v6 =	vld [tilespmem:s8+$0xB0]  }
0x288: {  	[tilespmem:s9+$0xFFFFFD60] =	vst v0;
	v0 =	vadd.f32 v1, v3;
	v1 =	vld [tilespmem:s21+$0xFFFFFF60]  }
0x289: {  	v3 =	vld [tilespmem:s8+$0x130]  }
0x28a: {  	v7 =	vld [tilespmem:s21+$0xFFFFFC70];
	[tilespmem:s9+$0xFFFFFDE0] =	vst v0;
	v0 =	vadd.f32 v5, v2  }
0x28b: {  	v2 =	vld [tilespmem:s8+$0xFFFFFE40]  }
0x28c: {  	v5 =	vld [tilespmem:s21+$0xFFFFFCF0];
	[tilespmem:s9+$0xFFFFFE60] =	vst v0;
	v0 =	vadd.f32 v6, v4  }
0x28d: {  	v4 =	vld [tilespmem:s8+$0xFFFFFEC0]  }
0x28e: {  	v6 =	vld [tilespmem:s21+$0xFFFFFD70];
	[tilespmem:s9+$0xFFFFFEE0] =	vst v0;
	v0 =	vadd.f32 v3, v1  }
0x28f: {  	v1 =	vld [tilespmem:s8+$0xFFFFFF40]  }
0x290: {  	v2 =	vadd.f32 v2, v7;
	v3 =	vld [tilespmem:s21+$0xFFFFFDF0];
	[tilespmem:s9+$0xFFFFFF60] =	vst v0  }
0x291: {  	v0 =	vld [tilespmem:s8+$0xFFFFFFC0]  }
0x292: {  	[tilespmem:s9+$0xFFFFFC70] =	vst v2;
	v2 =	vadd.f32 v4, v5;
	v4 =	vld [tilespmem:s21+$0xFFFFFE70]  }
0x293: {  	v5 =	vld [tilespmem:s8+$0x40]  }
0x294: {  	[tilespmem:s9+$0xFFFFFCF0] =	vst v2;
	v1 =	vadd.f32 v1, v6;
	v2 =	vld [tilespmem:s21+$0xFFFFFEF0]  }
0x295: {  	v6 =	vld [tilespmem:s8+$0xC0]  }
0x296: {  	[tilespmem:s9+$0xFFFFFD70] =	vst v1;
	v0 =	vadd.f32 v0, v3;
	v1 =	vld [tilespmem:s21+$0xFFFFFF70]  }
0x297: {  	v3 =	vld [tilespmem:s8+$0x140]  }
0x298: {  	v7 =	vld [tilespmem:s21+$0xFFFFFC80];
	[tilespmem:s9+$0xFFFFFDF0] =	vst v0;
	v0 =	vadd.f32 v5, v4  }
0x299: {  	v4 =	vld [tilespmem:s8+$0xFFFFFE50]  }
0x29a: {  	v5 =	vld [tilespmem:s21+$0xFFFFFD00];
	[tilespmem:s9+$0xFFFFFE70] =	vst v0;
	v0 =	vadd.f32 v6, v2  }
0x29b: {  	v2 =	vld [tilespmem:s8+$0xFFFFFED0]  }
0x29c: {  	v6 =	vld [tilespmem:s21+$0xFFFFFD80];
	[tilespmem:s9+$0xFFFFFEF0] =	vst v0;
	v0 =	vadd.f32 v3, v1  }
0x29d: {  	v1 =	vld [tilespmem:s8+$0xFFFFFF50]  }
0x29e: {  	v3 =	vadd.f32 v4, v7;
	v7 =	vld [tilespmem:s21+$0xFFFFFE00];
	[tilespmem:s9+$0xFFFFFF70] =	vst v0  }
0x29f: {  	v8 =	vld [tilespmem:s8+$0xFFFFFFD0]  }
0x2a0: {  	[tilespmem:s9+$0xFFFFFC80] =	vst v3;
	v3 =	vadd.f32 v2, v5;
	v0 =	vld [tilespmem:s21+$0xFFFFFE80]  }
.Ltmp10:
0x2a1: {  	v2 =	vld [tilespmem:s8+$0x50];
	(pc) =	sbr.rel @p2 .LBB2_15-.Ltmp10, $4  }
0x2a2: {  	[tilespmem:s9+$0xFFFFFD00] =	vst v3;
	v3 =	vadd.f32 v1, v6;
	v1 =	vld [tilespmem:s21+$0xFFFFFF00]  }
0x2a3: {  	v4 =	vld [tilespmem:s8+$0xD0]  }
0x2a4: {  	[tilespmem:s9+$0xFFFFFD80] =	vst v3;
	v6 =	vadd.f32 v8, v7;
	v3 =	vld [tilespmem:s21+$0xFFFFFF80]  }
0x2a5: {  	s21 =	sadd.s32 $0x400, s21;
	v5 =	vld [tilespmem:s8+$0x150]  }
0x2a6: {  	_ =	sdelay $0x1  }
0x2a7: {  	v0 =	vadd.f32 v2, v0  }
.Ltmp11:
0x2a8: {  	[tilespmem:s9+$0xFFFFFE00] =	vst v6;
	v1 =	vadd.f32 v4, v1;
	(pc) =	sbr.rel @p1 .LBB2_18-.Ltmp11, $4  }
0x2a9: {  	[tilespmem:s9+$0xFFFFFE80] =	vst v0;
	v63 =	vadd.f32 v5, v3  }
0x2aa: {  	[tilespmem:s9+$0xFFFFFF00] =	vst v1  }
0x2ab: {  	s8 =	sadd.s32 s19, s16;
	[tilespmem:s9+$0xFFFFFF80] =	vst v63  }
0x2ac: {  	[hbm4b:s8+s2] =	stream.linear.scatter [tilespmem:s0], [sflag:$0x7], $0x1000, $0x38;
	[tilespmem:$0x9000] =	vst v63  }
.Ltmp12:
0x2ad: {  	(pc) =	sbr.rel .LBB2_19-.Ltmp12, $4  }
0x2ae: {  	_ = 	snop  }
0x2af: {  	_ =	swait.ge [sflag:s1], $0x1000  }
0x2b0: {  	[sflag:s1] =	ssyncset.done $0x0  }
0x2b1: {  	[sflag:s1] =	ssyncadd.s32 $0xFFFFF000  }
.LBB2_18:
0x2b2: {  	s8 =	sadd.s32 s13, s18  }
0x2b3: {  	s8 =	sshrl.u32 s8, $0x3  }
.Ltmp13:
0x2b4: {  	s8 =	sadd.s32 s3, s8;
	(pc) =	sbr.rel @p0 .LBB2_20-.Ltmp13, $4  }
0x2b5: {  	[tilespmem:s22], [sflag:$0x3] =	stream.linear.gather [hbm4b:s8+s2], $0x1000, $0x38;
	[tilespmem:$0x9000] =	vst v63  }
0x2b6: {  	_ =	swait.ge [sflag:s1], $0x1000  }
0x2b7: {  	[sflag:s1] =	ssyncset.done $0x0  }
0x2b8: {  	[sflag:s1] =	ssyncadd.s32 $0xFFFFF000  }
.LBB2_19:
0x2b9: {  	_ =	swait.ge [sflag:s5], $0x1000  }
0x2ba: {  	[sflag:s5] =	ssyncset.done $0x0  }
0x2bb: {  	[sflag:s5] =	ssyncadd.s32 $0xFFFFF000  }
.LBB2_20:
0x2bc: {  	s20 =	simm.s32 $0x43D0  }
0x2bd: {  	s8 =	simm.s32 $0x200;
	v0 =	vld [tilespmem:s20+$0xFFFFFFB0]  }
0x2be: {  	v1 =	vld [tilespmem:s8+$0x180]  }
0x2bf: {  	v2 =	vld [tilespmem:s8+$0xFFFFFE00]  }
0x2c0: {  	v3 =	vld [tilespmem:s20+$0xFFFFFCB0]  }
0x2c1: {  	v4 =	vld [tilespmem:s8+$0xFFFFFE80]  }
0x2c2: {  	v5 =	vld [tilespmem:s20+$0xFFFFFD30]  }
0x2c3: {  	v6 =	vld [tilespmem:s8+$0xFFFFFF00]  }
0x2c4: {  	v7 =	vld [tilespmem:s8+$0xFFFFFF80]  }
0x2c5: {  	v9 =	vld [tilespmem:s20+$0xFFFFFE30]  }
0x2c6: {  	v10 =	vld [tilespmem:s8+$0x0];
	v0 =	vadd.f32 v1, v0  }
0x2c7: {  	s9 =	simm.s32 $0x83D0;
	v11 =	vld [tilespmem:s20+$0xFFFFFEB0]  }
0x2c8: {  	v1 =	vld [tilespmem:s20+$0xFFFFFDB0];
	[tilespmem:s9+$0xFFFFFFB0] =	vst v0  }
0x2c9: {  	v0 =	vld [tilespmem:s20+$0xFFFFFFC0]  }
0x2ca: {  	v8 =	vld [tilespmem:s8+$0x190]  }
0x2cb: {  	v3 =	vadd.f32 v4, v3;
	v4 =	vld [tilespmem:s20+$0xFFFFFC30]  }
0x2cc: {  	v12 =	vld [tilespmem:s8+$0x80]  }
0x2cd: {  	v13 =	vld [tilespmem:s20+$0xFFFFFF30];
	[tilespmem:s9+$0xFFFFFCB0] =	vst v3;
	v3 =	vadd.f32 v6, v5  }
0x2ce: {  	v6 =	vld [tilespmem:s20+$0xFFFFFCC0];
	v1 =	vadd.f32 v7, v1  }
0x2cf: {  	[tilespmem:s9+$0xFFFFFD30] =	vst v3;
	v3 =	vld [tilespmem:s8+$0xFFFFFE90];
	v0 =	vadd.f32 v8, v0  }
0x2d0: {  	v2 =	vadd.f32 v2, v4;
	v4 =	vld [tilespmem:s20+$0xFFFFFD40];
	[tilespmem:s9+$0xFFFFFDB0] =	vst v1  }
0x2d1: {  	v1 =	vld [tilespmem:s8+$0xFFFFFF10];
	[tilespmem:s9+$0xFFFFFFC0] =	vst v0  }
0x2d2: {  	v0 =	vld [tilespmem:s20+$0xFFFFFFD0]  }
0x2d3: {  	v5 =	vld [tilespmem:s8+$0x1A0]  }
0x2d4: {  	[tilespmem:s9+$0xFFFFFC30] =	vst v2;
	v2 =	vld [tilespmem:s20+$0xFFFFFDC0]  }
0x2d5: {  	v43 =	vld [tilespmem:s8+$0xFFFFFF90]  }
0x2d6: {  	v8 =	vld [tilespmem:s8+$0x100];
	v3 =	vadd.f32 v3, v6  }
0x2d7: {  	v7 =	vld [tilespmem:s8+$0xFFFFFE10];
	v1 =	vadd.f32 v1, v4  }
0x2d8: {  	[tilespmem:s9+$0xFFFFFCC0] =	vst v3;
	v0 =	vadd.f32 v5, v0;
	v5 =	vld [tilespmem:s20+$0xFFFFFC40]  }
0x2d9: {  	v4 =	vld [tilespmem:s20+$0xFFFFFCD0];
	[tilespmem:s9+$0xFFFFFD40] =	vst v1  }
0x2da: {  	v1 =	vadd.f32 v43, v2;
	v2 =	vld [tilespmem:s8+$0xFFFFFEA0];
	[tilespmem:s9+$0xFFFFFFD0] =	vst v0;
	v0 =	vadd.f32 v10, v9  }
0x2db: {  	v41 =	vld [tilespmem:s20+$0xFFFFFFE0]  }
0x2dc: {  	v42 =	vld [tilespmem:s8+$0x1B0];
	[tilespmem:s9+$0xFFFFFE30] =	vst v0;
	v0 =	vadd.f32 v12, v11  }
0x2dd: {  	v47 =	vld [tilespmem:s20+$0xFFFFFD50];
	[tilespmem:s9+$0xFFFFFDC0] =	vst v1;
	v5 =	vadd.f32 v7, v5  }
0x2de: {  	v1 =	vld [tilespmem:s8+$0xFFFFFF20];
	[tilespmem:s9+$0xFFFFFEB0] =	vst v0;
	v0 =	vadd.f32 v8, v13  }
0x2df: {  	v45 =	vld [tilespmem:s20+$0xFFFFFEC0];
	[tilespmem:s9+$0xFFFFFC40] =	vst v5  }
0x2e0: {  	[tilespmem:s9+$0xFFFFFF30] =	vst v0;
	v0 =	vld [tilespmem:s8+$0x90]  }
0x2e1: {  	v9 =	vadd.f32 v42, v41;
	v6 =	vld [tilespmem:s20+$0xFFFFFC50]  }
0x2e2: {  	v46 =	vld [tilespmem:s20+$0xFFFFFF40]  }
0x2e3: {  	v7 =	vld [tilespmem:s8+$0x110];
	[tilespmem:s9+$0xFFFFFFE0] =	vst v9  }
0x2e4: {  	v9 =	vld [tilespmem:s20+$0xFFFFFFF0]  }
0x2e5: {  	v5 =	vld [tilespmem:s8+$0x1C0]  }
0x2e6: {  	v3 =	vld [tilespmem:s8+$0xFFFFFE20]  }
0x2e7: {  	v44 =	vld [tilespmem:s20+$0xFFFFFE40];
	v0 =	vadd.f32 v0, v45  }
0x2e8: {  	v8 =	vld [tilespmem:s8+$0x10]  }
0x2e9: {  	v48 =	vld [tilespmem:s20+$0xFFFFFDD0];
	[tilespmem:s9+$0xFFFFFEC0] =	vst v0;
	v0 =	vadd.f32 v7, v46  }
0x2ea: {  	v5 =	vadd.f32 v5, v9;
	v51 =	vld [tilespmem:s20+$0xFFFFFED0]  }
0x2eb: {  	[tilespmem:s9+$0xFFFFFF40] =	vst v0;
	v0 =	vadd.f32 v3, v6;
	v3 =	vld [tilespmem:s8+$0xA0]  }
0x2ec: {  	[tilespmem:s9+$0xFFFFFFF0] =	vst v5;
	v6 =	vld [tilespmem:s20+$0xFFFFFF50]  }
0x2ed: {  	v5 =	vadd.f32 v8, v44;
	v8 =	vld [tilespmem:s20+$0x0]  }
0x2ee: {  	v49 =	vld [tilespmem:s8+$0x1D0];
	[tilespmem:s9+$0xFFFFFC50] =	vst v0  }
0x2ef: {  	[tilespmem:s9+$0xFFFFFE40] =	vst v5;
	v5 =	vld [tilespmem:s8+$0xFFFFFFA0]  }
0x2f0: {  	v0 =	vadd.f32 v2, v4;
	v4 =	vld [tilespmem:s20+$0xFFFFFC60]  }
0x2f1: {  	v50 =	vld [tilespmem:s20+$0xFFFFFE50]  }
0x2f2: {  	[tilespmem:s9+$0xFFFFFCD0] =	vst v0;
	v0 =	vadd.f32 v1, v47;
	v1 =	vld [tilespmem:s8+$0xFFFFFE30]  }
0x2f3: {  	v7 =	vld [tilespmem:s8+$0x20]  }
0x2f4: {  	v2 =	vld [tilespmem:s8+$0x120]  }
0x2f5: {  	v52 =	vld [tilespmem:s20+$0xFFFFFCE0];
	[tilespmem:s9+$0xFFFFFD50] =	vst v0  }
0x2f6: {  	v53 =	vld [tilespmem:s20+$0xFFFFFD60];
	v0 =	vadd.f32 v5, v48  }
0x2f7: {  	v5 =	vld [tilespmem:s8+$0xFFFFFEB0];
	v1 =	vadd.f32 v1, v4  }
0x2f8: {  	[tilespmem:s9+$0xFFFFFDD0] =	vst v0;
	v0 =	vadd.f32 v7, v50;
	v7 =	vld [tilespmem:s8+$0xFFFFFF30]  }
0x2f9: {  	v54 =	vld [tilespmem:s20+$0xFFFFFDE0];
	[tilespmem:s9+$0xFFFFFC60] =	vst v1  }
0x2fa: {  	[tilespmem:s9+$0xFFFFFE50] =	vst v0;
	v0 =	vadd.f32 v3, v51;
	v3 =	vld [tilespmem:s8+$0xFFFFFFB0]  }
0x2fb: {  	v56 =	vld [tilespmem:s20+$0xFFFFFC70]  }
0x2fc: {  	v55 =	vld [tilespmem:s20+$0xFFFFFE60]  }
0x2fd: {  	v1 =	vadd.f32 v5, v52;
	[tilespmem:s9+$0xFFFFFED0] =	vst v0;
	v0 =	vadd.f32 v2, v6;
	v2 =	vld [tilespmem:s8+$0x30]  }
0x2fe: {  	v6 =	vld [tilespmem:s20+$0xFFFFFEE0]  }
0x2ff: {  	[tilespmem:s9+$0xFFFFFCE0] =	vst v1;
	v1 =	vadd.f32 v7, v53;
	v7 =	vld [tilespmem:s8+$0xFFFFFE40]  }
0x300: {  	[tilespmem:s9+$0xFFFFFF50] =	vst v0;
	v0 =	vld [tilespmem:s8+$0xB0]  }
0x301: {  	v57 =	vld [tilespmem:s20+$0xFFFFFCF0]  }
0x302: {  	v4 =	vld [tilespmem:s20+$0xFFFFFF60]  }
0x303: {  	v5 =	vld [tilespmem:s8+$0x130]  }
0x304: {  	[tilespmem:s9+$0xFFFFFD60] =	vst v1;
	v1 =	vadd.f32 v3, v54;
	v3 =	vld [tilespmem:s8+$0xFFFFFEC0]  }
0x305: {  	v58 =	vld [tilespmem:s20+$0xFFFFFD70]  }
0x306: {  	[tilespmem:s9+$0xFFFFFDE0] =	vst v1;
	v1 =	vadd.f32 v2, v55;
	v2 =	vld [tilespmem:s8+$0xFFFFFF40]  }
0x307: {  	v59 =	vld [tilespmem:s20+$0xFFFFFDF0];
	v7 =	vadd.f32 v7, v56  }
0x308: {  	[tilespmem:s9+$0xFFFFFE60] =	vst v1;
	v0 =	vadd.f32 v0, v6;
	v1 =	vld [tilespmem:s8+$0xFFFFFFC0]  }
0x309: {  	v6 =	vld [tilespmem:s20+$0xFFFFFE70];
	[tilespmem:s9+$0xFFFFFC70] =	vst v7  }
0x30a: {  	[tilespmem:s9+$0xFFFFFEE0] =	vst v0;
	v0 =	vadd.f32 v5, v4;
	v4 =	vld [tilespmem:s8+$0x40]  }
0x30b: {  	v3 =	vadd.f32 v3, v57;
	v61 =	vld [tilespmem:s20+$0xFFFFFC80]  }
0x30c: {  	v5 =	vld [tilespmem:s20+$0xFFFFFEF0]  }
0x30d: {  	[tilespmem:s9+$0xFFFFFCF0] =	vst v3;
	v3 =	vld [tilespmem:s8+$0xFFFFFE50]  }
0x30e: {  	[tilespmem:s9+$0xFFFFFF60] =	vst v0;
	v0 =	vld [tilespmem:s8+$0xC0]  }
0x30f: {  	v62 =	vld [tilespmem:s20+$0xFFFFFD00]  }
0x310: {  	v2 =	vadd.f32 v2, v58;
	v63 =	vld [tilespmem:s8+$0xFFFFFED0]  }
0x311: {  	v60 =	vld [tilespmem:s20+$0xFFFFFF70]  }
0x312: {  	v7 =	vld [tilespmem:s8+$0x140];
	[tilespmem:s9+$0xFFFFFD70] =	vst v2;
	v1 =	vadd.f32 v1, v59  }
0x313: {  	v14 =	vld [tilespmem:s20+$0xFFFFFD80]  }
0x314: {  	[tilespmem:s9+$0xFFFFFDF0] =	vst v1;
	v1 =	vadd.f32 v4, v6;
	v4 =	vld [tilespmem:s8+$0xFFFFFF50]  }
0x315: {  	v2 =	vadd.f32 v49, v8;
	v6 =	vld [tilespmem:s20+$0xFFFFFE00]  }
0x316: {  	[tilespmem:s9+$0xFFFFFE70] =	vst v1;
	v1 =	vadd.f32 v0, v5;
	v5 =	vld [tilespmem:s8+$0xFFFFFFD0]  }
0x317: {  	[tilespmem:s9+$0x0] =	vst v2;
	v7 =	vadd.f32 v7, v60;
	v0 =	vld [tilespmem:s20+$0xFFFFFE80]  }
0x318: {  	v3 =	vadd.f32 v3, v61;
	v2 =	vld [tilespmem:s8+$0x50];
	[tilespmem:s9+$0xFFFFFEF0] =	vst v1  }
0x319: {  	[tilespmem:s9+$0xFFFFFF70] =	vst v7;
	v7 =	vadd.f32 v63, v62;
	v1 =	vld [tilespmem:s20+$0xFFFFFF00]  }
0x31a: {  	[tilespmem:s9+$0xFFFFFC80] =	vst v3;
	v8 =	vadd.f32 v4, v14;
	v4 =	vld [tilespmem:s8+$0xD0]  }
0x31b: {  	v3 =	vld [tilespmem:s20+$0xFFFFFF80];
	[tilespmem:s9+$0xFFFFFD00] =	vst v7;
	v6 =	vadd.f32 v5, v6  }
0x31c: {  	s21 =	simm.s32 $0x47D0;
	s20 =	simm.s32 $0x0;
	[tilespmem:s9+$0xFFFFFD80] =	vst v8;
	v5 =	vld [tilespmem:s8+$0x150]  }
.LBB2_21:
0x31d: {  	v7 =	vld [tilespmem:s21+$0xFFFFFFB0];
	[tilespmem:s9+$0xFFFFFE00] =	vst v6;
	v0 =	vadd.f32 v2, v0;
	s8 =	sadd.s32 $0x400, s8  }
0x31e: {  	v2 =	vld [tilespmem:s8+$0x180]  }
0x31f: {  	v6 =	vld [tilespmem:s8+$0xFFFFFE00];
	[tilespmem:s9+$0xFFFFFE80] =	vst v0;
	v0 =	vadd.f32 v4, v1  }
0x320: {  	v1 =	vld [tilespmem:s21+$0xFFFFFCB0]  }
0x321: {  	v4 =	vld [tilespmem:s8+$0xFFFFFE80];
	[tilespmem:s9+$0xFFFFFF00] =	vst v0;
	v0 =	vadd.f32 v5, v3  }
0x322: {  	v3 =	vld [tilespmem:s21+$0xFFFFFD30]  }
0x323: {  	s20 =	sadd.s32 $0x8, s20;
	v5 =	vld [tilespmem:s8+$0xFFFFFF00];
	v2 =	vadd.f32 v2, v7;
	[tilespmem:s9+$0xFFFFFF80] =	vst v0  }
0x324: {  	p0 =	slt.u32 s20, $0x18;
	s9 =	sadd.s32 $0x400, s9;
	v0 =	vld [tilespmem:s21+$0xFFFFFDB0]  }
0x325: {  	v7 =	vld [tilespmem:s8+$0xFFFFFF80];
	[tilespmem:s9+$0xFFFFFFB0] =	vst v2  }
0x326: {  	v1 =	vadd.f32 v4, v1;
	v2 =	vld [tilespmem:s21+$0xFFFFFFC0]  }
0x327: {  	v4 =	vld [tilespmem:s8+$0x190]  }
0x328: {  	[tilespmem:s9+$0xFFFFFCB0] =	vst v1;
	v1 =	vadd.f32 v5, v3;
	v3 =	vld [tilespmem:s21+$0xFFFFFE30]  }
0x329: {  	v5 =	vld [tilespmem:s8+$0x0]  }
0x32a: {  	[tilespmem:s9+$0xFFFFFD30] =	vst v1;
	v0 =	vadd.f32 v7, v0;
	v1 =	vld [tilespmem:s21+$0xFFFFFEB0]  }
0x32b: {  	v7 =	vld [tilespmem:s8+$0x80]  }
0x32c: {  	[tilespmem:s9+$0xFFFFFDB0] =	vst v0;
	v0 =	vld [tilespmem:s21+$0xFFFFFF30];
	v2 =	vadd.f32 v4, v2  }
0x32d: {  	v4 =	vld [tilespmem:s8+$0x100]  }
0x32e: {  	v8 =	vld [tilespmem:s21+$0xFFFFFC30];
	v3 =	vadd.f32 v5, v3;
	[tilespmem:s9+$0xFFFFFFC0] =	vst v2  }
0x32f: {  	v2 =	vld [tilespmem:s21+$0xFFFFFFD0]  }
0x330: {  	[tilespmem:s9+$0xFFFFFE30] =	vst v3;
	v1 =	vadd.f32 v7, v1;
	v3 =	vld [tilespmem:s8+$0x1A0]  }
0x331: {  	v5 =	vld [tilespmem:s21+$0xFFFFFCC0]  }
0x332: {  	v7 =	vld [tilespmem:s8+$0xFFFFFE90];
	[tilespmem:s9+$0xFFFFFEB0] =	vst v1;
	v0 =	vadd.f32 v4, v0  }
0x333: {  	v1 =	vadd.f32 v6, v8;
	v4 =	vld [tilespmem:s21+$0xFFFFFD40]  }
0x334: {  	v6 =	vld [tilespmem:s8+$0xFFFFFF10];
	[tilespmem:s9+$0xFFFFFF30] =	vst v0  }
0x335: {  	[tilespmem:s9+$0xFFFFFC30] =	vst v1;
	v0 =	vld [tilespmem:s21+$0xFFFFFDC0];
	v1 =	vadd.f32 v3, v2  }
0x336: {  	v2 =	vld [tilespmem:s21+$0xFFFFFC40]  }
0x337: {  	v3 =	vld [tilespmem:s8+$0xFFFFFE10];
	v5 =	vadd.f32 v7, v5;
	[tilespmem:s9+$0xFFFFFFD0] =	vst v1  }
0x338: {  	v1 =	vld [tilespmem:s21+$0xFFFFFFE0]  }
0x339: {  	[tilespmem:s9+$0xFFFFFCC0] =	vst v5;
	v4 =	vadd.f32 v6, v4;
	v5 =	vld [tilespmem:s8+$0x1B0]  }
0x33a: {  	v6 =	vld [tilespmem:s8+$0xFFFFFF90]  }
0x33b: {  	[tilespmem:s9+$0xFFFFFD40] =	vst v4;
	v4 =	vld [tilespmem:s21+$0xFFFFFE40]  }
0x33c: {  	v2 =	vadd.f32 v3, v2;
	v3 =	vld [tilespmem:s8+$0x10]  }
0x33d: {  	v7 =	vld [tilespmem:s21+$0xFFFFFEC0]  }
0x33e: {  	[tilespmem:s9+$0xFFFFFC40] =	vst v2;
	v2 =	vld [tilespmem:s8+$0x90];
	v1 =	vadd.f32 v5, v1  }
0x33f: {  	v0 =	vadd.f32 v6, v0;
	v5 =	vld [tilespmem:s21+$0xFFFFFF40]  }
0x340: {  	v6 =	vld [tilespmem:s8+$0x110];
	[tilespmem:s9+$0xFFFFFFE0] =	vst v1  }
0x341: {  	[tilespmem:s9+$0xFFFFFDC0] =	vst v0;
	v0 =	vadd.f32 v3, v4;
	v1 =	vld [tilespmem:s21+$0xFFFFFFF0]  }
0x342: {  	v3 =	vld [tilespmem:s8+$0x1C0]  }
0x343: {  	v4 =	vld [tilespmem:s21+$0xFFFFFC50];
	[tilespmem:s9+$0xFFFFFE40] =	vst v0;
	v0 =	vadd.f32 v2, v7  }
0x344: {  	v2 =	vld [tilespmem:s8+$0xFFFFFE20]  }
0x345: {  	v7 =	vld [tilespmem:s21+$0xFFFFFCD0];
	[tilespmem:s9+$0xFFFFFEC0] =	vst v0;
	v0 =	vadd.f32 v6, v5  }
0x346: {  	v5 =	vld [tilespmem:s8+$0xFFFFFEA0]  }
0x347: {  	v6 =	vld [tilespmem:s21+$0xFFFFFD50];
	[tilespmem:s9+$0xFFFFFF40] =	vst v0;
	v0 =	vadd.f32 v3, v1  }
0x348: {  	v1 =	vld [tilespmem:s8+$0xFFFFFF20]  }
0x349: {  	v2 =	vadd.f32 v2, v4;
	v3 =	vld [tilespmem:s21+$0xFFFFFDD0];
	[tilespmem:s9+$0xFFFFFFF0] =	vst v0  }
0x34a: {  	v0 =	vld [tilespmem:s21+$0x0]  }
0x34b: {  	[tilespmem:s9+$0xFFFFFC50] =	vst v2;
	v2 =	vadd.f32 v5, v7;
	v4 =	vld [tilespmem:s8+$0x1D0]  }
0x34c: {  	v5 =	vld [tilespmem:s8+$0xFFFFFFA0]  }
0x34d: {  	[tilespmem:s9+$0xFFFFFCD0] =	vst v2;
	v1 =	vadd.f32 v1, v6;
	v2 =	vld [tilespmem:s21+$0xFFFFFE50]  }
0x34e: {  	v6 =	vld [tilespmem:s8+$0x20]  }
0x34f: {  	[tilespmem:s9+$0xFFFFFD50] =	vst v1;
	v1 =	vld [tilespmem:s21+$0xFFFFFED0]  }
0x350: {  	v7 =	vld [tilespmem:s8+$0xA0];
	v0 =	vadd.f32 v4, v0  }
0x351: {  	v3 =	vadd.f32 v5, v3;
	v4 =	vld [tilespmem:s21+$0xFFFFFF50]  }
0x352: {  	v5 =	vld [tilespmem:s8+$0x120];
	[tilespmem:s9+$0x0] =	vst v0  }
0x353: {  	v0 =	vld [tilespmem:s21+$0xFFFFFC60];
	[tilespmem:s9+$0xFFFFFDD0] =	vst v3;
	v2 =	vadd.f32 v6, v2  }
0x354: {  	v3 =	vld [tilespmem:s8+$0xFFFFFE30]  }
0x355: {  	v6 =	vld [tilespmem:s21+$0xFFFFFCE0];
	[tilespmem:s9+$0xFFFFFE50] =	vst v2;
	v1 =	vadd.f32 v7, v1  }
0x356: {  	v2 =	vld [tilespmem:s8+$0xFFFFFEB0]  }
0x357: {  	v7 =	vld [tilespmem:s21+$0xFFFFFD60];
	[tilespmem:s9+$0xFFFFFED0] =	vst v1;
	v1 =	vadd.f32 v5, v4  }
0x358: {  	v4 =	vld [tilespmem:s8+$0xFFFFFF30]  }
0x359: {  	v0 =	vadd.f32 v3, v0;
	v3 =	vld [tilespmem:s21+$0xFFFFFDE0];
	[tilespmem:s9+$0xFFFFFF50] =	vst v1  }
0x35a: {  	v1 =	vld [tilespmem:s8+$0xFFFFFFB0]  }
0x35b: {  	[tilespmem:s9+$0xFFFFFC60] =	vst v0;
	v0 =	vadd.f32 v2, v6;
	v2 =	vld [tilespmem:s21+$0xFFFFFE60]  }
0x35c: {  	v5 =	vld [tilespmem:s8+$0x30]  }
0x35d: {  	[tilespmem:s9+$0xFFFFFCE0] =	vst v0;
	v0 =	vadd.f32 v4, v7;
	v4 =	vld [tilespmem:s21+$0xFFFFFEE0]  }
0x35e: {  	v6 =	vld [tilespmem:s8+$0xB0]  }
0x35f: {  	[tilespmem:s9+$0xFFFFFD60] =	vst v0;
	v0 =	vadd.f32 v1, v3;
	v1 =	vld [tilespmem:s21+$0xFFFFFF60]  }
0x360: {  	v3 =	vld [tilespmem:s8+$0x130]  }
0x361: {  	v7 =	vld [tilespmem:s21+$0xFFFFFC70];
	[tilespmem:s9+$0xFFFFFDE0] =	vst v0;
	v0 =	vadd.f32 v5, v2  }
0x362: {  	v2 =	vld [tilespmem:s8+$0xFFFFFE40]  }
0x363: {  	v5 =	vld [tilespmem:s21+$0xFFFFFCF0];
	[tilespmem:s9+$0xFFFFFE60] =	vst v0;
	v0 =	vadd.f32 v6, v4  }
0x364: {  	v4 =	vld [tilespmem:s8+$0xFFFFFEC0]  }
0x365: {  	v6 =	vld [tilespmem:s21+$0xFFFFFD70];
	[tilespmem:s9+$0xFFFFFEE0] =	vst v0;
	v0 =	vadd.f32 v3, v1  }
0x366: {  	v1 =	vld [tilespmem:s8+$0xFFFFFF40]  }
0x367: {  	v2 =	vadd.f32 v2, v7;
	v3 =	vld [tilespmem:s21+$0xFFFFFDF0];
	[tilespmem:s9+$0xFFFFFF60] =	vst v0  }
0x368: {  	v0 =	vld [tilespmem:s8+$0xFFFFFFC0]  }
0x369: {  	[tilespmem:s9+$0xFFFFFC70] =	vst v2;
	v2 =	vadd.f32 v4, v5;
	v4 =	vld [tilespmem:s21+$0xFFFFFE70]  }
0x36a: {  	v5 =	vld [tilespmem:s8+$0x40]  }
0x36b: {  	[tilespmem:s9+$0xFFFFFCF0] =	vst v2;
	v1 =	vadd.f32 v1, v6;
	v2 =	vld [tilespmem:s21+$0xFFFFFEF0]  }
0x36c: {  	v6 =	vld [tilespmem:s8+$0xC0]  }
0x36d: {  	[tilespmem:s9+$0xFFFFFD70] =	vst v1;
	v0 =	vadd.f32 v0, v3;
	v1 =	vld [tilespmem:s21+$0xFFFFFF70]  }
0x36e: {  	v3 =	vld [tilespmem:s8+$0x140]  }
0x36f: {  	v7 =	vld [tilespmem:s21+$0xFFFFFC80];
	[tilespmem:s9+$0xFFFFFDF0] =	vst v0;
	v0 =	vadd.f32 v5, v4  }
0x370: {  	v4 =	vld [tilespmem:s8+$0xFFFFFE50]  }
0x371: {  	v5 =	vld [tilespmem:s21+$0xFFFFFD00];
	[tilespmem:s9+$0xFFFFFE70] =	vst v0;
	v0 =	vadd.f32 v6, v2  }
0x372: {  	v2 =	vld [tilespmem:s8+$0xFFFFFED0]  }
0x373: {  	v6 =	vld [tilespmem:s21+$0xFFFFFD80];
	[tilespmem:s9+$0xFFFFFEF0] =	vst v0;
	v0 =	vadd.f32 v3, v1  }
0x374: {  	v1 =	vld [tilespmem:s8+$0xFFFFFF50]  }
0x375: {  	v3 =	vadd.f32 v4, v7;
	v7 =	vld [tilespmem:s21+$0xFFFFFE00];
	[tilespmem:s9+$0xFFFFFF70] =	vst v0  }
0x376: {  	v8 =	vld [tilespmem:s8+$0xFFFFFFD0]  }
0x377: {  	[tilespmem:s9+$0xFFFFFC80] =	vst v3;
	v3 =	vadd.f32 v2, v5;
	v0 =	vld [tilespmem:s21+$0xFFFFFE80]  }
.Ltmp14:
0x378: {  	v2 =	vld [tilespmem:s8+$0x50];
	(pc) =	sbr.rel @p0 .LBB2_21-.Ltmp14, $4  }
0x379: {  	[tilespmem:s9+$0xFFFFFD00] =	vst v3;
	v3 =	vadd.f32 v1, v6;
	v1 =	vld [tilespmem:s21+$0xFFFFFF00]  }
0x37a: {  	v4 =	vld [tilespmem:s8+$0xD0]  }
0x37b: {  	[tilespmem:s9+$0xFFFFFD80] =	vst v3;
	v6 =	vadd.f32 v8, v7;
	v3 =	vld [tilespmem:s21+$0xFFFFFF80]  }
0x37c: {  	s21 =	sadd.s32 $0x400, s21;
	v5 =	vld [tilespmem:s8+$0x150]  }
0x37d: {  	_ =	sdelay $0x1  }
0x37e: {  	v0 =	vadd.f32 v2, v0;
	p0 =	seq.s32 s10, $0xB  }
.Ltmp15:
0x37f: {  	[tilespmem:s9+$0xFFFFFE00] =	vst v6;
	v1 =	vadd.f32 v4, v1;
	(pc) =	sbr.rel @p0 .LBB2_24-.Ltmp15, $4  }
0x380: {  	[tilespmem:s9+$0xFFFFFE80] =	vst v0;
	v63 =	vadd.f32 v5, v3  }
0x381: {  	[tilespmem:s9+$0xFFFFFF00] =	vst v1  }
0x382: {  	s8 =	sadd.s32 s19, s17;
	[tilespmem:s9+$0xFFFFFF80] =	vst v63  }
0x383: {  	[hbm4b:s8+s2] =	stream.linear.scatter [tilespmem:s7], [sflag:$0x8], $0x1000, $0x38;
	[tilespmem:$0x9000] =	vst v63  }
.Ltmp16:
0x384: {  	(pc) =	sbr.rel .LBB2_2-.Ltmp16, $4  }
0x385: {  	s8 =	sadd.s32 s14, s18  }
0x386: {  	s8 =	sshrl.u32 s8, $0x3  }
0x387: {  	s10 =	sadd.s32 $0x1, s10;
	s8 =	sadd.s32 s3, s8  }
0x388: {  	[tilespmem:s23], [sflag:$0x4] =	stream.linear.gather [hbm4b:s8+s2], $0x1000, $0x38;
	[tilespmem:$0x9000] =	vst v63  }
.LBB2_25:
0x389: {  	_ =	sfence.sel $0x180000  }
0x38a: {  	[bflag:$0x0] =	sbarrier.arrive $0xFFFF  }
0x38b: {  	_ =	strace $0x90000047  }
0x38c: {  	s0 =	stileid.u32;
	[bflag:$0x2] =	sbarrier.arrive $0xFFFF  }
0x38d: {  	p0 =	sne.s32 s0, $0x0;
	s0 =	rddreg [dreg:$0x1]  }
0x38e: {  	s0 =	sadd.s32 @!p0 $0x100000, s0  }
0x38f: {  	[sflag:s0] =	ssyncadd.tile.s32 @!p0 $0x1;
	_ =	shalt  }
.Lfunc_end2:
_tile_overlayer_lowered:
.L_overlay_start_2:
0x390: {  	(tag) =	ssettag $0x2  }
0x391: {  	s0 =	rddreg [dreg:$0x0];
	s2 =	stileid.u32  }
0x392: {  	s1 =	rddreg [dreg:$0x1];
	p0 =	sne.s32 s2, $0x0  }
0x393: {  	s3 =	rddreg [dreg:$0x2];
	[bflag:$0x3] =	sbarrier.arrive $0xFFFF;
	s2 =	simm.s32 @!p0 $0x1C09  }
0x394: {  	[timem:s3], [sflag:s2] =	dma.local @!p0 [hbm:s0], s1  }
0x395: {  	s0 =	simm.s32 @!p0 $0x9  }
0x396: {  	_ =	swait.ge @!p0 [sflag:s0], s1  }
0x397: {  	s1 =	ssub.s32 @!p0 $0x0, s1;
	[sflag:s0] =	ssyncset.done @!p0 $0x0  }
0x398: {  	[sflag:s0] =	ssyncadd.s32 @!p0 s1  }
0x399: {  	[bflag:$0x3] =	sbarrier.arrive $0xFFFF  }
0x39a: {  	_ =	shalt  }

</sc_bundles>
